<compile_context>
chip_gen: v7x
topology: tpu7x:2x2x1
jax: 0.10.2.dev20260603
libtpu: 0.0.44.dev20260713+nightly
codegen_flags: <defaults>
</compile_context>

<pallas_src>
import functools

import jax
import jax.numpy as jnp
from jax import lax
from jax.experimental import pallas as pl
from jax.experimental.pallas import tpu as pltpu
from jax.experimental.pallas import tpu_sc as plsc

N_NODES = 10000
D = 128
E = 320000
NUM_GROUPS = 4
BN_EPS = 1e-5

NC = 2
NS = 16
NW = NC * NS

CHUNK = 80
NBUF = 4
WCHUNKS = 8
NPAIR = 8
CHUNKS_PER_TILE = 2 * WCHUNKS * NPAIR
EDGES_PER_TILE = CHUNK * CHUNKS_PER_TILE
E_PAD = EDGES_PER_TILE * NW
AGG_ROWS = 10112
ROWS_PER_TILE = AGG_ROWS // NS

_mesh = plsc.VectorSubcoreMesh(core_axis_name="c", subcore_axis_name="s")


@functools.partial(
    pl.kernel,
    out_type=jax.ShapeDtypeStruct((NC, AGG_ROWS, D), jnp.float32),
    mesh=_mesh,
    scratch_types=[
        pltpu.VMEM((2, 2, WCHUNKS, CHUNK), jnp.int32),
        pltpu.VMEM((NBUF, CHUNK, D), jnp.float32),
        pltpu.VMEM_SHARED((AGG_ROWS, D), jnp.float32),
        pltpu.SemaphoreType.DMA,
        pltpu.SemaphoreType.DMA,
        pltpu.SemaphoreType.DMA,
        pltpu.SemaphoreType.DMA,
        pltpu.SemaphoreType.DMA,
    ],
)
def _sc_agg(data_hbm, zeros_hbm, src_hbm, dst_hbm, out_hbm,
            idx_w, rows_v, agg_sh, sem0, sem1, sem2, sem3, sem_i):
    cid = lax.axis_index("c")
    sid = lax.axis_index("s")
    wid = sid * NC + cid
    r0 = sid * ROWS_PER_TILE
    sems = (sem0, sem1, sem2, sem3)

    pltpu.sync_copy(zeros_hbm, agg_sh.at[pl.ds(r0, ROWS_PER_TILE)])

    def _load_window(w, half, sync):
        pltpu.async_copy(src_hbm.at[wid, w], idx_w.at[half, 0], sem_i)
        cp = pltpu.async_copy(dst_hbm.at[wid, w], idx_w.at[half, 1], sem_i)
        if sync:
            _wait_window()

    def _wait_window():
        pltpu.make_async_copy(src_hbm.at[0, 0], idx_w.at[0, 0], sem_i).wait()
        pltpu.make_async_copy(dst_hbm.at[0, 0], idx_w.at[0, 1], sem_i).wait()

    def _gather(half, pos, b):
        pltpu.async_copy(data_hbm.at[idx_w.at[half, 0, pos]],
                         rows_v.at[b], sems[b])

    def _wait_gather(b):
        pltpu.make_async_copy(data_hbm.at[pl.ds(0, CHUNK)], rows_v.at[b],
                              sems[b]).wait()

    def _scatter(half, pos, b):
        pltpu.sync_copy(rows_v.at[b], agg_sh.at[idx_w.at[half, 1, pos]],
                        add=True)

    _load_window(0, 0, True)
    plsc.subcore_barrier()
    _load_window(1, 1, False)
    for jj in range(NBUF):
        _gather(0, jj, jj)

    def body(p, carry):
        not_last = p < NPAIR - 1
        for jj in range(16):
            half, pos, b = (jj // 8) % 2, jj % 8, jj % NBUF
            nhalf, npos = ((jj + 4) // 8) % 2, (jj + 4) % 8
            if jj == 4:
                _wait_window()
            if jj == 12:

                @pl.when(not_last)
                def _():
                    _wait_window()

            if jj < 12:
                _wait_gather(b)
                _scatter(half, pos, b)
                _gather(nhalf, npos, b)
            else:
                @pl.when(not_last)
                def _():
                    _wait_gather(b)
                    _scatter(half, pos, b)
                    _gather(nhalf, npos, b)

            if jj == 7:

                @pl.when(not_last)
                def _():
                    _load_window(2 * p + 2, 0, False)

            if jj == 15:

                @pl.when(not_last)
                def _():
                    _load_window(2 * p + 3, 1, False)
        return carry

    lax.fori_loop(0, NPAIR, body, 0)

    for jj in range(12, 16):
        b = jj % NBUF
        _wait_gather(b)
        _scatter(1, jj % 8, b)

    plsc.subcore_barrier()
    pltpu.sync_copy(agg_sh.at[pl.ds(r0, ROWS_PER_TILE)],
                    out_hbm.at[cid, pl.ds(r0, ROWS_PER_TILE)])


def _tc_body(data_ref, p0_ref, p1_ref, wr_ref, wn_ref, b_ref, gam_ref,
             bet_ref, g_ref, gt_ref, out_ref):
    x = data_ref[...]
    agg = p0_ref[...] + p1_ref[...]
    acc = jnp.dot(x, wr_ref[...], preferred_element_type=jnp.float32)
    acc = acc + jnp.dot(agg, wn_ref[...], preferred_element_type=jnp.float32)
    acc = acc + b_ref[...]
    g_mat = g_ref[...]
    gt_mat = gt_ref[...]
    m = jnp.dot(jnp.dot(acc, g_mat, preferred_element_type=jnp.float32),
                gt_mat, preferred_element_type=jnp.float32)
    e2 = jnp.dot(jnp.dot(acc * acc, g_mat, preferred_element_type=jnp.float32),
                 gt_mat, preferred_element_type=jnp.float32)
    var = e2 - m * m
    inv = lax.rsqrt(var + BN_EPS)
    out_ref[...] = (acc - m) * inv * gam_ref[...] + bet_ref[...]


def kernel(data, edge_index, depth, W_root, W_neigh, b, gamma, beta):
    del depth
    src = edge_index[0].astype(jnp.int32)
    dst = edge_index[1].astype(jnp.int32)
    pad = E_PAD - E
    pad_ar = jnp.arange(pad, dtype=jnp.int32)
    src_p = jnp.concatenate([src, pad_ar % N_NODES])
    src_p = src_p.reshape(NW, 2 * NPAIR, WCHUNKS, CHUNK)
    dst_p = jnp.concatenate([dst, N_NODES + pad_ar % (AGG_ROWS - N_NODES)])
    dst_p = dst_p.reshape(NW, 2 * NPAIR, WCHUNKS, CHUNK)
    zeros = jnp.zeros((ROWS_PER_TILE, D), jnp.float32)

    partials = _sc_agg(data, zeros, src_p, dst_p)

    gsz = D // NUM_GROUPS
    ch = jnp.arange(D, dtype=jnp.int32) // gsz
    gr = jnp.arange(8, dtype=jnp.int32)
    g_mat = (ch[:, None] == gr[None, :]).astype(jnp.float32) / gsz
    gt_mat = (gr[:, None] == ch[None, :]).astype(jnp.float32)

    blk = 1000
    grid = (N_NODES // blk,)
    row_spec = pl.BlockSpec((blk, D), lambda i: (i, 0))
    full = lambda r, c: pl.BlockSpec((r, c), lambda i: (0, 0))
    out = pl.pallas_call(
        _tc_body,
        grid=grid,
        in_specs=[
            row_spec,
            row_spec,
            row_spec,
            full(D, D),
            full(D, D),
            full(1, D),
            full(1, D),
            full(1, D),
            full(D, 8),
            full(8, D),
        ],
        out_specs=row_spec,
        out_shape=jax.ShapeDtypeStruct((N_NODES, D), jnp.float32),
    )(data, partials[0], partials[1], W_root, W_neigh,
      b.reshape(1, D), gamma.reshape(1, D), beta.reshape(1, D), g_mat, gt_mat)
    return out

# --- scband reference (transcript-rebuilt; emitter-appended) ---
"""Pipeline reference for scband-graph-conv-bn-45655502356535 (READ-ONLY COPY).

The authoritative reference and input builder live on the scoring server;
editing this copy changes nothing except your own understanding.
"""

import jax, jax.numpy as jnp
import numpy as np

N_NODES = 10000
N_EDGES = 320000
D_IN = 128
D_OUT = 128
NUM_GROUPS = 4
BN_EPS = 1e-5

def setup_inputs(seed: int = 0) -> dict:
    key = jax.random.key(seed)
    k1, k2, k3, k4, k5 = jax.random.split(key, 5)
    data = jax.random.normal(k1, (N_NODES, D_IN), dtype=jnp.float32)
    edge_index = jax.random.randint(k2, (2, N_EDGES), 0, N_NODES, dtype=jnp.int64)
    depth = 2
    # GraphConv params (PyG-style GraphConv: W_root * x + W_neigh * aggr(x_j) + b)
    scale = 1.0 / np.sqrt(D_IN)
    W_root = jax.random.uniform(k3, (D_IN, D_OUT), dtype=jnp.float32, minval=-scale, maxval=scale)
    W_neigh = jax.random.uniform(k4, (D_IN, D_OUT), dtype=jnp.float32, minval=-scale, maxval=scale)
    b = jax.random.uniform(k5, (D_OUT,), dtype=jnp.float32, minval=-scale, maxval=scale)
    # GroupNorm affine params
    gamma = jnp.ones((D_OUT,), dtype=jnp.float32)
    beta = jnp.zeros((D_OUT,), dtype=jnp.float32)
    return {"data": data, "edge_index": edge_index, "depth": depth,
            "W_root": W_root, "W_neigh": W_neigh, "b": b,
            "gamma": gamma, "beta": beta}

def reference(data, edge_index, depth, W_root, W_neigh, b, gamma, beta):
    # GraphConv: out_i = x_i @ W_root + (sum_{j in N(i)} x_j) @ W_neigh + b
    src = edge_index[0]
    dst = edge_index[1]
    msgs = jnp.take(data, src, axis=0)                      # gather source features
    agg = jnp.zeros_like(data).at[dst].add(msgs)            # scatter-add to destinations
    out = data @ W_root + agg @ W_neigh + b
    # GroupNorm(num_groups=4, num_channels=D_OUT, eps=BN_EPS) over channel groups per node
    N, C = out.shape
    g = out.reshape(N, NUM_GROUPS, C // NUM_GROUPS)
    mean = jnp.mean(g, axis=2, keepdims=True)
    var = jnp.mean((g - mean) ** 2, axis=2, keepdims=True)
    g = (g - mean) / jnp.sqrt(var + BN_EPS)
    out = g.reshape(N, C) * gamma + beta
    return out

if __name__ == "__main__":
    import jax
    _d = setup_inputs()
    print(jax.jit(kernel)(*tuple(_d.values())))

</pallas_src>

<mosaic_0001>
#map = affine_map<(d0, d1) -> (0, 0)>
#map1 = affine_map<(d0, d1) -> (0, 0, 0, 0)>
#map2 = affine_map<(d0, d1) -> (0, 0, 0)>
module attributes {stable_mosaic.version = 14 : i64} {
  func.func @_sc_agg(%arg0: i32, %arg1: i32, %arg2: memref<10000x128xf32, #tpu.memory_space<hbm>>, %arg3: memref<632x128xf32, #tpu.memory_space<hbm>>, %arg4: memref<32x16x8x80xi32, #tpu.memory_space<hbm>>, %arg5: memref<32x16x8x80xi32, #tpu.memory_space<hbm>>, %arg6: memref<2x10112x128xf32, #tpu.memory_space<hbm>>, %arg7: memref<2x2x8x80xi32, #tpu.memory_space<vmem>>, %arg8: memref<4x80x128xf32, #tpu.memory_space<vmem>>, %arg9: memref<10112x128xf32, #tpu.memory_space<vmem_shared>>, %arg10: memref<!tpu.dma_semaphore, #tpu.memory_space<semaphore_mem>>, %arg11: memref<!tpu.dma_semaphore, #tpu.memory_space<semaphore_mem>>, %arg12: memref<!tpu.dma_semaphore, #tpu.memory_space<semaphore_mem>>, %arg13: memref<!tpu.dma_semaphore, #tpu.memory_space<semaphore_mem>>, %arg14: memref<!tpu.dma_semaphore, #tpu.memory_space<semaphore_mem>>) attributes {dimension_semantics = [#tpu.dimension_semantics<core_parallel>, #tpu.dimension_semantics<subcore_parallel>], iteration_bounds = array<i64: 2, 16>, scalar_prefetch = 0 : i64, scratch_operands = 8 : i64, tpu.core_type = #tpu.core_type<sc_vector_subcore>, window_params = [{transform_indices = #map}, {transform_indices = #map}, {transform_indices = #map1}, {transform_indices = #map1}, {transform_indices = #map2}]} {
    %mul3A = arith.constant 2 : i32
    %mul3A_0 = arith.muli %arg1, %mul3A : i32
    %add3A = arith.addi %mul3A_0, %arg0 : i32
    %mul3A_1 = arith.constant 632 : i32
    %mul3A_2 = arith.muli %arg1, %mul3A_1 : i32
    "tpu.region"() ({
      %run_scoped3A_254 = tpu.sem_alloc : memref<!tpu.dma_semaphore, #tpu.memory_space<semaphore_mem>>
      %dma_start3A_255 = arith.constant 0 : i32
      %dma_start3A_256 = tpu.memref_slice %arg9[%mul3A_2, %dma_start3A_255] : memref<10112x128xf32, #tpu.memory_space<vmem_shared>> -> memref<632x128xf32, #tpu.memory_space<vmem_shared>>
      tpu.enqueue_dma source(%arg3 : memref<632x128xf32, #tpu.memory_space<hbm>>) target(%dma_start3A_256 : memref<632x128xf32, #tpu.memory_space<vmem_shared>>) target_semaphore(%run_scoped3A_254 : memref<!tpu.dma_semaphore, #tpu.memory_space<semaphore_mem>>)
      %dma_wait3A_257 = arith.constant 0 : i32
      %dma_wait3A_258 = tpu.memref_slice %arg9[%mul3A_2, %dma_wait3A_257] : memref<10112x128xf32, #tpu.memory_space<vmem_shared>> -> memref<632x128xf32, #tpu.memory_space<vmem_shared>>
      tpu.wait_dma2 semaphore(%run_scoped3A_254 : memref<!tpu.dma_semaphore, #tpu.memory_space<semaphore_mem>>) src(%arg3 : memref<632x128xf32, #tpu.memory_space<hbm>>) dst(%dma_wait3A_258 : memref<632x128xf32, #tpu.memory_space<vmem_shared>>)
      tpu.yield
    }) : () -> ()
    %dma_start3A = arith.constant 0 : i32
    %dma_start3A_3 = arith.constant 0 : i32
    %dma_start3A_4 = arith.constant 0 : i32
    %dma_start3A_5 = arith.constant 0 : i32
    %dma_start3A_6 = arith.constant 0 : i32
    %dma_start3A_7 = tpu.memref_slice %arg7[%dma_start3A_3, %dma_start3A_4, %dma_start3A_5, %dma_start3A_6] : memref<2x2x8x80xi32, #tpu.memory_space<vmem>> -> memref<1x1x8x80xi32, #tpu.memory_space<vmem>>
    %dma_start3A_8 = tpu.memref_squeeze %dma_start3A_7 : memref<1x1x8x80xi32, #tpu.memory_space<vmem>> -> memref<8x80xi32, #tpu.memory_space<vmem>>
    %dma_start3A_9 = arith.constant 0 : i32
    %dma_start3A_10 = arith.constant 0 : i32
    %dma_start3A_11 = tpu.memref_slice %arg4[%add3A, %dma_start3A, %dma_start3A_9, %dma_start3A_10] : memref<32x16x8x80xi32, #tpu.memory_space<hbm>> -> memref<1x1x8x80xi32, #tpu.memory_space<hbm>>
    %dma_start3A_12 = tpu.memref_squeeze %dma_start3A_11 : memref<1x1x8x80xi32, #tpu.memory_space<hbm>> -> memref<8x80xi32, #tpu.memory_space<hbm>>
    %dma_start3A_13 = arith.constant 0 : i32
    %dma_start3A_14 = arith.constant 0 : i32
    %dma_start3A_15 = tpu.memref_slice %arg7[%dma_start3A_3, %dma_start3A_4, %dma_start3A_13, %dma_start3A_14] : memref<2x2x8x80xi32, #tpu.memory_space<vmem>> -> memref<1x1x8x80xi32, #tpu.memory_space<vmem>>
    %dma_start3A_16 = tpu.memref_squeeze %dma_start3A_15 : memref<1x1x8x80xi32, #tpu.memory_space<vmem>> -> memref<8x80xi32, #tpu.memory_space<vmem>>
    %dma_start3A_17 = arith.constant 0 : i32
    %dma_start3A_18 = arith.constant 0 : i32
    %dma_start3A_19 = tpu.memref_slice %arg4[%add3A, %dma_start3A, %dma_start3A_17, %dma_start3A_18] : memref<32x16x8x80xi32, #tpu.memory_space<hbm>> -> memref<1x1x8x80xi32, #tpu.memory_space<hbm>>
    %dma_start3A_20 = tpu.memref_squeeze %dma_start3A_19 : memref<1x1x8x80xi32, #tpu.memory_space<hbm>> -> memref<8x80xi32, #tpu.memory_space<hbm>>
    tpu.enqueue_dma source(%dma_start3A_20 : memref<8x80xi32, #tpu.memory_space<hbm>>) target(%dma_start3A_16 : memref<8x80xi32, #tpu.memory_space<vmem>>) target_semaphore(%arg14 : memref<!tpu.dma_semaphore, #tpu.memory_space<semaphore_mem>>)
    %dma_start3A_21 = arith.constant 0 : i32
    %dma_start3A_22 = arith.constant 0 : i32
    %dma_start3A_23 = arith.constant 1 : i32
    %dma_start3A_24 = arith.constant 0 : i32
    %dma_start3A_25 = arith.constant 0 : i32
    %dma_start3A_26 = tpu.memref_slice %arg7[%dma_start3A_22, %dma_start3A_23, %dma_start3A_24, %dma_start3A_25] : memref<2x2x8x80xi32, #tpu.memory_space<vmem>> -> memref<1x1x8x80xi32, #tpu.memory_space<vmem>>
    %dma_start3A_27 = tpu.memref_squeeze %dma_start3A_26 : memref<1x1x8x80xi32, #tpu.memory_space<vmem>> -> memref<8x80xi32, #tpu.memory_space<vmem>>
    %dma_start3A_28 = arith.constant 0 : i32
    %dma_start3A_29 = arith.constant 0 : i32
    %dma_start3A_30 = tpu.memref_slice %arg5[%add3A, %dma_start3A_21, %dma_start3A_28, %dma_start3A_29] : memref<32x16x8x80xi32, #tpu.memory_space<hbm>> -> memref<1x1x8x80xi32, #tpu.memory_space<hbm>>
    %dma_start3A_31 = tpu.memref_squeeze %dma_start3A_30 : memref<1x1x8x80xi32, #tpu.memory_space<hbm>> -> memref<8x80xi32, #tpu.memory_space<hbm>>
    %dma_start3A_32 = arith.constant 0 : i32
    %dma_start3A_33 = arith.constant 0 : i32
    %dma_start3A_34 = tpu.memref_slice %arg7[%dma_start3A_22, %dma_start3A_23, %dma_start3A_32, %dma_start3A_33] : memref<2x2x8x80xi32, #tpu.memory_space<vmem>> -> memref<1x1x8x80xi32, #tpu.memory_space<vmem>>
    %dma_start3A_35 = tpu.memref_squeeze %dma_start3A_34 : memref<1x1x8x80xi32, #tpu.memory_space<vmem>> -> memref<8x80xi32, #tpu.memory_space<vmem>>
    %dma_start3A_36 = arith.constant 0 : i32
    %dma_start3A_37 = arith.constant 0 : i32
    %dma_start3A_38 = tpu.memref_slice %arg5[%add3A, %dma_start3A_21, %dma_start3A_36, %dma_start3A_37] : memref<32x16x8x80xi32, #tpu.memory_space<hbm>> -> memref<1x1x8x80xi32, #tpu.memory_space<hbm>>
    %dma_start3A_39 = tpu.memref_squeeze %dma_start3A_38 : memref<1x1x8x80xi32, #tpu.memory_space<hbm>> -> memref<8x80xi32, #tpu.memory_space<hbm>>
    tpu.enqueue_dma source(%dma_start3A_39 : memref<8x80xi32, #tpu.memory_space<hbm>>) target(%dma_start3A_35 : memref<8x80xi32, #tpu.memory_space<vmem>>) target_semaphore(%arg14 : memref<!tpu.dma_semaphore, #tpu.memory_space<semaphore_mem>>)
    %dma_wait3A = arith.constant 0 : i32
    %dma_wait3A_40 = arith.constant 0 : i32
    %dma_wait3A_41 = arith.constant 0 : i32
    %dma_wait3A_42 = arith.constant 0 : i32
    %dma_wait3A_43 = arith.constant 0 : i32
    %dma_wait3A_44 = arith.constant 0 : i32
    %dma_wait3A_45 = tpu.memref_slice %arg7[%dma_wait3A_41, %dma_wait3A_42, %dma_wait3A_43, %dma_wait3A_44] : memref<2x2x8x80xi32, #tpu.memory_space<vmem>> -> memref<1x1x8x80xi32, #tpu.memory_space<vmem>>
    %dma_wait3A_46 = tpu.memref_squeeze %dma_wait3A_45 : memref<1x1x8x80xi32, #tpu.memory_space<vmem>> -> memref<8x80xi32, #tpu.memory_space<vmem>>
    %dma_wait3A_47 = arith.constant 0 : i32
    %dma_wait3A_48 = arith.constant 0 : i32
    %dma_wait3A_49 = tpu.memref_slice %arg4[%dma_wait3A, %dma_wait3A_40, %dma_wait3A_47, %dma_wait3A_48] : memref<32x16x8x80xi32, #tpu.memory_space<hbm>> -> memref<1x1x8x80xi32, #tpu.memory_space<hbm>>
    %dma_wait3A_50 = tpu.memref_squeeze %dma_wait3A_49 : memref<1x1x8x80xi32, #tpu.memory_space<hbm>> -> memref<8x80xi32, #tpu.memory_space<hbm>>
    %dma_wait3A_51 = arith.constant 0 : i32
    %dma_wait3A_52 = arith.constant 0 : i32
    %dma_wait3A_53 = tpu.memref_slice %arg7[%dma_wait3A_41, %dma_wait3A_42, %dma_wait3A_51, %dma_wait3A_52] : memref<2x2x8x80xi32, #tpu.memory_space<vmem>> -> memref<1x1x8x80xi32, #tpu.memory_space<vmem>>
    %dma_wait3A_54 = tpu.memref_squeeze %dma_wait3A_53 : memref<1x1x8x80xi32, #tpu.memory_space<vmem>> -> memref<8x80xi32, #tpu.memory_space<vmem>>
    %dma_wait3A_55 = arith.constant 0 : i32
    %dma_wait3A_56 = arith.constant 0 : i32
    %dma_wait3A_57 = tpu.memref_slice %arg4[%dma_wait3A, %dma_wait3A_40, %dma_wait3A_55, %dma_wait3A_56] : memref<32x16x8x80xi32, #tpu.memory_space<hbm>> -> memref<1x1x8x80xi32, #tpu.memory_space<hbm>>
    %dma_wait3A_58 = tpu.memref_squeeze %dma_wait3A_57 : memref<1x1x8x80xi32, #tpu.memory_space<hbm>> -> memref<8x80xi32, #tpu.memory_space<hbm>>
    tpu.wait_dma2 semaphore(%arg14 : memref<!tpu.dma_semaphore, #tpu.memory_space<semaphore_mem>>) src(%dma_wait3A_58 : memref<8x80xi32, #tpu.memory_space<hbm>>) dst(%dma_wait3A_54 : memref<8x80xi32, #tpu.memory_space<vmem>>)
    %dma_wait3A_59 = arith.constant 0 : i32
    %dma_wait3A_60 = arith.constant 0 : i32
    %dma_wait3A_61 = arith.constant 0 : i32
    %dma_wait3A_62 = arith.constant 1 : i32
    %dma_wait3A_63 = arith.constant 0 : i32
    %dma_wait3A_64 = arith.constant 0 : i32
    %dma_wait3A_65 = tpu.memref_slice %arg7[%dma_wait3A_61, %dma_wait3A_62, %dma_wait3A_63, %dma_wait3A_64] : memref<2x2x8x80xi32, #tpu.memory_space<vmem>> -> memref<1x1x8x80xi32, #tpu.memory_space<vmem>>
    %dma_wait3A_66 = tpu.memref_squeeze %dma_wait3A_65 : memref<1x1x8x80xi32, #tpu.memory_space<vmem>> -> memref<8x80xi32, #tpu.memory_space<vmem>>
    %dma_wait3A_67 = arith.constant 0 : i32
    %dma_wait3A_68 = arith.constant 0 : i32
    %dma_wait3A_69 = tpu.memref_slice %arg5[%dma_wait3A_59, %dma_wait3A_60, %dma_wait3A_67, %dma_wait3A_68] : memref<32x16x8x80xi32, #tpu.memory_space<hbm>> -> memref<1x1x8x80xi32, #tpu.memory_space<hbm>>
    %dma_wait3A_70 = tpu.memref_squeeze %dma_wait3A_69 : memref<1x1x8x80xi32, #tpu.memory_space<hbm>> -> memref<8x80xi32, #tpu.memory_space<hbm>>
    %dma_wait3A_71 = arith.constant 0 : i32
    %dma_wait3A_72 = arith.constant 0 : i32
    %dma_wait3A_73 = tpu.memref_slice %arg7[%dma_wait3A_61, %dma_wait3A_62, %dma_wait3A_71, %dma_wait3A_72] : memref<2x2x8x80xi32, #tpu.memory_space<vmem>> -> memref<1x1x8x80xi32, #tpu.memory_space<vmem>>
    %dma_wait3A_74 = tpu.memref_squeeze %dma_wait3A_73 : memref<1x1x8x80xi32, #tpu.memory_space<vmem>> -> memref<8x80xi32, #tpu.memory_space<vmem>>
    %dma_wait3A_75 = arith.constant 0 : i32
    %dma_wait3A_76 = arith.constant 0 : i32
    %dma_wait3A_77 = tpu.memref_slice %arg5[%dma_wait3A_59, %dma_wait3A_60, %dma_wait3A_75, %dma_wait3A_76] : memref<32x16x8x80xi32, #tpu.memory_space<hbm>> -> memref<1x1x8x80xi32, #tpu.memory_space<hbm>>
    %dma_wait3A_78 = tpu.memref_squeeze %dma_wait3A_77 : memref<1x1x8x80xi32, #tpu.memory_space<hbm>> -> memref<8x80xi32, #tpu.memory_space<hbm>>
    tpu.wait_dma2 semaphore(%arg14 : memref<!tpu.dma_semaphore, #tpu.memory_space<semaphore_mem>>) src(%dma_wait3A_78 : memref<8x80xi32, #tpu.memory_space<hbm>>) dst(%dma_wait3A_74 : memref<8x80xi32, #tpu.memory_space<vmem>>)
    %barrier3A = arith.constant 0 : index
    tpu.barrier barrier_id(%barrier3A)
    %dma_start3A_79 = arith.constant 1 : i32
    %dma_start3A_80 = arith.constant 1 : i32
    %dma_start3A_81 = arith.constant 0 : i32
    %dma_start3A_82 = arith.constant 0 : i32
    %dma_start3A_83 = arith.constant 0 : i32
    %dma_start3A_84 = tpu.memref_slice %arg7[%dma_start3A_80, %dma_start3A_81, %dma_start3A_82, %dma_start3A_83] : memref<2x2x8x80xi32, #tpu.memory_space<vmem>> -> memref<1x1x8x80xi32, #tpu.memory_space<vmem>>
    %dma_start3A_85 = tpu.memref_squeeze %dma_start3A_84 : memref<1x1x8x80xi32, #tpu.memory_space<vmem>> -> memref<8x80xi32, #tpu.memory_space<vmem>>
    %dma_start3A_86 = arith.constant 0 : i32
    %dma_start3A_87 = arith.constant 0 : i32
    %dma_start3A_88 = tpu.memref_slice %arg4[%add3A, %dma_start3A_79, %dma_start3A_86, %dma_start3A_87] : memref<32x16x8x80xi32, #tpu.memory_space<hbm>> -> memref<1x1x8x80xi32, #tpu.memory_space<hbm>>
    %dma_start3A_89 = tpu.memref_squeeze %dma_start3A_88 : memref<1x1x8x80xi32, #tpu.memory_space<hbm>> -> memref<8x80xi32, #tpu.memory_space<hbm>>
    %dma_start3A_90 = arith.constant 0 : i32
    %dma_start3A_91 = arith.constant 0 : i32
    %dma_start3A_92 = tpu.memref_slice %arg7[%dma_start3A_80, %dma_start3A_81, %dma_start3A_90, %dma_start3A_91] : memref<2x2x8x80xi32, #tpu.memory_space<vmem>> -> memref<1x1x8x80xi32, #tpu.memory_space<vmem>>
    %dma_start3A_93 = tpu.memref_squeeze %dma_start3A_92 : memref<1x1x8x80xi32, #tpu.memory_space<vmem>> -> memref<8x80xi32, #tpu.memory_space<vmem>>
    %dma_start3A_94 = arith.constant 0 : i32
    %dma_start3A_95 = arith.constant 0 : i32
    %dma_start3A_96 = tpu.memref_slice %arg4[%add3A, %dma_start3A_79, %dma_start3A_94, %dma_start3A_95] : memref<32x16x8x80xi32, #tpu.memory_space<hbm>> -> memref<1x1x8x80xi32, #tpu.memory_space<hbm>>
    %dma_start3A_97 = tpu.memref_squeeze %dma_start3A_96 : memref<1x1x8x80xi32, #tpu.memory_space<hbm>> -> memref<8x80xi32, #tpu.memory_space<hbm>>
    tpu.enqueue_dma source(%dma_start3A_97 : memref<8x80xi32, #tpu.memory_space<hbm>>) target(%dma_start3A_93 : memref<8x80xi32, #tpu.memory_space<vmem>>) target_semaphore(%arg14 : memref<!tpu.dma_semaphore, #tpu.memory_space<semaphore_mem>>)
    %dma_start3A_98 = arith.constant 1 : i32
    %dma_start3A_99 = arith.constant 1 : i32
    %dma_start3A_100 = arith.constant 1 : i32
    %dma_start3A_101 = arith.constant 0 : i32
    %dma_start3A_102 = arith.constant 0 : i32
    %dma_start3A_103 = tpu.memref_slice %arg7[%dma_start3A_99, %dma_start3A_100, %dma_start3A_101, %dma_start3A_102] : memref<2x2x8x80xi32, #tpu.memory_space<vmem>> -> memref<1x1x8x80xi32, #tpu.memory_space<vmem>>
    %dma_start3A_104 = tpu.memref_squeeze %dma_start3A_103 : memref<1x1x8x80xi32, #tpu.memory_space<vmem>> -> memref<8x80xi32, #tpu.memory_space<vmem>>
    %dma_start3A_105 = arith.constant 0 : i32
    %dma_start3A_106 = arith.constant 0 : i32
    %dma_start3A_107 = tpu.memref_slice %arg5[%add3A, %dma_start3A_98, %dma_start3A_105, %dma_start3A_106] : memref<32x16x8x80xi32, #tpu.memory_space<hbm>> -> memref<1x1x8x80xi32, #tpu.memory_space<hbm>>
    %dma_start3A_108 = tpu.memref_squeeze %dma_start3A_107 : memref<1x1x8x80xi32, #tpu.memory_space<hbm>> -> memref<8x80xi32, #tpu.memory_space<hbm>>
    %dma_start3A_109 = arith.constant 0 : i32
    %dma_start3A_110 = arith.constant 0 : i32
    %dma_start3A_111 = tpu.memref_slice %arg7[%dma_start3A_99, %dma_start3A_100, %dma_start3A_109, %dma_start3A_110] : memref<2x2x8x80xi32, #tpu.memory_space<vmem>> -> memref<1x1x8x80xi32, #tpu.memory_space<vmem>>
    %dma_start3A_112 = tpu.memref_squeeze %dma_start3A_111 : memref<1x1x8x80xi32, #tpu.memory_space<vmem>> -> memref<8x80xi32, #tpu.memory_space<vmem>>
    %dma_start3A_113 = arith.constant 0 : i32
    %dma_start3A_114 = arith.constant 0 : i32
    %dma_start3A_115 = tpu.memref_slice %arg5[%add3A, %dma_start3A_98, %dma_start3A_113, %dma_start3A_114] : memref<32x16x8x80xi32, #tpu.memory_space<hbm>> -> memref<1x1x8x80xi32, #tpu.memory_space<hbm>>
    %dma_start3A_116 = tpu.memref_squeeze %dma_start3A_115 : memref<1x1x8x80xi32, #tpu.memory_space<hbm>> -> memref<8x80xi32, #tpu.memory_space<hbm>>
    tpu.enqueue_dma source(%dma_start3A_116 : memref<8x80xi32, #tpu.memory_space<hbm>>) target(%dma_start3A_112 : memref<8x80xi32, #tpu.memory_space<vmem>>) target_semaphore(%arg14 : memref<!tpu.dma_semaphore, #tpu.memory_space<semaphore_mem>>)
    %dma_start3A_117 = arith.constant 0 : i32
    %dma_start3A_118 = arith.constant 0 : i32
    %dma_start3A_119 = arith.constant 0 : i32
    %dma_start3A_120 = arith.constant 0 : i32
    %dma_start3A_121 = arith.constant 0 : i32
    %dma_start3A_122 = arith.constant 0 : i32
    %dma_start3A_123 = tpu.memref_slice %arg8[%dma_start3A_120, %dma_start3A_121, %dma_start3A_122] : memref<4x80x128xf32, #tpu.memory_space<vmem>> -> memref<1x80x128xf32, #tpu.memory_space<vmem>>
    %dma_start3A_124 = tpu.memref_squeeze %dma_start3A_123 : memref<1x80x128xf32, #tpu.memory_space<vmem>> -> memref<80x128xf32, #tpu.memory_space<vmem>>
    %dma_start3A_125 = arith.constant 0 : i32
    %dma_start3A_126 = tpu.memref_slice %arg7[%dma_start3A_117, %dma_start3A_118, %dma_start3A_119, %dma_start3A_125] : memref<2x2x8x80xi32, #tpu.memory_space<vmem>> -> memref<1x1x1x80xi32, #tpu.memory_space<vmem>>
    %dma_start3A_127 = tpu.memref_squeeze %dma_start3A_126 : memref<1x1x1x80xi32, #tpu.memory_space<vmem>> -> memref<80xi32, #tpu.memory_space<vmem>>
    %dma_start3A_128 = arith.constant 0 : i32
    %dma_start3A_129 = arith.constant 0 : i32
    %dma_start3A_130 = tpu.memref_slice %arg2[%dma_start3A_128, %dma_start3A_129] : memref<10000x128xf32, #tpu.memory_space<hbm>> -> memref<10000x128xf32, #tpu.memory_space<hbm>>
    tpu.enqueue_indirect_dma source(%dma_start3A_130 : memref<10000x128xf32, #tpu.memory_space<hbm>>) target(%dma_start3A_124 : memref<80x128xf32, #tpu.memory_space<vmem>>) offsets(%dma_start3A_127 : memref<80xi32, #tpu.memory_space<vmem>>) semaphore(%arg10 : memref<!tpu.dma_semaphore, #tpu.memory_space<semaphore_mem>>)
    %dma_start3A_131 = arith.constant 0 : i32
    %dma_start3A_132 = arith.constant 0 : i32
    %dma_start3A_133 = arith.constant 1 : i32
    %dma_start3A_134 = arith.constant 1 : i32
    %dma_start3A_135 = arith.constant 0 : i32
    %dma_start3A_136 = arith.constant 0 : i32
    %dma_start3A_137 = tpu.memref_slice %arg8[%dma_start3A_134, %dma_start3A_135, %dma_start3A_136] : memref<4x80x128xf32, #tpu.memory_space<vmem>> -> memref<1x80x128xf32, #tpu.memory_space<vmem>>
    %dma_start3A_138 = tpu.memref_squeeze %dma_start3A_137 : memref<1x80x128xf32, #tpu.memory_space<vmem>> -> memref<80x128xf32, #tpu.memory_space<vmem>>
    %dma_start3A_139 = arith.constant 0 : i32
    %dma_start3A_140 = tpu.memref_slice %arg7[%dma_start3A_131, %dma_start3A_132, %dma_start3A_133, %dma_start3A_139] : memref<2x2x8x80xi32, #tpu.memory_space<vmem>> -> memref<1x1x1x80xi32, #tpu.memory_space<vmem>>
    %dma_start3A_141 = tpu.memref_squeeze %dma_start3A_140 : memref<1x1x1x80xi32, #tpu.memory_space<vmem>> -> memref<80xi32, #tpu.memory_space<vmem>>
    %dma_start3A_142 = arith.constant 0 : i32
    %dma_start3A_143 = arith.constant 0 : i32
    %dma_start3A_144 = tpu.memref_slice %arg2[%dma_start3A_142, %dma_start3A_143] : memref<10000x128xf32, #tpu.memory_space<hbm>> -> memref<10000x128xf32, #tpu.memory_space<hbm>>
    tpu.enqueue_indirect_dma source(%dma_start3A_144 : memref<10000x128xf32, #tpu.memory_space<hbm>>) target(%dma_start3A_138 : memref<80x128xf32, #tpu.memory_space<vmem>>) offsets(%dma_start3A_141 : memref<80xi32, #tpu.memory_space<vmem>>) semaphore(%arg11 : memref<!tpu.dma_semaphore, #tpu.memory_space<semaphore_mem>>)
    %dma_start3A_145 = arith.constant 0 : i32
    %dma_start3A_146 = arith.constant 0 : i32
    %dma_start3A_147 = arith.constant 2 : i32
    %dma_start3A_148 = arith.constant 2 : i32
    %dma_start3A_149 = arith.constant 0 : i32
    %dma_start3A_150 = arith.constant 0 : i32
    %dma_start3A_151 = tpu.memref_slice %arg8[%dma_start3A_148, %dma_start3A_149, %dma_start3A_150] : memref<4x80x128xf32, #tpu.memory_space<vmem>> -> memref<1x80x128xf32, #tpu.memory_space<vmem>>
    %dma_start3A_152 = tpu.memref_squeeze %dma_start3A_151 : memref<1x80x128xf32, #tpu.memory_space<vmem>> -> memref<80x128xf32, #tpu.memory_space<vmem>>
    %dma_start3A_153 = arith.constant 0 : i32
    %dma_start3A_154 = tpu.memref_slice %arg7[%dma_start3A_145, %dma_start3A_146, %dma_start3A_147, %dma_start3A_153] : memref<2x2x8x80xi32, #tpu.memory_space<vmem>> -> memref<1x1x1x80xi32, #tpu.memory_space<vmem>>
    %dma_start3A_155 = tpu.memref_squeeze %dma_start3A_154 : memref<1x1x1x80xi32, #tpu.memory_space<vmem>> -> memref<80xi32, #tpu.memory_space<vmem>>
    %dma_start3A_156 = arith.constant 0 : i32
    %dma_start3A_157 = arith.constant 0 : i32
    %dma_start3A_158 = tpu.memref_slice %arg2[%dma_start3A_156, %dma_start3A_157] : memref<10000x128xf32, #tpu.memory_space<hbm>> -> memref<10000x128xf32, #tpu.memory_space<hbm>>
    tpu.enqueue_indirect_dma source(%dma_start3A_158 : memref<10000x128xf32, #tpu.memory_space<hbm>>) target(%dma_start3A_152 : memref<80x128xf32, #tpu.memory_space<vmem>>) offsets(%dma_start3A_155 : memref<80xi32, #tpu.memory_space<vmem>>) semaphore(%arg12 : memref<!tpu.dma_semaphore, #tpu.memory_space<semaphore_mem>>)
    %dma_start3A_159 = arith.constant 0 : i32
    %dma_start3A_160 = arith.constant 0 : i32
    %dma_start3A_161 = arith.constant 3 : i32
    %dma_start3A_162 = arith.constant 3 : i32
    %dma_start3A_163 = arith.constant 0 : i32
    %dma_start3A_164 = arith.constant 0 : i32
    %dma_start3A_165 = tpu.memref_slice %arg8[%dma_start3A_162, %dma_start3A_163, %dma_start3A_164] : memref<4x80x128xf32, #tpu.memory_space<vmem>> -> memref<1x80x128xf32, #tpu.memory_space<vmem>>
    %dma_start3A_166 = tpu.memref_squeeze %dma_start3A_165 : memref<1x80x128xf32, #tpu.memory_space<vmem>> -> memref<80x128xf32, #tpu.memory_space<vmem>>
    %dma_start3A_167 = arith.constant 0 : i32
    %dma_start3A_168 = tpu.memref_slice %arg7[%dma_start3A_159, %dma_start3A_160, %dma_start3A_161, %dma_start3A_167] : memref<2x2x8x80xi32, #tpu.memory_space<vmem>> -> memref<1x1x1x80xi32, #tpu.memory_space<vmem>>
    %dma_start3A_169 = tpu.memref_squeeze %dma_start3A_168 : memref<1x1x1x80xi32, #tpu.memory_space<vmem>> -> memref<80xi32, #tpu.memory_space<vmem>>
    %dma_start3A_170 = arith.constant 0 : i32
    %dma_start3A_171 = arith.constant 0 : i32
    %dma_start3A_172 = tpu.memref_slice %arg2[%dma_start3A_170, %dma_start3A_171] : memref<10000x128xf32, #tpu.memory_space<hbm>> -> memref<10000x128xf32, #tpu.memory_space<hbm>>
    tpu.enqueue_indirect_dma source(%dma_start3A_172 : memref<10000x128xf32, #tpu.memory_space<hbm>>) target(%dma_start3A_166 : memref<80x128xf32, #tpu.memory_space<vmem>>) offsets(%dma_start3A_169 : memref<80xi32, #tpu.memory_space<vmem>>) semaphore(%arg13 : memref<!tpu.dma_semaphore, #tpu.memory_space<semaphore_mem>>)
    %scan3A = arith.constant 0 : i32
    %scan3A_173 = arith.constant 0 : i32
    %scan3A_174 = arith.constant 8 : i32
    %scan3A_175 = arith.addi %scan3A_173, %scan3A_174 : i32
    %scan3A_176 = arith.constant 1 : i32
    scf.for %scan3A_254 = %scan3A_173 to %scan3A_175 step %scan3A_176  : i32 {
      %lt3A = arith.constant 7 : i32
      %lt3A_255 = arith.cmpi slt, %scan3A_254, %lt3A : i32
      %dma_wait3A_256 = arith.constant 0 : i32
      %dma_wait3A_257 = arith.constant 0 : i32
      %dma_wait3A_258 = arith.constant 0 : i32
      %dma_wait3A_259 = tpu.memref_slice %arg8[%dma_wait3A_256, %dma_wait3A_257, %dma_wait3A_258] : memref<4x80x128xf32, #tpu.memory_space<vmem>> -> memref<1x80x128xf32, #tpu.memory_space<vmem>>
      %dma_wait3A_260 = tpu.memref_squeeze %dma_wait3A_259 : memref<1x80x128xf32, #tpu.memory_space<vmem>> -> memref<80x128xf32, #tpu.memory_space<vmem>>
      %dma_wait3A_261 = arith.constant 0 : i32
      %dma_wait3A_262 = arith.constant 0 : i32
      %dma_wait3A_263 = tpu.memref_slice %arg2[%dma_wait3A_261, %dma_wait3A_262] : memref<10000x128xf32, #tpu.memory_space<hbm>> -> memref<80x128xf32, #tpu.memory_space<hbm>>
      %dma_wait3A_264 = arith.constant 0 : i32
      %dma_wait3A_265 = arith.constant 0 : i32
      %dma_wait3A_266 = tpu.memref_slice %arg8[%dma_wait3A_256, %dma_wait3A_264, %dma_wait3A_265] : memref<4x80x128xf32, #tpu.memory_space<vmem>> -> memref<1x80x128xf32, #tpu.memory_space<vmem>>
      %dma_wait3A_267 = tpu.memref_squeeze %dma_wait3A_266 : memref<1x80x128xf32, #tpu.memory_space<vmem>> -> memref<80x128xf32, #tpu.memory_space<vmem>>
      %dma_wait3A_268 = arith.constant 0 : i32
      %dma_wait3A_269 = arith.constant 0 : i32
      %dma_wait3A_270 = tpu.memref_slice %arg2[%dma_wait3A_268, %dma_wait3A_269] : memref<10000x128xf32, #tpu.memory_space<hbm>> -> memref<80x128xf32, #tpu.memory_space<hbm>>
      tpu.wait_dma2 semaphore(%arg10 : memref<!tpu.dma_semaphore, #tpu.memory_space<semaphore_mem>>) src(%dma_wait3A_270 : memref<80x128xf32, #tpu.memory_space<hbm>>) dst(%dma_wait3A_267 : memref<80x128xf32, #tpu.memory_space<vmem>>)
      %run_scoped3A_271 = arith.constant 0 : i32
      %run_scoped3A_272 = arith.constant 0 : i32
      %run_scoped3A_273 = arith.constant 1 : i32
      %run_scoped3A_274 = arith.constant 0 : i32
      "tpu.region"() ({
        %run_scoped3A_711 = tpu.sem_alloc : memref<!tpu.dma_semaphore, #tpu.memory_space<semaphore_mem>>
        %dma_start3A_712 = arith.constant 0 : i32
        %dma_start3A_713 = arith.constant 0 : i32
        %dma_start3A_714 = tpu.memref_slice %arg8[%run_scoped3A_271, %dma_start3A_712, %dma_start3A_713] : memref<4x80x128xf32, #tpu.memory_space<vmem>> -> memref<1x80x128xf32, #tpu.memory_space<vmem>>
        %dma_start3A_715 = tpu.memref_squeeze %dma_start3A_714 : memref<1x80x128xf32, #tpu.memory_space<vmem>> -> memref<80x128xf32, #tpu.memory_space<vmem>>
        %dma_start3A_716 = arith.constant 0 : i32
        %dma_start3A_717 = tpu.memref_slice %arg7[%run_scoped3A_272, %run_scoped3A_273, %run_scoped3A_274, %dma_start3A_716] : memref<2x2x8x80xi32, #tpu.memory_space<vmem>> -> memref<1x1x1x80xi32, #tpu.memory_space<vmem>>
        %dma_start3A_718 = tpu.memref_squeeze %dma_start3A_717 : memref<1x1x1x80xi32, #tpu.memory_space<vmem>> -> memref<80xi32, #tpu.memory_space<vmem>>
        %dma_start3A_719 = arith.constant 0 : i32
        %dma_start3A_720 = arith.constant 0 : i32
        %dma_start3A_721 = tpu.memref_slice %arg9[%dma_start3A_719, %dma_start3A_720] : memref<10112x128xf32, #tpu.memory_space<vmem_shared>> -> memref<10112x128xf32, #tpu.memory_space<vmem_shared>>
        tpu.enqueue_indirect_dma source(%dma_start3A_715 : memref<80x128xf32, #tpu.memory_space<vmem>>) target(%dma_start3A_721 : memref<10112x128xf32, #tpu.memory_space<vmem_shared>>) offsets(%dma_start3A_718 : memref<80xi32, #tpu.memory_space<vmem>>) semaphore(%run_scoped3A_711 : memref<!tpu.dma_semaphore, #tpu.memory_space<semaphore_mem>>) {add = true}
        %dma_wait3A_722 = arith.constant 0 : i32
        %dma_wait3A_723 = arith.constant 0 : i32
        %dma_wait3A_724 = tpu.memref_slice %arg8[%run_scoped3A_271, %dma_wait3A_722, %dma_wait3A_723] : memref<4x80x128xf32, #tpu.memory_space<vmem>> -> memref<1x80x128xf32, #tpu.memory_space<vmem>>
        %dma_wait3A_725 = tpu.memref_squeeze %dma_wait3A_724 : memref<1x80x128xf32, #tpu.memory_space<vmem>> -> memref<80x128xf32, #tpu.memory_space<vmem>>
        %dma_wait3A_726 = arith.constant 0 : i32
        %dma_wait3A_727 = tpu.memref_slice %arg7[%run_scoped3A_272, %run_scoped3A_273, %run_scoped3A_274, %dma_wait3A_726] : memref<2x2x8x80xi32, #tpu.memory_space<vmem>> -> memref<1x1x1x80xi32, #tpu.memory_space<vmem>>
        %dma_wait3A_728 = tpu.memref_squeeze %dma_wait3A_727 : memref<1x1x1x80xi32, #tpu.memory_space<vmem>> -> memref<80xi32, #tpu.memory_space<vmem>>
        %dma_wait3A_729 = arith.constant 0 : i32
        %dma_wait3A_730 = arith.constant 0 : i32
        %dma_wait3A_731 = tpu.memref_slice %arg9[%dma_wait3A_729, %dma_wait3A_730] : memref<10112x128xf32, #tpu.memory_space<vmem_shared>> -> memref<10112x128xf32, #tpu.memory_space<vmem_shared>>
        tpu.wait_indirect_dma semaphore(%run_scoped3A_711 : memref<!tpu.dma_semaphore, #tpu.memory_space<semaphore_mem>>) src(%dma_wait3A_725 : memref<80x128xf32, #tpu.memory_space<vmem>>) dst(%dma_wait3A_731 : memref<10112x128xf32, #tpu.memory_space<vmem_shared>>)
        tpu.yield
      }) : () -> ()
      %dma_start3A_275 = arith.constant 0 : i32
      %dma_start3A_276 = arith.constant 0 : i32
      %dma_start3A_277 = arith.constant 4 : i32
      %dma_start3A_278 = arith.constant 0 : i32
      %dma_start3A_279 = arith.constant 0 : i32
      %dma_start3A_280 = arith.constant 0 : i32
      %dma_start3A_281 = tpu.memref_slice %arg8[%dma_start3A_278, %dma_start3A_279, %dma_start3A_280] : memref<4x80x128xf32, #tpu.memory_space<vmem>> -> memref<1x80x128xf32, #tpu.memory_space<vmem>>
      %dma_start3A_282 = tpu.memref_squeeze %dma_start3A_281 : memref<1x80x128xf32, #tpu.memory_space<vmem>> -> memref<80x128xf32, #tpu.memory_space<vmem>>
      %dma_start3A_283 = arith.constant 0 : i32
      %dma_start3A_284 = tpu.memref_slice %arg7[%dma_start3A_275, %dma_start3A_276, %dma_start3A_277, %dma_start3A_283] : memref<2x2x8x80xi32, #tpu.memory_space<vmem>> -> memref<1x1x1x80xi32, #tpu.memory_space<vmem>>
      %dma_start3A_285 = tpu.memref_squeeze %dma_start3A_284 : memref<1x1x1x80xi32, #tpu.memory_space<vmem>> -> memref<80xi32, #tpu.memory_space<vmem>>
      %dma_start3A_286 = arith.constant 0 : i32
      %dma_start3A_287 = arith.constant 0 : i32
      %dma_start3A_288 = tpu.memref_slice %arg2[%dma_start3A_286, %dma_start3A_287] : memref<10000x128xf32, #tpu.memory_space<hbm>> -> memref<10000x128xf32, #tpu.memory_space<hbm>>
      tpu.enqueue_indirect_dma source(%dma_start3A_288 : memref<10000x128xf32, #tpu.memory_space<hbm>>) target(%dma_start3A_282 : memref<80x128xf32, #tpu.memory_space<vmem>>) offsets(%dma_start3A_285 : memref<80xi32, #tpu.memory_space<vmem>>) semaphore(%arg10 : memref<!tpu.dma_semaphore, #tpu.memory_space<semaphore_mem>>)
      %dma_wait3A_289 = arith.constant 1 : i32
      %dma_wait3A_290 = arith.constant 0 : i32
      %dma_wait3A_291 = arith.constant 0 : i32
      %dma_wait3A_292 = tpu.memref_slice %arg8[%dma_wait3A_289, %dma_wait3A_290, %dma_wait3A_291] : memref<4x80x128xf32, #tpu.memory_space<vmem>> -> memref<1x80x128xf32, #tpu.memory_space<vmem>>
      %dma_wait3A_293 = tpu.memref_squeeze %dma_wait3A_292 : memref<1x80x128xf32, #tpu.memory_space<vmem>> -> memref<80x128xf32, #tpu.memory_space<vmem>>
      %dma_wait3A_294 = arith.constant 0 : i32
      %dma_wait3A_295 = arith.constant 0 : i32
      %dma_wait3A_296 = tpu.memref_slice %arg2[%dma_wait3A_294, %dma_wait3A_295] : memref<10000x128xf32, #tpu.memory_space<hbm>> -> memref<80x128xf32, #tpu.memory_space<hbm>>
      %dma_wait3A_297 = arith.constant 0 : i32
      %dma_wait3A_298 = arith.constant 0 : i32
      %dma_wait3A_299 = tpu.memref_slice %arg8[%dma_wait3A_289, %dma_wait3A_297, %dma_wait3A_298] : memref<4x80x128xf32, #tpu.memory_space<vmem>> -> memref<1x80x128xf32, #tpu.memory_space<vmem>>
      %dma_wait3A_300 = tpu.memref_squeeze %dma_wait3A_299 : memref<1x80x128xf32, #tpu.memory_space<vmem>> -> memref<80x128xf32, #tpu.memory_space<vmem>>
      %dma_wait3A_301 = arith.constant 0 : i32
      %dma_wait3A_302 = arith.constant 0 : i32
      %dma_wait3A_303 = tpu.memref_slice %arg2[%dma_wait3A_301, %dma_wait3A_302] : memref<10000x128xf32, #tpu.memory_space<hbm>> -> memref<80x128xf32, #tpu.memory_space<hbm>>
      tpu.wait_dma2 semaphore(%arg11 : memref<!tpu.dma_semaphore, #tpu.memory_space<semaphore_mem>>) src(%dma_wait3A_303 : memref<80x128xf32, #tpu.memory_space<hbm>>) dst(%dma_wait3A_300 : memref<80x128xf32, #tpu.memory_space<vmem>>)
      %run_scoped3A_304 = arith.constant 1 : i32
      %run_scoped3A_305 = arith.constant 0 : i32
      %run_scoped3A_306 = arith.constant 1 : i32
      %run_scoped3A_307 = arith.constant 1 : i32
      "tpu.region"() ({
        %run_scoped3A_711 = tpu.sem_alloc : memref<!tpu.dma_semaphore, #tpu.memory_space<semaphore_mem>>
        %dma_start3A_712 = arith.constant 0 : i32
        %dma_start3A_713 = arith.constant 0 : i32
        %dma_start3A_714 = tpu.memref_slice %arg8[%run_scoped3A_304, %dma_start3A_712, %dma_start3A_713] : memref<4x80x128xf32, #tpu.memory_space<vmem>> -> memref<1x80x128xf32, #tpu.memory_space<vmem>>
        %dma_start3A_715 = tpu.memref_squeeze %dma_start3A_714 : memref<1x80x128xf32, #tpu.memory_space<vmem>> -> memref<80x128xf32, #tpu.memory_space<vmem>>
        %dma_start3A_716 = arith.constant 0 : i32
        %dma_start3A_717 = tpu.memref_slice %arg7[%run_scoped3A_305, %run_scoped3A_306, %run_scoped3A_307, %dma_start3A_716] : memref<2x2x8x80xi32, #tpu.memory_space<vmem>> -> memref<1x1x1x80xi32, #tpu.memory_space<vmem>>
        %dma_start3A_718 = tpu.memref_squeeze %dma_start3A_717 : memref<1x1x1x80xi32, #tpu.memory_space<vmem>> -> memref<80xi32, #tpu.memory_space<vmem>>
        %dma_start3A_719 = arith.constant 0 : i32
        %dma_start3A_720 = arith.constant 0 : i32
        %dma_start3A_721 = tpu.memref_slice %arg9[%dma_start3A_719, %dma_start3A_720] : memref<10112x128xf32, #tpu.memory_space<vmem_shared>> -> memref<10112x128xf32, #tpu.memory_space<vmem_shared>>
        tpu.enqueue_indirect_dma source(%dma_start3A_715 : memref<80x128xf32, #tpu.memory_space<vmem>>) target(%dma_start3A_721 : memref<10112x128xf32, #tpu.memory_space<vmem_shared>>) offsets(%dma_start3A_718 : memref<80xi32, #tpu.memory_space<vmem>>) semaphore(%run_scoped3A_711 : memref<!tpu.dma_semaphore, #tpu.memory_space<semaphore_mem>>) {add = true}
        %dma_wait3A_722 = arith.constant 0 : i32
        %dma_wait3A_723 = arith.constant 0 : i32
        %dma_wait3A_724 = tpu.memref_slice %arg8[%run_scoped3A_304, %dma_wait3A_722, %dma_wait3A_723] : memref<4x80x128xf32, #tpu.memory_space<vmem>> -> memref<1x80x128xf32, #tpu.memory_space<vmem>>
        %dma_wait3A_725 = tpu.memref_squeeze %dma_wait3A_724 : memref<1x80x128xf32, #tpu.memory_space<vmem>> -> memref<80x128xf32, #tpu.memory_space<vmem>>
        %dma_wait3A_726 = arith.constant 0 : i32
        %dma_wait3A_727 = tpu.memref_slice %arg7[%run_scoped3A_305, %run_scoped3A_306, %run_scoped3A_307, %dma_wait3A_726] : memref<2x2x8x80xi32, #tpu.memory_space<vmem>> -> memref<1x1x1x80xi32, #tpu.memory_space<vmem>>
        %dma_wait3A_728 = tpu.memref_squeeze %dma_wait3A_727 : memref<1x1x1x80xi32, #tpu.memory_space<vmem>> -> memref<80xi32, #tpu.memory_space<vmem>>
        %dma_wait3A_729 = arith.constant 0 : i32
        %dma_wait3A_730 = arith.constant 0 : i32
        %dma_wait3A_731 = tpu.memref_slice %arg9[%dma_wait3A_729, %dma_wait3A_730] : memref<10112x128xf32, #tpu.memory_space<vmem_shared>> -> memref<10112x128xf32, #tpu.memory_space<vmem_shared>>
        tpu.wait_indirect_dma semaphore(%run_scoped3A_711 : memref<!tpu.dma_semaphore, #tpu.memory_space<semaphore_mem>>) src(%dma_wait3A_725 : memref<80x128xf32, #tpu.memory_space<vmem>>) dst(%dma_wait3A_731 : memref<10112x128xf32, #tpu.memory_space<vmem_shared>>)
        tpu.yield
      }) : () -> ()
      %dma_start3A_308 = arith.constant 0 : i32
      %dma_start3A_309 = arith.constant 0 : i32
      %dma_start3A_310 = arith.constant 5 : i32
      %dma_start3A_311 = arith.constant 1 : i32
      %dma_start3A_312 = arith.constant 0 : i32
      %dma_start3A_313 = arith.constant 0 : i32
      %dma_start3A_314 = tpu.memref_slice %arg8[%dma_start3A_311, %dma_start3A_312, %dma_start3A_313] : memref<4x80x128xf32, #tpu.memory_space<vmem>> -> memref<1x80x128xf32, #tpu.memory_space<vmem>>
      %dma_start3A_315 = tpu.memref_squeeze %dma_start3A_314 : memref<1x80x128xf32, #tpu.memory_space<vmem>> -> memref<80x128xf32, #tpu.memory_space<vmem>>
      %dma_start3A_316 = arith.constant 0 : i32
      %dma_start3A_317 = tpu.memref_slice %arg7[%dma_start3A_308, %dma_start3A_309, %dma_start3A_310, %dma_start3A_316] : memref<2x2x8x80xi32, #tpu.memory_space<vmem>> -> memref<1x1x1x80xi32, #tpu.memory_space<vmem>>
      %dma_start3A_318 = tpu.memref_squeeze %dma_start3A_317 : memref<1x1x1x80xi32, #tpu.memory_space<vmem>> -> memref<80xi32, #tpu.memory_space<vmem>>
      %dma_start3A_319 = arith.constant 0 : i32
      %dma_start3A_320 = arith.constant 0 : i32
      %dma_start3A_321 = tpu.memref_slice %arg2[%dma_start3A_319, %dma_start3A_320] : memref<10000x128xf32, #tpu.memory_space<hbm>> -> memref<10000x128xf32, #tpu.memory_space<hbm>>
      tpu.enqueue_indirect_dma source(%dma_start3A_321 : memref<10000x128xf32, #tpu.memory_space<hbm>>) target(%dma_start3A_315 : memref<80x128xf32, #tpu.memory_space<vmem>>) offsets(%dma_start3A_318 : memref<80xi32, #tpu.memory_space<vmem>>) semaphore(%arg11 : memref<!tpu.dma_semaphore, #tpu.memory_space<semaphore_mem>>)
      %dma_wait3A_322 = arith.constant 2 : i32
      %dma_wait3A_323 = arith.constant 0 : i32
      %dma_wait3A_324 = arith.constant 0 : i32
      %dma_wait3A_325 = tpu.memref_slice %arg8[%dma_wait3A_322, %dma_wait3A_323, %dma_wait3A_324] : memref<4x80x128xf32, #tpu.memory_space<vmem>> -> memref<1x80x128xf32, #tpu.memory_space<vmem>>
      %dma_wait3A_326 = tpu.memref_squeeze %dma_wait3A_325 : memref<1x80x128xf32, #tpu.memory_space<vmem>> -> memref<80x128xf32, #tpu.memory_space<vmem>>
      %dma_wait3A_327 = arith.constant 0 : i32
      %dma_wait3A_328 = arith.constant 0 : i32
      %dma_wait3A_329 = tpu.memref_slice %arg2[%dma_wait3A_327, %dma_wait3A_328] : memref<10000x128xf32, #tpu.memory_space<hbm>> -> memref<80x128xf32, #tpu.memory_space<hbm>>
      %dma_wait3A_330 = arith.constant 0 : i32
      %dma_wait3A_331 = arith.constant 0 : i32
      %dma_wait3A_332 = tpu.memref_slice %arg8[%dma_wait3A_322, %dma_wait3A_330, %dma_wait3A_331] : memref<4x80x128xf32, #tpu.memory_space<vmem>> -> memref<1x80x128xf32, #tpu.memory_space<vmem>>
      %dma_wait3A_333 = tpu.memref_squeeze %dma_wait3A_332 : memref<1x80x128xf32, #tpu.memory_space<vmem>> -> memref<80x128xf32, #tpu.memory_space<vmem>>
      %dma_wait3A_334 = arith.constant 0 : i32
      %dma_wait3A_335 = arith.constant 0 : i32
      %dma_wait3A_336 = tpu.memref_slice %arg2[%dma_wait3A_334, %dma_wait3A_335] : memref<10000x128xf32, #tpu.memory_space<hbm>> -> memref<80x128xf32, #tpu.memory_space<hbm>>
      tpu.wait_dma2 semaphore(%arg12 : memref<!tpu.dma_semaphore, #tpu.memory_space<semaphore_mem>>) src(%dma_wait3A_336 : memref<80x128xf32, #tpu.memory_space<hbm>>) dst(%dma_wait3A_333 : memref<80x128xf32, #tpu.memory_space<vmem>>)
      %run_scoped3A_337 = arith.constant 2 : i32
      %run_scoped3A_338 = arith.constant 0 : i32
      %run_scoped3A_339 = arith.constant 1 : i32
      %run_scoped3A_340 = arith.constant 2 : i32
      "tpu.region"() ({
        %run_scoped3A_711 = tpu.sem_alloc : memref<!tpu.dma_semaphore, #tpu.memory_space<semaphore_mem>>
        %dma_start3A_712 = arith.constant 0 : i32
        %dma_start3A_713 = arith.constant 0 : i32
        %dma_start3A_714 = tpu.memref_slice %arg8[%run_scoped3A_337, %dma_start3A_712, %dma_start3A_713] : memref<4x80x128xf32, #tpu.memory_space<vmem>> -> memref<1x80x128xf32, #tpu.memory_space<vmem>>
        %dma_start3A_715 = tpu.memref_squeeze %dma_start3A_714 : memref<1x80x128xf32, #tpu.memory_space<vmem>> -> memref<80x128xf32, #tpu.memory_space<vmem>>
        %dma_start3A_716 = arith.constant 0 : i32
        %dma_start3A_717 = tpu.memref_slice %arg7[%run_scoped3A_338, %run_scoped3A_339, %run_scoped3A_340, %dma_start3A_716] : memref<2x2x8x80xi32, #tpu.memory_space<vmem>> -> memref<1x1x1x80xi32, #tpu.memory_space<vmem>>
        %dma_start3A_718 = tpu.memref_squeeze %dma_start3A_717 : memref<1x1x1x80xi32, #tpu.memory_space<vmem>> -> memref<80xi32, #tpu.memory_space<vmem>>
        %dma_start3A_719 = arith.constant 0 : i32
        %dma_start3A_720 = arith.constant 0 : i32
        %dma_start3A_721 = tpu.memref_slice %arg9[%dma_start3A_719, %dma_start3A_720] : memref<10112x128xf32, #tpu.memory_space<vmem_shared>> -> memref<10112x128xf32, #tpu.memory_space<vmem_shared>>
        tpu.enqueue_indirect_dma source(%dma_start3A_715 : memref<80x128xf32, #tpu.memory_space<vmem>>) target(%dma_start3A_721 : memref<10112x128xf32, #tpu.memory_space<vmem_shared>>) offsets(%dma_start3A_718 : memref<80xi32, #tpu.memory_space<vmem>>) semaphore(%run_scoped3A_711 : memref<!tpu.dma_semaphore, #tpu.memory_space<semaphore_mem>>) {add = true}
        %dma_wait3A_722 = arith.constant 0 : i32
        %dma_wait3A_723 = arith.constant 0 : i32
        %dma_wait3A_724 = tpu.memref_slice %arg8[%run_scoped3A_337, %dma_wait3A_722, %dma_wait3A_723] : memref<4x80x128xf32, #tpu.memory_space<vmem>> -> memref<1x80x128xf32, #tpu.memory_space<vmem>>
        %dma_wait3A_725 = tpu.memref_squeeze %dma_wait3A_724 : memref<1x80x128xf32, #tpu.memory_space<vmem>> -> memref<80x128xf32, #tpu.memory_space<vmem>>
        %dma_wait3A_726 = arith.constant 0 : i32
        %dma_wait3A_727 = tpu.memref_slice %arg7[%run_scoped3A_338, %run_scoped3A_339, %run_scoped3A_340, %dma_wait3A_726] : memref<2x2x8x80xi32, #tpu.memory_space<vmem>> -> memref<1x1x1x80xi32, #tpu.memory_space<vmem>>
        %dma_wait3A_728 = tpu.memref_squeeze %dma_wait3A_727 : memref<1x1x1x80xi32, #tpu.memory_space<vmem>> -> memref<80xi32, #tpu.memory_space<vmem>>
        %dma_wait3A_729 = arith.constant 0 : i32
        %dma_wait3A_730 = arith.constant 0 : i32
        %dma_wait3A_731 = tpu.memref_slice %arg9[%dma_wait3A_729, %dma_wait3A_730] : memref<10112x128xf32, #tpu.memory_space<vmem_shared>> -> memref<10112x128xf32, #tpu.memory_space<vmem_shared>>
        tpu.wait_indirect_dma semaphore(%run_scoped3A_711 : memref<!tpu.dma_semaphore, #tpu.memory_space<semaphore_mem>>) src(%dma_wait3A_725 : memref<80x128xf32, #tpu.memory_space<vmem>>) dst(%dma_wait3A_731 : memref<10112x128xf32, #tpu.memory_space<vmem_shared>>)
        tpu.yield
      }) : () -> ()
      %dma_start3A_341 = arith.constant 0 : i32
      %dma_start3A_342 = arith.constant 0 : i32
      %dma_start3A_343 = arith.constant 6 : i32
      %dma_start3A_344 = arith.constant 2 : i32
      %dma_start3A_345 = arith.constant 0 : i32
      %dma_start3A_346 = arith.constant 0 : i32
      %dma_start3A_347 = tpu.memref_slice %arg8[%dma_start3A_344, %dma_start3A_345, %dma_start3A_346] : memref<4x80x128xf32, #tpu.memory_space<vmem>> -> memref<1x80x128xf32, #tpu.memory_space<vmem>>
      %dma_start3A_348 = tpu.memref_squeeze %dma_start3A_347 : memref<1x80x128xf32, #tpu.memory_space<vmem>> -> memref<80x128xf32, #tpu.memory_space<vmem>>
      %dma_start3A_349 = arith.constant 0 : i32
      %dma_start3A_350 = tpu.memref_slice %arg7[%dma_start3A_341, %dma_start3A_342, %dma_start3A_343, %dma_start3A_349] : memref<2x2x8x80xi32, #tpu.memory_space<vmem>> -> memref<1x1x1x80xi32, #tpu.memory_space<vmem>>
      %dma_start3A_351 = tpu.memref_squeeze %dma_start3A_350 : memref<1x1x1x80xi32, #tpu.memory_space<vmem>> -> memref<80xi32, #tpu.memory_space<vmem>>
      %dma_start3A_352 = arith.constant 0 : i32
      %dma_start3A_353 = arith.constant 0 : i32
      %dma_start3A_354 = tpu.memref_slice %arg2[%dma_start3A_352, %dma_start3A_353] : memref<10000x128xf32, #tpu.memory_space<hbm>> -> memref<10000x128xf32, #tpu.memory_space<hbm>>
      tpu.enqueue_indirect_dma source(%dma_start3A_354 : memref<10000x128xf32, #tpu.memory_space<hbm>>) target(%dma_start3A_348 : memref<80x128xf32, #tpu.memory_space<vmem>>) offsets(%dma_start3A_351 : memref<80xi32, #tpu.memory_space<vmem>>) semaphore(%arg12 : memref<!tpu.dma_semaphore, #tpu.memory_space<semaphore_mem>>)
      %dma_wait3A_355 = arith.constant 3 : i32
      %dma_wait3A_356 = arith.constant 0 : i32
      %dma_wait3A_357 = arith.constant 0 : i32
      %dma_wait3A_358 = tpu.memref_slice %arg8[%dma_wait3A_355, %dma_wait3A_356, %dma_wait3A_357] : memref<4x80x128xf32, #tpu.memory_space<vmem>> -> memref<1x80x128xf32, #tpu.memory_space<vmem>>
      %dma_wait3A_359 = tpu.memref_squeeze %dma_wait3A_358 : memref<1x80x128xf32, #tpu.memory_space<vmem>> -> memref<80x128xf32, #tpu.memory_space<vmem>>
      %dma_wait3A_360 = arith.constant 0 : i32
      %dma_wait3A_361 = arith.constant 0 : i32
      %dma_wait3A_362 = tpu.memref_slice %arg2[%dma_wait3A_360, %dma_wait3A_361] : memref<10000x128xf32, #tpu.memory_space<hbm>> -> memref<80x128xf32, #tpu.memory_space<hbm>>
      %dma_wait3A_363 = arith.constant 0 : i32
      %dma_wait3A_364 = arith.constant 0 : i32
      %dma_wait3A_365 = tpu.memref_slice %arg8[%dma_wait3A_355, %dma_wait3A_363, %dma_wait3A_364] : memref<4x80x128xf32, #tpu.memory_space<vmem>> -> memref<1x80x128xf32, #tpu.memory_space<vmem>>
      %dma_wait3A_366 = tpu.memref_squeeze %dma_wait3A_365 : memref<1x80x128xf32, #tpu.memory_space<vmem>> -> memref<80x128xf32, #tpu.memory_space<vmem>>
      %dma_wait3A_367 = arith.constant 0 : i32
      %dma_wait3A_368 = arith.constant 0 : i32
      %dma_wait3A_369 = tpu.memref_slice %arg2[%dma_wait3A_367, %dma_wait3A_368] : memref<10000x128xf32, #tpu.memory_space<hbm>> -> memref<80x128xf32, #tpu.memory_space<hbm>>
      tpu.wait_dma2 semaphore(%arg13 : memref<!tpu.dma_semaphore, #tpu.memory_space<semaphore_mem>>) src(%dma_wait3A_369 : memref<80x128xf32, #tpu.memory_space<hbm>>) dst(%dma_wait3A_366 : memref<80x128xf32, #tpu.memory_space<vmem>>)
      %run_scoped3A_370 = arith.constant 3 : i32
      %run_scoped3A_371 = arith.constant 0 : i32
      %run_scoped3A_372 = arith.constant 1 : i32
      %run_scoped3A_373 = arith.constant 3 : i32
      "tpu.region"() ({
        %run_scoped3A_711 = tpu.sem_alloc : memref<!tpu.dma_semaphore, #tpu.memory_space<semaphore_mem>>
        %dma_start3A_712 = arith.constant 0 : i32
        %dma_start3A_713 = arith.constant 0 : i32
        %dma_start3A_714 = tpu.memref_slice %arg8[%run_scoped3A_370, %dma_start3A_712, %dma_start3A_713] : memref<4x80x128xf32, #tpu.memory_space<vmem>> -> memref<1x80x128xf32, #tpu.memory_space<vmem>>
        %dma_start3A_715 = tpu.memref_squeeze %dma_start3A_714 : memref<1x80x128xf32, #tpu.memory_space<vmem>> -> memref<80x128xf32, #tpu.memory_space<vmem>>
        %dma_start3A_716 = arith.constant 0 : i32
        %dma_start3A_717 = tpu.memref_slice %arg7[%run_scoped3A_371, %run_scoped3A_372, %run_scoped3A_373, %dma_start3A_716] : memref<2x2x8x80xi32, #tpu.memory_space<vmem>> -> memref<1x1x1x80xi32, #tpu.memory_space<vmem>>
        %dma_start3A_718 = tpu.memref_squeeze %dma_start3A_717 : memref<1x1x1x80xi32, #tpu.memory_space<vmem>> -> memref<80xi32, #tpu.memory_space<vmem>>
        %dma_start3A_719 = arith.constant 0 : i32
        %dma_start3A_720 = arith.constant 0 : i32
        %dma_start3A_721 = tpu.memref_slice %arg9[%dma_start3A_719, %dma_start3A_720] : memref<10112x128xf32, #tpu.memory_space<vmem_shared>> -> memref<10112x128xf32, #tpu.memory_space<vmem_shared>>
        tpu.enqueue_indirect_dma source(%dma_start3A_715 : memref<80x128xf32, #tpu.memory_space<vmem>>) target(%dma_start3A_721 : memref<10112x128xf32, #tpu.memory_space<vmem_shared>>) offsets(%dma_start3A_718 : memref<80xi32, #tpu.memory_space<vmem>>) semaphore(%run_scoped3A_711 : memref<!tpu.dma_semaphore, #tpu.memory_space<semaphore_mem>>) {add = true}
        %dma_wait3A_722 = arith.constant 0 : i32
        %dma_wait3A_723 = arith.constant 0 : i32
        %dma_wait3A_724 = tpu.memref_slice %arg8[%run_scoped3A_370, %dma_wait3A_722, %dma_wait3A_723] : memref<4x80x128xf32, #tpu.memory_space<vmem>> -> memref<1x80x128xf32, #tpu.memory_space<vmem>>
        %dma_wait3A_725 = tpu.memref_squeeze %dma_wait3A_724 : memref<1x80x128xf32, #tpu.memory_space<vmem>> -> memref<80x128xf32, #tpu.memory_space<vmem>>
        %dma_wait3A_726 = arith.constant 0 : i32
        %dma_wait3A_727 = tpu.memref_slice %arg7[%run_scoped3A_371, %run_scoped3A_372, %run_scoped3A_373, %dma_wait3A_726] : memref<2x2x8x80xi32, #tpu.memory_space<vmem>> -> memref<1x1x1x80xi32, #tpu.memory_space<vmem>>
        %dma_wait3A_728 = tpu.memref_squeeze %dma_wait3A_727 : memref<1x1x1x80xi32, #tpu.memory_space<vmem>> -> memref<80xi32, #tpu.memory_space<vmem>>
        %dma_wait3A_729 = arith.constant 0 : i32
        %dma_wait3A_730 = arith.constant 0 : i32
        %dma_wait3A_731 = tpu.memref_slice %arg9[%dma_wait3A_729, %dma_wait3A_730] : memref<10112x128xf32, #tpu.memory_space<vmem_shared>> -> memref<10112x128xf32, #tpu.memory_space<vmem_shared>>
        tpu.wait_indirect_dma semaphore(%run_scoped3A_711 : memref<!tpu.dma_semaphore, #tpu.memory_space<semaphore_mem>>) src(%dma_wait3A_725 : memref<80x128xf32, #tpu.memory_space<vmem>>) dst(%dma_wait3A_731 : memref<10112x128xf32, #tpu.memory_space<vmem_shared>>)
        tpu.yield
      }) : () -> ()
      %dma_start3A_374 = arith.constant 0 : i32
      %dma_start3A_375 = arith.constant 0 : i32
      %dma_start3A_376 = arith.constant 7 : i32
      %dma_start3A_377 = arith.constant 3 : i32
      %dma_start3A_378 = arith.constant 0 : i32
      %dma_start3A_379 = arith.constant 0 : i32
      %dma_start3A_380 = tpu.memref_slice %arg8[%dma_start3A_377, %dma_start3A_378, %dma_start3A_379] : memref<4x80x128xf32, #tpu.memory_space<vmem>> -> memref<1x80x128xf32, #tpu.memory_space<vmem>>
      %dma_start3A_381 = tpu.memref_squeeze %dma_start3A_380 : memref<1x80x128xf32, #tpu.memory_space<vmem>> -> memref<80x128xf32, #tpu.memory_space<vmem>>
      %dma_start3A_382 = arith.constant 0 : i32
      %dma_start3A_383 = tpu.memref_slice %arg7[%dma_start3A_374, %dma_start3A_375, %dma_start3A_376, %dma_start3A_382] : memref<2x2x8x80xi32, #tpu.memory_space<vmem>> -> memref<1x1x1x80xi32, #tpu.memory_space<vmem>>
      %dma_start3A_384 = tpu.memref_squeeze %dma_start3A_383 : memref<1x1x1x80xi32, #tpu.memory_space<vmem>> -> memref<80xi32, #tpu.memory_space<vmem>>
      %dma_start3A_385 = arith.constant 0 : i32
      %dma_start3A_386 = arith.constant 0 : i32
      %dma_start3A_387 = tpu.memref_slice %arg2[%dma_start3A_385, %dma_start3A_386] : memref<10000x128xf32, #tpu.memory_space<hbm>> -> memref<10000x128xf32, #tpu.memory_space<hbm>>
      tpu.enqueue_indirect_dma source(%dma_start3A_387 : memref<10000x128xf32, #tpu.memory_space<hbm>>) target(%dma_start3A_381 : memref<80x128xf32, #tpu.memory_space<vmem>>) offsets(%dma_start3A_384 : memref<80xi32, #tpu.memory_space<vmem>>) semaphore(%arg13 : memref<!tpu.dma_semaphore, #tpu.memory_space<semaphore_mem>>)
      %dma_wait3A_388 = arith.constant 0 : i32
      %dma_wait3A_389 = arith.constant 0 : i32
      %dma_wait3A_390 = arith.constant 0 : i32
      %dma_wait3A_391 = arith.constant 0 : i32
      %dma_wait3A_392 = arith.constant 0 : i32
      %dma_wait3A_393 = arith.constant 0 : i32
      %dma_wait3A_394 = tpu.memref_slice %arg7[%dma_wait3A_390, %dma_wait3A_391, %dma_wait3A_392, %dma_wait3A_393] : memref<2x2x8x80xi32, #tpu.memory_space<vmem>> -> memref<1x1x8x80xi32, #tpu.memory_space<vmem>>
      %dma_wait3A_395 = tpu.memref_squeeze %dma_wait3A_394 : memref<1x1x8x80xi32, #tpu.memory_space<vmem>> -> memref<8x80xi32, #tpu.memory_space<vmem>>
      %dma_wait3A_396 = arith.constant 0 : i32
      %dma_wait3A_397 = arith.constant 0 : i32
      %dma_wait3A_398 = tpu.memref_slice %arg4[%dma_wait3A_388, %dma_wait3A_389, %dma_wait3A_396, %dma_wait3A_397] : memref<32x16x8x80xi32, #tpu.memory_space<hbm>> -> memref<1x1x8x80xi32, #tpu.memory_space<hbm>>
      %dma_wait3A_399 = tpu.memref_squeeze %dma_wait3A_398 : memref<1x1x8x80xi32, #tpu.memory_space<hbm>> -> memref<8x80xi32, #tpu.memory_space<hbm>>
      %dma_wait3A_400 = arith.constant 0 : i32
      %dma_wait3A_401 = arith.constant 0 : i32
      %dma_wait3A_402 = tpu.memref_slice %arg7[%dma_wait3A_390, %dma_wait3A_391, %dma_wait3A_400, %dma_wait3A_401] : memref<2x2x8x80xi32, #tpu.memory_space<vmem>> -> memref<1x1x8x80xi32, #tpu.memory_space<vmem>>
      %dma_wait3A_403 = tpu.memref_squeeze %dma_wait3A_402 : memref<1x1x8x80xi32, #tpu.memory_space<vmem>> -> memref<8x80xi32, #tpu.memory_space<vmem>>
      %dma_wait3A_404 = arith.constant 0 : i32
      %dma_wait3A_405 = arith.constant 0 : i32
      %dma_wait3A_406 = tpu.memref_slice %arg4[%dma_wait3A_388, %dma_wait3A_389, %dma_wait3A_404, %dma_wait3A_405] : memref<32x16x8x80xi32, #tpu.memory_space<hbm>> -> memref<1x1x8x80xi32, #tpu.memory_space<hbm>>
      %dma_wait3A_407 = tpu.memref_squeeze %dma_wait3A_406 : memref<1x1x8x80xi32, #tpu.memory_space<hbm>> -> memref<8x80xi32, #tpu.memory_space<hbm>>
      tpu.wait_dma2 semaphore(%arg14 : memref<!tpu.dma_semaphore, #tpu.memory_space<semaphore_mem>>) src(%dma_wait3A_407 : memref<8x80xi32, #tpu.memory_space<hbm>>) dst(%dma_wait3A_403 : memref<8x80xi32, #tpu.memory_space<vmem>>)
      %dma_wait3A_408 = arith.constant 0 : i32
      %dma_wait3A_409 = arith.constant 0 : i32
      %dma_wait3A_410 = arith.constant 0 : i32
      %dma_wait3A_411 = arith.constant 1 : i32
      %dma_wait3A_412 = arith.constant 0 : i32
      %dma_wait3A_413 = arith.constant 0 : i32
      %dma_wait3A_414 = tpu.memref_slice %arg7[%dma_wait3A_410, %dma_wait3A_411, %dma_wait3A_412, %dma_wait3A_413] : memref<2x2x8x80xi32, #tpu.memory_space<vmem>> -> memref<1x1x8x80xi32, #tpu.memory_space<vmem>>
      %dma_wait3A_415 = tpu.memref_squeeze %dma_wait3A_414 : memref<1x1x8x80xi32, #tpu.memory_space<vmem>> -> memref<8x80xi32, #tpu.memory_space<vmem>>
      %dma_wait3A_416 = arith.constant 0 : i32
      %dma_wait3A_417 = arith.constant 0 : i32
      %dma_wait3A_418 = tpu.memref_slice %arg5[%dma_wait3A_408, %dma_wait3A_409, %dma_wait3A_416, %dma_wait3A_417] : memref<32x16x8x80xi32, #tpu.memory_space<hbm>> -> memref<1x1x8x80xi32, #tpu.memory_space<hbm>>
      %dma_wait3A_419 = tpu.memref_squeeze %dma_wait3A_418 : memref<1x1x8x80xi32, #tpu.memory_space<hbm>> -> memref<8x80xi32, #tpu.memory_space<hbm>>
      %dma_wait3A_420 = arith.constant 0 : i32
      %dma_wait3A_421 = arith.constant 0 : i32
      %dma_wait3A_422 = tpu.memref_slice %arg7[%dma_wait3A_410, %dma_wait3A_411, %dma_wait3A_420, %dma_wait3A_421] : memref<2x2x8x80xi32, #tpu.memory_space<vmem>> -> memref<1x1x8x80xi32, #tpu.memory_space<vmem>>
      %dma_wait3A_423 = tpu.memref_squeeze %dma_wait3A_422 : memref<1x1x8x80xi32, #tpu.memory_space<vmem>> -> memref<8x80xi32, #tpu.memory_space<vmem>>
      %dma_wait3A_424 = arith.constant 0 : i32
      %dma_wait3A_425 = arith.constant 0 : i32
      %dma_wait3A_426 = tpu.memref_slice %arg5[%dma_wait3A_408, %dma_wait3A_409, %dma_wait3A_424, %dma_wait3A_425] : memref<32x16x8x80xi32, #tpu.memory_space<hbm>> -> memref<1x1x8x80xi32, #tpu.memory_space<hbm>>
      %dma_wait3A_427 = tpu.memref_squeeze %dma_wait3A_426 : memref<1x1x8x80xi32, #tpu.memory_space<hbm>> -> memref<8x80xi32, #tpu.memory_space<hbm>>
      tpu.wait_dma2 semaphore(%arg14 : memref<!tpu.dma_semaphore, #tpu.memory_space<semaphore_mem>>) src(%dma_wait3A_427 : memref<8x80xi32, #tpu.memory_space<hbm>>) dst(%dma_wait3A_423 : memref<8x80xi32, #tpu.memory_space<vmem>>)
      %dma_wait3A_428 = arith.constant 0 : i32
      %dma_wait3A_429 = arith.constant 0 : i32
      %dma_wait3A_430 = arith.constant 0 : i32
      %dma_wait3A_431 = tpu.memref_slice %arg8[%dma_wait3A_428, %dma_wait3A_429, %dma_wait3A_430] : memref<4x80x128xf32, #tpu.memory_space<vmem>> -> memref<1x80x128xf32, #tpu.memory_space<vmem>>
      %dma_wait3A_432 = tpu.memref_squeeze %dma_wait3A_431 : memref<1x80x128xf32, #tpu.memory_space<vmem>> -> memref<80x128xf32, #tpu.memory_space<vmem>>
      %dma_wait3A_433 = arith.constant 0 : i32
      %dma_wait3A_434 = arith.constant 0 : i32
      %dma_wait3A_435 = tpu.memref_slice %arg2[%dma_wait3A_433, %dma_wait3A_434] : memref<10000x128xf32, #tpu.memory_space<hbm>> -> memref<80x128xf32, #tpu.memory_space<hbm>>
      %dma_wait3A_436 = arith.constant 0 : i32
      %dma_wait3A_437 = arith.constant 0 : i32
      %dma_wait3A_438 = tpu.memref_slice %arg8[%dma_wait3A_428, %dma_wait3A_436, %dma_wait3A_437] : memref<4x80x128xf32, #tpu.memory_space<vmem>> -> memref<1x80x128xf32, #tpu.memory_space<vmem>>
      %dma_wait3A_439 = tpu.memref_squeeze %dma_wait3A_438 : memref<1x80x128xf32, #tpu.memory_space<vmem>> -> memref<80x128xf32, #tpu.memory_space<vmem>>
      %dma_wait3A_440 = arith.constant 0 : i32
      %dma_wait3A_441 = arith.constant 0 : i32
      %dma_wait3A_442 = tpu.memref_slice %arg2[%dma_wait3A_440, %dma_wait3A_441] : memref<10000x128xf32, #tpu.memory_space<hbm>> -> memref<80x128xf32, #tpu.memory_space<hbm>>
      tpu.wait_dma2 semaphore(%arg10 : memref<!tpu.dma_semaphore, #tpu.memory_space<semaphore_mem>>) src(%dma_wait3A_442 : memref<80x128xf32, #tpu.memory_space<hbm>>) dst(%dma_wait3A_439 : memref<80x128xf32, #tpu.memory_space<vmem>>)
      %run_scoped3A_443 = arith.constant 0 : i32
      %run_scoped3A_444 = arith.constant 0 : i32
      %run_scoped3A_445 = arith.constant 1 : i32
      %run_scoped3A_446 = arith.constant 4 : i32
      "tpu.region"() ({
        %run_scoped3A_711 = tpu.sem_alloc : memref<!tpu.dma_semaphore, #tpu.memory_space<semaphore_mem>>
        %dma_start3A_712 = arith.constant 0 : i32
        %dma_start3A_713 = arith.constant 0 : i32
        %dma_start3A_714 = tpu.memref_slice %arg8[%run_scoped3A_443, %dma_start3A_712, %dma_start3A_713] : memref<4x80x128xf32, #tpu.memory_space<vmem>> -> memref<1x80x128xf32, #tpu.memory_space<vmem>>
        %dma_start3A_715 = tpu.memref_squeeze %dma_start3A_714 : memref<1x80x128xf32, #tpu.memory_space<vmem>> -> memref<80x128xf32, #tpu.memory_space<vmem>>
        %dma_start3A_716 = arith.constant 0 : i32
        %dma_start3A_717 = tpu.memref_slice %arg7[%run_scoped3A_444, %run_scoped3A_445, %run_scoped3A_446, %dma_start3A_716] : memref<2x2x8x80xi32, #tpu.memory_space<vmem>> -> memref<1x1x1x80xi32, #tpu.memory_space<vmem>>
        %dma_start3A_718 = tpu.memref_squeeze %dma_start3A_717 : memref<1x1x1x80xi32, #tpu.memory_space<vmem>> -> memref<80xi32, #tpu.memory_space<vmem>>
        %dma_start3A_719 = arith.constant 0 : i32
        %dma_start3A_720 = arith.constant 0 : i32
        %dma_start3A_721 = tpu.memref_slice %arg9[%dma_start3A_719, %dma_start3A_720] : memref<10112x128xf32, #tpu.memory_space<vmem_shared>> -> memref<10112x128xf32, #tpu.memory_space<vmem_shared>>
        tpu.enqueue_indirect_dma source(%dma_start3A_715 : memref<80x128xf32, #tpu.memory_space<vmem>>) target(%dma_start3A_721 : memref<10112x128xf32, #tpu.memory_space<vmem_shared>>) offsets(%dma_start3A_718 : memref<80xi32, #tpu.memory_space<vmem>>) semaphore(%run_scoped3A_711 : memref<!tpu.dma_semaphore, #tpu.memory_space<semaphore_mem>>) {add = true}
        %dma_wait3A_722 = arith.constant 0 : i32
        %dma_wait3A_723 = arith.constant 0 : i32
        %dma_wait3A_724 = tpu.memref_slice %arg8[%run_scoped3A_443, %dma_wait3A_722, %dma_wait3A_723] : memref<4x80x128xf32, #tpu.memory_space<vmem>> -> memref<1x80x128xf32, #tpu.memory_space<vmem>>
        %dma_wait3A_725 = tpu.memref_squeeze %dma_wait3A_724 : memref<1x80x128xf32, #tpu.memory_space<vmem>> -> memref<80x128xf32, #tpu.memory_space<vmem>>
        %dma_wait3A_726 = arith.constant 0 : i32
        %dma_wait3A_727 = tpu.memref_slice %arg7[%run_scoped3A_444, %run_scoped3A_445, %run_scoped3A_446, %dma_wait3A_726] : memref<2x2x8x80xi32, #tpu.memory_space<vmem>> -> memref<1x1x1x80xi32, #tpu.memory_space<vmem>>
        %dma_wait3A_728 = tpu.memref_squeeze %dma_wait3A_727 : memref<1x1x1x80xi32, #tpu.memory_space<vmem>> -> memref<80xi32, #tpu.memory_space<vmem>>
        %dma_wait3A_729 = arith.constant 0 : i32
        %dma_wait3A_730 = arith.constant 0 : i32
        %dma_wait3A_731 = tpu.memref_slice %arg9[%dma_wait3A_729, %dma_wait3A_730] : memref<10112x128xf32, #tpu.memory_space<vmem_shared>> -> memref<10112x128xf32, #tpu.memory_space<vmem_shared>>
        tpu.wait_indirect_dma semaphore(%run_scoped3A_711 : memref<!tpu.dma_semaphore, #tpu.memory_space<semaphore_mem>>) src(%dma_wait3A_725 : memref<80x128xf32, #tpu.memory_space<vmem>>) dst(%dma_wait3A_731 : memref<10112x128xf32, #tpu.memory_space<vmem_shared>>)
        tpu.yield
      }) : () -> ()
      %dma_start3A_447 = arith.constant 1 : i32
      %dma_start3A_448 = arith.constant 0 : i32
      %dma_start3A_449 = arith.constant 0 : i32
      %dma_start3A_450 = arith.constant 0 : i32
      %dma_start3A_451 = arith.constant 0 : i32
      %dma_start3A_452 = arith.constant 0 : i32
      %dma_start3A_453 = tpu.memref_slice %arg8[%dma_start3A_450, %dma_start3A_451, %dma_start3A_452] : memref<4x80x128xf32, #tpu.memory_space<vmem>> -> memref<1x80x128xf32, #tpu.memory_space<vmem>>
      %dma_start3A_454 = tpu.memref_squeeze %dma_start3A_453 : memref<1x80x128xf32, #tpu.memory_space<vmem>> -> memref<80x128xf32, #tpu.memory_space<vmem>>
      %dma_start3A_455 = arith.constant 0 : i32
      %dma_start3A_456 = tpu.memref_slice %arg7[%dma_start3A_447, %dma_start3A_448, %dma_start3A_449, %dma_start3A_455] : memref<2x2x8x80xi32, #tpu.memory_space<vmem>> -> memref<1x1x1x80xi32, #tpu.memory_space<vmem>>
      %dma_start3A_457 = tpu.memref_squeeze %dma_start3A_456 : memref<1x1x1x80xi32, #tpu.memory_space<vmem>> -> memref<80xi32, #tpu.memory_space<vmem>>
      %dma_start3A_458 = arith.constant 0 : i32
      %dma_start3A_459 = arith.constant 0 : i32
      %dma_start3A_460 = tpu.memref_slice %arg2[%dma_start3A_458, %dma_start3A_459] : memref<10000x128xf32, #tpu.memory_space<hbm>> -> memref<10000x128xf32, #tpu.memory_space<hbm>>
      tpu.enqueue_indirect_dma source(%dma_start3A_460 : memref<10000x128xf32, #tpu.memory_space<hbm>>) target(%dma_start3A_454 : memref<80x128xf32, #tpu.memory_space<vmem>>) offsets(%dma_start3A_457 : memref<80xi32, #tpu.memory_space<vmem>>) semaphore(%arg10 : memref<!tpu.dma_semaphore, #tpu.memory_space<semaphore_mem>>)
      %dma_wait3A_461 = arith.constant 1 : i32
      %dma_wait3A_462 = arith.constant 0 : i32
      %dma_wait3A_463 = arith.constant 0 : i32
      %dma_wait3A_464 = tpu.memref_slice %arg8[%dma_wait3A_461, %dma_wait3A_462, %dma_wait3A_463] : memref<4x80x128xf32, #tpu.memory_space<vmem>> -> memref<1x80x128xf32, #tpu.memory_space<vmem>>
      %dma_wait3A_465 = tpu.memref_squeeze %dma_wait3A_464 : memref<1x80x128xf32, #tpu.memory_space<vmem>> -> memref<80x128xf32, #tpu.memory_space<vmem>>
      %dma_wait3A_466 = arith.constant 0 : i32
      %dma_wait3A_467 = arith.constant 0 : i32
      %dma_wait3A_468 = tpu.memref_slice %arg2[%dma_wait3A_466, %dma_wait3A_467] : memref<10000x128xf32, #tpu.memory_space<hbm>> -> memref<80x128xf32, #tpu.memory_space<hbm>>
      %dma_wait3A_469 = arith.constant 0 : i32
      %dma_wait3A_470 = arith.constant 0 : i32
      %dma_wait3A_471 = tpu.memref_slice %arg8[%dma_wait3A_461, %dma_wait3A_469, %dma_wait3A_470] : memref<4x80x128xf32, #tpu.memory_space<vmem>> -> memref<1x80x128xf32, #tpu.memory_space<vmem>>
      %dma_wait3A_472 = tpu.memref_squeeze %dma_wait3A_471 : memref<1x80x128xf32, #tpu.memory_space<vmem>> -> memref<80x128xf32, #tpu.memory_space<vmem>>
      %dma_wait3A_473 = arith.constant 0 : i32
      %dma_wait3A_474 = arith.constant 0 : i32
      %dma_wait3A_475 = tpu.memref_slice %arg2[%dma_wait3A_473, %dma_wait3A_474] : memref<10000x128xf32, #tpu.memory_space<hbm>> -> memref<80x128xf32, #tpu.memory_space<hbm>>
      tpu.wait_dma2 semaphore(%arg11 : memref<!tpu.dma_semaphore, #tpu.memory_space<semaphore_mem>>) src(%dma_wait3A_475 : memref<80x128xf32, #tpu.memory_space<hbm>>) dst(%dma_wait3A_472 : memref<80x128xf32, #tpu.memory_space<vmem>>)
      %run_scoped3A_476 = arith.constant 1 : i32
      %run_scoped3A_477 = arith.constant 0 : i32
      %run_scoped3A_478 = arith.constant 1 : i32
      %run_scoped3A_479 = arith.constant 5 : i32
      "tpu.region"() ({
        %run_scoped3A_711 = tpu.sem_alloc : memref<!tpu.dma_semaphore, #tpu.memory_space<semaphore_mem>>
        %dma_start3A_712 = arith.constant 0 : i32
        %dma_start3A_713 = arith.constant 0 : i32
        %dma_start3A_714 = tpu.memref_slice %arg8[%run_scoped3A_476, %dma_start3A_712, %dma_start3A_713] : memref<4x80x128xf32, #tpu.memory_space<vmem>> -> memref<1x80x128xf32, #tpu.memory_space<vmem>>
        %dma_start3A_715 = tpu.memref_squeeze %dma_start3A_714 : memref<1x80x128xf32, #tpu.memory_space<vmem>> -> memref<80x128xf32, #tpu.memory_space<vmem>>
        %dma_start3A_716 = arith.constant 0 : i32
        %dma_start3A_717 = tpu.memref_slice %arg7[%run_scoped3A_477, %run_scoped3A_478, %run_scoped3A_479, %dma_start3A_716] : memref<2x2x8x80xi32, #tpu.memory_space<vmem>> -> memref<1x1x1x80xi32, #tpu.memory_space<vmem>>
        %dma_start3A_718 = tpu.memref_squeeze %dma_start3A_717 : memref<1x1x1x80xi32, #tpu.memory_space<vmem>> -> memref<80xi32, #tpu.memory_space<vmem>>
        %dma_start3A_719 = arith.constant 0 : i32
        %dma_start3A_720 = arith.constant 0 : i32
        %dma_start3A_721 = tpu.memref_slice %arg9[%dma_start3A_719, %dma_start3A_720] : memref<10112x128xf32, #tpu.memory_space<vmem_shared>> -> memref<10112x128xf32, #tpu.memory_space<vmem_shared>>
        tpu.enqueue_indirect_dma source(%dma_start3A_715 : memref<80x128xf32, #tpu.memory_space<vmem>>) target(%dma_start3A_721 : memref<10112x128xf32, #tpu.memory_space<vmem_shared>>) offsets(%dma_start3A_718 : memref<80xi32, #tpu.memory_space<vmem>>) semaphore(%run_scoped3A_711 : memref<!tpu.dma_semaphore, #tpu.memory_space<semaphore_mem>>) {add = true}
        %dma_wait3A_722 = arith.constant 0 : i32
        %dma_wait3A_723 = arith.constant 0 : i32
        %dma_wait3A_724 = tpu.memref_slice %arg8[%run_scoped3A_476, %dma_wait3A_722, %dma_wait3A_723] : memref<4x80x128xf32, #tpu.memory_space<vmem>> -> memref<1x80x128xf32, #tpu.memory_space<vmem>>
        %dma_wait3A_725 = tpu.memref_squeeze %dma_wait3A_724 : memref<1x80x128xf32, #tpu.memory_space<vmem>> -> memref<80x128xf32, #tpu.memory_space<vmem>>
        %dma_wait3A_726 = arith.constant 0 : i32
        %dma_wait3A_727 = tpu.memref_slice %arg7[%run_scoped3A_477, %run_scoped3A_478, %run_scoped3A_479, %dma_wait3A_726] : memref<2x2x8x80xi32, #tpu.memory_space<vmem>> -> memref<1x1x1x80xi32, #tpu.memory_space<vmem>>
        %dma_wait3A_728 = tpu.memref_squeeze %dma_wait3A_727 : memref<1x1x1x80xi32, #tpu.memory_space<vmem>> -> memref<80xi32, #tpu.memory_space<vmem>>
        %dma_wait3A_729 = arith.constant 0 : i32
        %dma_wait3A_730 = arith.constant 0 : i32
        %dma_wait3A_731 = tpu.memref_slice %arg9[%dma_wait3A_729, %dma_wait3A_730] : memref<10112x128xf32, #tpu.memory_space<vmem_shared>> -> memref<10112x128xf32, #tpu.memory_space<vmem_shared>>
        tpu.wait_indirect_dma semaphore(%run_scoped3A_711 : memref<!tpu.dma_semaphore, #tpu.memory_space<semaphore_mem>>) src(%dma_wait3A_725 : memref<80x128xf32, #tpu.memory_space<vmem>>) dst(%dma_wait3A_731 : memref<10112x128xf32, #tpu.memory_space<vmem_shared>>)
        tpu.yield
      }) : () -> ()
      %dma_start3A_480 = arith.constant 1 : i32
      %dma_start3A_481 = arith.constant 0 : i32
      %dma_start3A_482 = arith.constant 1 : i32
      %dma_start3A_483 = arith.constant 1 : i32
      %dma_start3A_484 = arith.constant 0 : i32
      %dma_start3A_485 = arith.constant 0 : i32
      %dma_start3A_486 = tpu.memref_slice %arg8[%dma_start3A_483, %dma_start3A_484, %dma_start3A_485] : memref<4x80x128xf32, #tpu.memory_space<vmem>> -> memref<1x80x128xf32, #tpu.memory_space<vmem>>
      %dma_start3A_487 = tpu.memref_squeeze %dma_start3A_486 : memref<1x80x128xf32, #tpu.memory_space<vmem>> -> memref<80x128xf32, #tpu.memory_space<vmem>>
      %dma_start3A_488 = arith.constant 0 : i32
      %dma_start3A_489 = tpu.memref_slice %arg7[%dma_start3A_480, %dma_start3A_481, %dma_start3A_482, %dma_start3A_488] : memref<2x2x8x80xi32, #tpu.memory_space<vmem>> -> memref<1x1x1x80xi32, #tpu.memory_space<vmem>>
      %dma_start3A_490 = tpu.memref_squeeze %dma_start3A_489 : memref<1x1x1x80xi32, #tpu.memory_space<vmem>> -> memref<80xi32, #tpu.memory_space<vmem>>
      %dma_start3A_491 = arith.constant 0 : i32
      %dma_start3A_492 = arith.constant 0 : i32
      %dma_start3A_493 = tpu.memref_slice %arg2[%dma_start3A_491, %dma_start3A_492] : memref<10000x128xf32, #tpu.memory_space<hbm>> -> memref<10000x128xf32, #tpu.memory_space<hbm>>
      tpu.enqueue_indirect_dma source(%dma_start3A_493 : memref<10000x128xf32, #tpu.memory_space<hbm>>) target(%dma_start3A_487 : memref<80x128xf32, #tpu.memory_space<vmem>>) offsets(%dma_start3A_490 : memref<80xi32, #tpu.memory_space<vmem>>) semaphore(%arg11 : memref<!tpu.dma_semaphore, #tpu.memory_space<semaphore_mem>>)
      %dma_wait3A_494 = arith.constant 2 : i32
      %dma_wait3A_495 = arith.constant 0 : i32
      %dma_wait3A_496 = arith.constant 0 : i32
      %dma_wait3A_497 = tpu.memref_slice %arg8[%dma_wait3A_494, %dma_wait3A_495, %dma_wait3A_496] : memref<4x80x128xf32, #tpu.memory_space<vmem>> -> memref<1x80x128xf32, #tpu.memory_space<vmem>>
      %dma_wait3A_498 = tpu.memref_squeeze %dma_wait3A_497 : memref<1x80x128xf32, #tpu.memory_space<vmem>> -> memref<80x128xf32, #tpu.memory_space<vmem>>
      %dma_wait3A_499 = arith.constant 0 : i32
      %dma_wait3A_500 = arith.constant 0 : i32
      %dma_wait3A_501 = tpu.memref_slice %arg2[%dma_wait3A_499, %dma_wait3A_500] : memref<10000x128xf32, #tpu.memory_space<hbm>> -> memref<80x128xf32, #tpu.memory_space<hbm>>
      %dma_wait3A_502 = arith.constant 0 : i32
      %dma_wait3A_503 = arith.constant 0 : i32
      %dma_wait3A_504 = tpu.memref_slice %arg8[%dma_wait3A_494, %dma_wait3A_502, %dma_wait3A_503] : memref<4x80x128xf32, #tpu.memory_space<vmem>> -> memref<1x80x128xf32, #tpu.memory_space<vmem>>
      %dma_wait3A_505 = tpu.memref_squeeze %dma_wait3A_504 : memref<1x80x128xf32, #tpu.memory_space<vmem>> -> memref<80x128xf32, #tpu.memory_space<vmem>>
      %dma_wait3A_506 = arith.constant 0 : i32
      %dma_wait3A_507 = arith.constant 0 : i32
      %dma_wait3A_508 = tpu.memref_slice %arg2[%dma_wait3A_506, %dma_wait3A_507] : memref<10000x128xf32, #tpu.memory_space<hbm>> -> memref<80x128xf32, #tpu.memory_space<hbm>>
      tpu.wait_dma2 semaphore(%arg12 : memref<!tpu.dma_semaphore, #tpu.memory_space<semaphore_mem>>) src(%dma_wait3A_508 : memref<80x128xf32, #tpu.memory_space<hbm>>) dst(%dma_wait3A_505 : memref<80x128xf32, #tpu.memory_space<vmem>>)
      %run_scoped3A_509 = arith.constant 2 : i32
      %run_scoped3A_510 = arith.constant 0 : i32
      %run_scoped3A_511 = arith.constant 1 : i32
      %run_scoped3A_512 = arith.constant 6 : i32
      "tpu.region"() ({
        %run_scoped3A_711 = tpu.sem_alloc : memref<!tpu.dma_semaphore, #tpu.memory_space<semaphore_mem>>
        %dma_start3A_712 = arith.constant 0 : i32
        %dma_start3A_713 = arith.constant 0 : i32
        %dma_start3A_714 = tpu.memref_slice %arg8[%run_scoped3A_509, %dma_start3A_712, %dma_start3A_713] : memref<4x80x128xf32, #tpu.memory_space<vmem>> -> memref<1x80x128xf32, #tpu.memory_space<vmem>>
        %dma_start3A_715 = tpu.memref_squeeze %dma_start3A_714 : memref<1x80x128xf32, #tpu.memory_space<vmem>> -> memref<80x128xf32, #tpu.memory_space<vmem>>
        %dma_start3A_716 = arith.constant 0 : i32
        %dma_start3A_717 = tpu.memref_slice %arg7[%run_scoped3A_510, %run_scoped3A_511, %run_scoped3A_512, %dma_start3A_716] : memref<2x2x8x80xi32, #tpu.memory_space<vmem>> -> memref<1x1x1x80xi32, #tpu.memory_space<vmem>>
        %dma_start3A_718 = tpu.memref_squeeze %dma_start3A_717 : memref<1x1x1x80xi32, #tpu.memory_space<vmem>> -> memref<80xi32, #tpu.memory_space<vmem>>
        %dma_start3A_719 = arith.constant 0 : i32
        %dma_start3A_720 = arith.constant 0 : i32
        %dma_start3A_721 = tpu.memref_slice %arg9[%dma_start3A_719, %dma_start3A_720] : memref<10112x128xf32, #tpu.memory_space<vmem_shared>> -> memref<10112x128xf32, #tpu.memory_space<vmem_shared>>
        tpu.enqueue_indirect_dma source(%dma_start3A_715 : memref<80x128xf32, #tpu.memory_space<vmem>>) target(%dma_start3A_721 : memref<10112x128xf32, #tpu.memory_space<vmem_shared>>) offsets(%dma_start3A_718 : memref<80xi32, #tpu.memory_space<vmem>>) semaphore(%run_scoped3A_711 : memref<!tpu.dma_semaphore, #tpu.memory_space<semaphore_mem>>) {add = true}
        %dma_wait3A_722 = arith.constant 0 : i32
        %dma_wait3A_723 = arith.constant 0 : i32
        %dma_wait3A_724 = tpu.memref_slice %arg8[%run_scoped3A_509, %dma_wait3A_722, %dma_wait3A_723] : memref<4x80x128xf32, #tpu.memory_space<vmem>> -> memref<1x80x128xf32, #tpu.memory_space<vmem>>
        %dma_wait3A_725 = tpu.memref_squeeze %dma_wait3A_724 : memref<1x80x128xf32, #tpu.memory_space<vmem>> -> memref<80x128xf32, #tpu.memory_space<vmem>>
        %dma_wait3A_726 = arith.constant 0 : i32
        %dma_wait3A_727 = tpu.memref_slice %arg7[%run_scoped3A_510, %run_scoped3A_511, %run_scoped3A_512, %dma_wait3A_726] : memref<2x2x8x80xi32, #tpu.memory_space<vmem>> -> memref<1x1x1x80xi32, #tpu.memory_space<vmem>>
        %dma_wait3A_728 = tpu.memref_squeeze %dma_wait3A_727 : memref<1x1x1x80xi32, #tpu.memory_space<vmem>> -> memref<80xi32, #tpu.memory_space<vmem>>
        %dma_wait3A_729 = arith.constant 0 : i32
        %dma_wait3A_730 = arith.constant 0 : i32
        %dma_wait3A_731 = tpu.memref_slice %arg9[%dma_wait3A_729, %dma_wait3A_730] : memref<10112x128xf32, #tpu.memory_space<vmem_shared>> -> memref<10112x128xf32, #tpu.memory_space<vmem_shared>>
        tpu.wait_indirect_dma semaphore(%run_scoped3A_711 : memref<!tpu.dma_semaphore, #tpu.memory_space<semaphore_mem>>) src(%dma_wait3A_725 : memref<80x128xf32, #tpu.memory_space<vmem>>) dst(%dma_wait3A_731 : memref<10112x128xf32, #tpu.memory_space<vmem_shared>>)
        tpu.yield
      }) : () -> ()
      %dma_start3A_513 = arith.constant 1 : i32
      %dma_start3A_514 = arith.constant 0 : i32
      %dma_start3A_515 = arith.constant 2 : i32
      %dma_start3A_516 = arith.constant 2 : i32
      %dma_start3A_517 = arith.constant 0 : i32
      %dma_start3A_518 = arith.constant 0 : i32
      %dma_start3A_519 = tpu.memref_slice %arg8[%dma_start3A_516, %dma_start3A_517, %dma_start3A_518] : memref<4x80x128xf32, #tpu.memory_space<vmem>> -> memref<1x80x128xf32, #tpu.memory_space<vmem>>
      %dma_start3A_520 = tpu.memref_squeeze %dma_start3A_519 : memref<1x80x128xf32, #tpu.memory_space<vmem>> -> memref<80x128xf32, #tpu.memory_space<vmem>>
      %dma_start3A_521 = arith.constant 0 : i32
      %dma_start3A_522 = tpu.memref_slice %arg7[%dma_start3A_513, %dma_start3A_514, %dma_start3A_515, %dma_start3A_521] : memref<2x2x8x80xi32, #tpu.memory_space<vmem>> -> memref<1x1x1x80xi32, #tpu.memory_space<vmem>>
      %dma_start3A_523 = tpu.memref_squeeze %dma_start3A_522 : memref<1x1x1x80xi32, #tpu.memory_space<vmem>> -> memref<80xi32, #tpu.memory_space<vmem>>
      %dma_start3A_524 = arith.constant 0 : i32
      %dma_start3A_525 = arith.constant 0 : i32
      %dma_start3A_526 = tpu.memref_slice %arg2[%dma_start3A_524, %dma_start3A_525] : memref<10000x128xf32, #tpu.memory_space<hbm>> -> memref<10000x128xf32, #tpu.memory_space<hbm>>
      tpu.enqueue_indirect_dma source(%dma_start3A_526 : memref<10000x128xf32, #tpu.memory_space<hbm>>) target(%dma_start3A_520 : memref<80x128xf32, #tpu.memory_space<vmem>>) offsets(%dma_start3A_523 : memref<80xi32, #tpu.memory_space<vmem>>) semaphore(%arg12 : memref<!tpu.dma_semaphore, #tpu.memory_space<semaphore_mem>>)
      %dma_wait3A_527 = arith.constant 3 : i32
      %dma_wait3A_528 = arith.constant 0 : i32
      %dma_wait3A_529 = arith.constant 0 : i32
      %dma_wait3A_530 = tpu.memref_slice %arg8[%dma_wait3A_527, %dma_wait3A_528, %dma_wait3A_529] : memref<4x80x128xf32, #tpu.memory_space<vmem>> -> memref<1x80x128xf32, #tpu.memory_space<vmem>>
      %dma_wait3A_531 = tpu.memref_squeeze %dma_wait3A_530 : memref<1x80x128xf32, #tpu.memory_space<vmem>> -> memref<80x128xf32, #tpu.memory_space<vmem>>
      %dma_wait3A_532 = arith.constant 0 : i32
      %dma_wait3A_533 = arith.constant 0 : i32
      %dma_wait3A_534 = tpu.memref_slice %arg2[%dma_wait3A_532, %dma_wait3A_533] : memref<10000x128xf32, #tpu.memory_space<hbm>> -> memref<80x128xf32, #tpu.memory_space<hbm>>
      %dma_wait3A_535 = arith.constant 0 : i32
      %dma_wait3A_536 = arith.constant 0 : i32
      %dma_wait3A_537 = tpu.memref_slice %arg8[%dma_wait3A_527, %dma_wait3A_535, %dma_wait3A_536] : memref<4x80x128xf32, #tpu.memory_space<vmem>> -> memref<1x80x128xf32, #tpu.memory_space<vmem>>
      %dma_wait3A_538 = tpu.memref_squeeze %dma_wait3A_537 : memref<1x80x128xf32, #tpu.memory_space<vmem>> -> memref<80x128xf32, #tpu.memory_space<vmem>>
      %dma_wait3A_539 = arith.constant 0 : i32
      %dma_wait3A_540 = arith.constant 0 : i32
      %dma_wait3A_541 = tpu.memref_slice %arg2[%dma_wait3A_539, %dma_wait3A_540] : memref<10000x128xf32, #tpu.memory_space<hbm>> -> memref<80x128xf32, #tpu.memory_space<hbm>>
      tpu.wait_dma2 semaphore(%arg13 : memref<!tpu.dma_semaphore, #tpu.memory_space<semaphore_mem>>) src(%dma_wait3A_541 : memref<80x128xf32, #tpu.memory_space<hbm>>) dst(%dma_wait3A_538 : memref<80x128xf32, #tpu.memory_space<vmem>>)
      %run_scoped3A_542 = arith.constant 3 : i32
      %run_scoped3A_543 = arith.constant 0 : i32
      %run_scoped3A_544 = arith.constant 1 : i32
      %run_scoped3A_545 = arith.constant 7 : i32
      "tpu.region"() ({
        %run_scoped3A_711 = tpu.sem_alloc : memref<!tpu.dma_semaphore, #tpu.memory_space<semaphore_mem>>
        %dma_start3A_712 = arith.constant 0 : i32
        %dma_start3A_713 = arith.constant 0 : i32
        %dma_start3A_714 = tpu.memref_slice %arg8[%run_scoped3A_542, %dma_start3A_712, %dma_start3A_713] : memref<4x80x128xf32, #tpu.memory_space<vmem>> -> memref<1x80x128xf32, #tpu.memory_space<vmem>>
        %dma_start3A_715 = tpu.memref_squeeze %dma_start3A_714 : memref<1x80x128xf32, #tpu.memory_space<vmem>> -> memref<80x128xf32, #tpu.memory_space<vmem>>
        %dma_start3A_716 = arith.constant 0 : i32
        %dma_start3A_717 = tpu.memref_slice %arg7[%run_scoped3A_543, %run_scoped3A_544, %run_scoped3A_545, %dma_start3A_716] : memref<2x2x8x80xi32, #tpu.memory_space<vmem>> -> memref<1x1x1x80xi32, #tpu.memory_space<vmem>>
        %dma_start3A_718 = tpu.memref_squeeze %dma_start3A_717 : memref<1x1x1x80xi32, #tpu.memory_space<vmem>> -> memref<80xi32, #tpu.memory_space<vmem>>
        %dma_start3A_719 = arith.constant 0 : i32
        %dma_start3A_720 = arith.constant 0 : i32
        %dma_start3A_721 = tpu.memref_slice %arg9[%dma_start3A_719, %dma_start3A_720] : memref<10112x128xf32, #tpu.memory_space<vmem_shared>> -> memref<10112x128xf32, #tpu.memory_space<vmem_shared>>
        tpu.enqueue_indirect_dma source(%dma_start3A_715 : memref<80x128xf32, #tpu.memory_space<vmem>>) target(%dma_start3A_721 : memref<10112x128xf32, #tpu.memory_space<vmem_shared>>) offsets(%dma_start3A_718 : memref<80xi32, #tpu.memory_space<vmem>>) semaphore(%run_scoped3A_711 : memref<!tpu.dma_semaphore, #tpu.memory_space<semaphore_mem>>) {add = true}
        %dma_wait3A_722 = arith.constant 0 : i32
        %dma_wait3A_723 = arith.constant 0 : i32
        %dma_wait3A_724 = tpu.memref_slice %arg8[%run_scoped3A_542, %dma_wait3A_722, %dma_wait3A_723] : memref<4x80x128xf32, #tpu.memory_space<vmem>> -> memref<1x80x128xf32, #tpu.memory_space<vmem>>
        %dma_wait3A_725 = tpu.memref_squeeze %dma_wait3A_724 : memref<1x80x128xf32, #tpu.memory_space<vmem>> -> memref<80x128xf32, #tpu.memory_space<vmem>>
        %dma_wait3A_726 = arith.constant 0 : i32
        %dma_wait3A_727 = tpu.memref_slice %arg7[%run_scoped3A_543, %run_scoped3A_544, %run_scoped3A_545, %dma_wait3A_726] : memref<2x2x8x80xi32, #tpu.memory_space<vmem>> -> memref<1x1x1x80xi32, #tpu.memory_space<vmem>>
        %dma_wait3A_728 = tpu.memref_squeeze %dma_wait3A_727 : memref<1x1x1x80xi32, #tpu.memory_space<vmem>> -> memref<80xi32, #tpu.memory_space<vmem>>
        %dma_wait3A_729 = arith.constant 0 : i32
        %dma_wait3A_730 = arith.constant 0 : i32
        %dma_wait3A_731 = tpu.memref_slice %arg9[%dma_wait3A_729, %dma_wait3A_730] : memref<10112x128xf32, #tpu.memory_space<vmem_shared>> -> memref<10112x128xf32, #tpu.memory_space<vmem_shared>>
        tpu.wait_indirect_dma semaphore(%run_scoped3A_711 : memref<!tpu.dma_semaphore, #tpu.memory_space<semaphore_mem>>) src(%dma_wait3A_725 : memref<80x128xf32, #tpu.memory_space<vmem>>) dst(%dma_wait3A_731 : memref<10112x128xf32, #tpu.memory_space<vmem_shared>>)
        tpu.yield
      }) : () -> ()
      %dma_start3A_546 = arith.constant 1 : i32
      %dma_start3A_547 = arith.constant 0 : i32
      %dma_start3A_548 = arith.constant 3 : i32
      %dma_start3A_549 = arith.constant 3 : i32
      %dma_start3A_550 = arith.constant 0 : i32
      %dma_start3A_551 = arith.constant 0 : i32
      %dma_start3A_552 = tpu.memref_slice %arg8[%dma_start3A_549, %dma_start3A_550, %dma_start3A_551] : memref<4x80x128xf32, #tpu.memory_space<vmem>> -> memref<1x80x128xf32, #tpu.memory_space<vmem>>
      %dma_start3A_553 = tpu.memref_squeeze %dma_start3A_552 : memref<1x80x128xf32, #tpu.memory_space<vmem>> -> memref<80x128xf32, #tpu.memory_space<vmem>>
      %dma_start3A_554 = arith.constant 0 : i32
      %dma_start3A_555 = tpu.memref_slice %arg7[%dma_start3A_546, %dma_start3A_547, %dma_start3A_548, %dma_start3A_554] : memref<2x2x8x80xi32, #tpu.memory_space<vmem>> -> memref<1x1x1x80xi32, #tpu.memory_space<vmem>>
      %dma_start3A_556 = tpu.memref_squeeze %dma_start3A_555 : memref<1x1x1x80xi32, #tpu.memory_space<vmem>> -> memref<80xi32, #tpu.memory_space<vmem>>
      %dma_start3A_557 = arith.constant 0 : i32
      %dma_start3A_558 = arith.constant 0 : i32
      %dma_start3A_559 = tpu.memref_slice %arg2[%dma_start3A_557, %dma_start3A_558] : memref<10000x128xf32, #tpu.memory_space<hbm>> -> memref<10000x128xf32, #tpu.memory_space<hbm>>
      tpu.enqueue_indirect_dma source(%dma_start3A_559 : memref<10000x128xf32, #tpu.memory_space<hbm>>) target(%dma_start3A_553 : memref<80x128xf32, #tpu.memory_space<vmem>>) offsets(%dma_start3A_556 : memref<80xi32, #tpu.memory_space<vmem>>) semaphore(%arg13 : memref<!tpu.dma_semaphore, #tpu.memory_space<semaphore_mem>>)
      %convert_element_type3A = arith.extui %lt3A_255 : i1 to i32
      %cond3A = arith.constant 0 : i32
      %cond3A_560 = arith.cmpi ne, %convert_element_type3A, %cond3A : i32
      scf.if %cond3A_560 {
        %mul3A_711 = arith.constant 2 : i32
        %mul3A_712 = arith.muli %mul3A_711, %scan3A_254 : i32
        %add3A_713 = arith.constant 2 : i32
        %add3A_714 = arith.addi %mul3A_712, %add3A_713 : i32
        %dma_start3A_715 = arith.constant 0 : i32
        %dma_start3A_716 = arith.constant 0 : i32
        %dma_start3A_717 = arith.constant 0 : i32
        %dma_start3A_718 = arith.constant 0 : i32
        %dma_start3A_719 = tpu.memref_slice %arg7[%dma_start3A_715, %dma_start3A_716, %dma_start3A_717, %dma_start3A_718] : memref<2x2x8x80xi32, #tpu.memory_space<vmem>> -> memref<1x1x8x80xi32, #tpu.memory_space<vmem>>
        %dma_start3A_720 = tpu.memref_squeeze %dma_start3A_719 : memref<1x1x8x80xi32, #tpu.memory_space<vmem>> -> memref<8x80xi32, #tpu.memory_space<vmem>>
        %dma_start3A_721 = arith.constant 0 : i32
        %dma_start3A_722 = arith.constant 0 : i32
        %dma_start3A_723 = tpu.memref_slice %arg4[%add3A, %add3A_714, %dma_start3A_721, %dma_start3A_722] : memref<32x16x8x80xi32, #tpu.memory_space<hbm>> -> memref<1x1x8x80xi32, #tpu.memory_space<hbm>>
        %dma_start3A_724 = tpu.memref_squeeze %dma_start3A_723 : memref<1x1x8x80xi32, #tpu.memory_space<hbm>> -> memref<8x80xi32, #tpu.memory_space<hbm>>
        %dma_start3A_725 = arith.constant 0 : i32
        %dma_start3A_726 = arith.constant 0 : i32
        %dma_start3A_727 = tpu.memref_slice %arg7[%dma_start3A_715, %dma_start3A_716, %dma_start3A_725, %dma_start3A_726] : memref<2x2x8x80xi32, #tpu.memory_space<vmem>> -> memref<1x1x8x80xi32, #tpu.memory_space<vmem>>
        %dma_start3A_728 = tpu.memref_squeeze %dma_start3A_727 : memref<1x1x8x80xi32, #tpu.memory_space<vmem>> -> memref<8x80xi32, #tpu.memory_space<vmem>>
        %dma_start3A_729 = arith.constant 0 : i32
        %dma_start3A_730 = arith.constant 0 : i32
        %dma_start3A_731 = tpu.memref_slice %arg4[%add3A, %add3A_714, %dma_start3A_729, %dma_start3A_730] : memref<32x16x8x80xi32, #tpu.memory_space<hbm>> -> memref<1x1x8x80xi32, #tpu.memory_space<hbm>>
        %dma_start3A_732 = tpu.memref_squeeze %dma_start3A_731 : memref<1x1x8x80xi32, #tpu.memory_space<hbm>> -> memref<8x80xi32, #tpu.memory_space<hbm>>
        tpu.enqueue_dma source(%dma_start3A_732 : memref<8x80xi32, #tpu.memory_space<hbm>>) target(%dma_start3A_728 : memref<8x80xi32, #tpu.memory_space<vmem>>) target_semaphore(%arg14 : memref<!tpu.dma_semaphore, #tpu.memory_space<semaphore_mem>>)
        %dma_start3A_733 = arith.constant 0 : i32
        %dma_start3A_734 = arith.constant 1 : i32
        %dma_start3A_735 = arith.constant 0 : i32
        %dma_start3A_736 = arith.constant 0 : i32
        %dma_start3A_737 = tpu.memref_slice %arg7[%dma_start3A_733, %dma_start3A_734, %dma_start3A_735, %dma_start3A_736] : memref<2x2x8x80xi32, #tpu.memory_space<vmem>> -> memref<1x1x8x80xi32, #tpu.memory_space<vmem>>
        %dma_start3A_738 = tpu.memref_squeeze %dma_start3A_737 : memref<1x1x8x80xi32, #tpu.memory_space<vmem>> -> memref<8x80xi32, #tpu.memory_space<vmem>>
        %dma_start3A_739 = arith.constant 0 : i32
        %dma_start3A_740 = arith.constant 0 : i32
        %dma_start3A_741 = tpu.memref_slice %arg5[%add3A, %add3A_714, %dma_start3A_739, %dma_start3A_740] : memref<32x16x8x80xi32, #tpu.memory_space<hbm>> -> memref<1x1x8x80xi32, #tpu.memory_space<hbm>>
        %dma_start3A_742 = tpu.memref_squeeze %dma_start3A_741 : memref<1x1x8x80xi32, #tpu.memory_space<hbm>> -> memref<8x80xi32, #tpu.memory_space<hbm>>
        %dma_start3A_743 = arith.constant 0 : i32
        %dma_start3A_744 = arith.constant 0 : i32
        %dma_start3A_745 = tpu.memref_slice %arg7[%dma_start3A_733, %dma_start3A_734, %dma_start3A_743, %dma_start3A_744] : memref<2x2x8x80xi32, #tpu.memory_space<vmem>> -> memref<1x1x8x80xi32, #tpu.memory_space<vmem>>
        %dma_start3A_746 = tpu.memref_squeeze %dma_start3A_745 : memref<1x1x8x80xi32, #tpu.memory_space<vmem>> -> memref<8x80xi32, #tpu.memory_space<vmem>>
        %dma_start3A_747 = arith.constant 0 : i32
        %dma_start3A_748 = arith.constant 0 : i32
        %dma_start3A_749 = tpu.memref_slice %arg5[%add3A, %add3A_714, %dma_start3A_747, %dma_start3A_748] : memref<32x16x8x80xi32, #tpu.memory_space<hbm>> -> memref<1x1x8x80xi32, #tpu.memory_space<hbm>>
        %dma_start3A_750 = tpu.memref_squeeze %dma_start3A_749 : memref<1x1x8x80xi32, #tpu.memory_space<hbm>> -> memref<8x80xi32, #tpu.memory_space<hbm>>
        tpu.enqueue_dma source(%dma_start3A_750 : memref<8x80xi32, #tpu.memory_space<hbm>>) target(%dma_start3A_746 : memref<8x80xi32, #tpu.memory_space<vmem>>) target_semaphore(%arg14 : memref<!tpu.dma_semaphore, #tpu.memory_space<semaphore_mem>>)
      } else {
      }
      %dma_wait3A_561 = arith.constant 0 : i32
      %dma_wait3A_562 = arith.constant 0 : i32
      %dma_wait3A_563 = arith.constant 0 : i32
      %dma_wait3A_564 = tpu.memref_slice %arg8[%dma_wait3A_561, %dma_wait3A_562, %dma_wait3A_563] : memref<4x80x128xf32, #tpu.memory_space<vmem>> -> memref<1x80x128xf32, #tpu.memory_space<vmem>>
      %dma_wait3A_565 = tpu.memref_squeeze %dma_wait3A_564 : memref<1x80x128xf32, #tpu.memory_space<vmem>> -> memref<80x128xf32, #tpu.memory_space<vmem>>
      %dma_wait3A_566 = arith.constant 0 : i32
      %dma_wait3A_567 = arith.constant 0 : i32
      %dma_wait3A_568 = tpu.memref_slice %arg2[%dma_wait3A_566, %dma_wait3A_567] : memref<10000x128xf32, #tpu.memory_space<hbm>> -> memref<80x128xf32, #tpu.memory_space<hbm>>
      %dma_wait3A_569 = arith.constant 0 : i32
      %dma_wait3A_570 = arith.constant 0 : i32
      %dma_wait3A_571 = tpu.memref_slice %arg8[%dma_wait3A_561, %dma_wait3A_569, %dma_wait3A_570] : memref<4x80x128xf32, #tpu.memory_space<vmem>> -> memref<1x80x128xf32, #tpu.memory_space<vmem>>
      %dma_wait3A_572 = tpu.memref_squeeze %dma_wait3A_571 : memref<1x80x128xf32, #tpu.memory_space<vmem>> -> memref<80x128xf32, #tpu.memory_space<vmem>>
      %dma_wait3A_573 = arith.constant 0 : i32
      %dma_wait3A_574 = arith.constant 0 : i32
      %dma_wait3A_575 = tpu.memref_slice %arg2[%dma_wait3A_573, %dma_wait3A_574] : memref<10000x128xf32, #tpu.memory_space<hbm>> -> memref<80x128xf32, #tpu.memory_space<hbm>>
      tpu.wait_dma2 semaphore(%arg10 : memref<!tpu.dma_semaphore, #tpu.memory_space<semaphore_mem>>) src(%dma_wait3A_575 : memref<80x128xf32, #tpu.memory_space<hbm>>) dst(%dma_wait3A_572 : memref<80x128xf32, #tpu.memory_space<vmem>>)
      %run_scoped3A_576 = arith.constant 0 : i32
      %run_scoped3A_577 = arith.constant 1 : i32
      %run_scoped3A_578 = arith.constant 1 : i32
      %run_scoped3A_579 = arith.constant 0 : i32
      "tpu.region"() ({
        %run_scoped3A_711 = tpu.sem_alloc : memref<!tpu.dma_semaphore, #tpu.memory_space<semaphore_mem>>
        %dma_start3A_712 = arith.constant 0 : i32
        %dma_start3A_713 = arith.constant 0 : i32
        %dma_start3A_714 = tpu.memref_slice %arg8[%run_scoped3A_576, %dma_start3A_712, %dma_start3A_713] : memref<4x80x128xf32, #tpu.memory_space<vmem>> -> memref<1x80x128xf32, #tpu.memory_space<vmem>>
        %dma_start3A_715 = tpu.memref_squeeze %dma_start3A_714 : memref<1x80x128xf32, #tpu.memory_space<vmem>> -> memref<80x128xf32, #tpu.memory_space<vmem>>
        %dma_start3A_716 = arith.constant 0 : i32
        %dma_start3A_717 = tpu.memref_slice %arg7[%run_scoped3A_577, %run_scoped3A_578, %run_scoped3A_579, %dma_start3A_716] : memref<2x2x8x80xi32, #tpu.memory_space<vmem>> -> memref<1x1x1x80xi32, #tpu.memory_space<vmem>>
        %dma_start3A_718 = tpu.memref_squeeze %dma_start3A_717 : memref<1x1x1x80xi32, #tpu.memory_space<vmem>> -> memref<80xi32, #tpu.memory_space<vmem>>
        %dma_start3A_719 = arith.constant 0 : i32
        %dma_start3A_720 = arith.constant 0 : i32
        %dma_start3A_721 = tpu.memref_slice %arg9[%dma_start3A_719, %dma_start3A_720] : memref<10112x128xf32, #tpu.memory_space<vmem_shared>> -> memref<10112x128xf32, #tpu.memory_space<vmem_shared>>
        tpu.enqueue_indirect_dma source(%dma_start3A_715 : memref<80x128xf32, #tpu.memory_space<vmem>>) target(%dma_start3A_721 : memref<10112x128xf32, #tpu.memory_space<vmem_shared>>) offsets(%dma_start3A_718 : memref<80xi32, #tpu.memory_space<vmem>>) semaphore(%run_scoped3A_711 : memref<!tpu.dma_semaphore, #tpu.memory_space<semaphore_mem>>) {add = true}
        %dma_wait3A_722 = arith.constant 0 : i32
        %dma_wait3A_723 = arith.constant 0 : i32
        %dma_wait3A_724 = tpu.memref_slice %arg8[%run_scoped3A_576, %dma_wait3A_722, %dma_wait3A_723] : memref<4x80x128xf32, #tpu.memory_space<vmem>> -> memref<1x80x128xf32, #tpu.memory_space<vmem>>
        %dma_wait3A_725 = tpu.memref_squeeze %dma_wait3A_724 : memref<1x80x128xf32, #tpu.memory_space<vmem>> -> memref<80x128xf32, #tpu.memory_space<vmem>>
        %dma_wait3A_726 = arith.constant 0 : i32
        %dma_wait3A_727 = tpu.memref_slice %arg7[%run_scoped3A_577, %run_scoped3A_578, %run_scoped3A_579, %dma_wait3A_726] : memref<2x2x8x80xi32, #tpu.memory_space<vmem>> -> memref<1x1x1x80xi32, #tpu.memory_space<vmem>>
        %dma_wait3A_728 = tpu.memref_squeeze %dma_wait3A_727 : memref<1x1x1x80xi32, #tpu.memory_space<vmem>> -> memref<80xi32, #tpu.memory_space<vmem>>
        %dma_wait3A_729 = arith.constant 0 : i32
        %dma_wait3A_730 = arith.constant 0 : i32
        %dma_wait3A_731 = tpu.memref_slice %arg9[%dma_wait3A_729, %dma_wait3A_730] : memref<10112x128xf32, #tpu.memory_space<vmem_shared>> -> memref<10112x128xf32, #tpu.memory_space<vmem_shared>>
        tpu.wait_indirect_dma semaphore(%run_scoped3A_711 : memref<!tpu.dma_semaphore, #tpu.memory_space<semaphore_mem>>) src(%dma_wait3A_725 : memref<80x128xf32, #tpu.memory_space<vmem>>) dst(%dma_wait3A_731 : memref<10112x128xf32, #tpu.memory_space<vmem_shared>>)
        tpu.yield
      }) : () -> ()
      %dma_start3A_580 = arith.constant 1 : i32
      %dma_start3A_581 = arith.constant 0 : i32
      %dma_start3A_582 = arith.constant 4 : i32
      %dma_start3A_583 = arith.constant 0 : i32
      %dma_start3A_584 = arith.constant 0 : i32
      %dma_start3A_585 = arith.constant 0 : i32
      %dma_start3A_586 = tpu.memref_slice %arg8[%dma_start3A_583, %dma_start3A_584, %dma_start3A_585] : memref<4x80x128xf32, #tpu.memory_space<vmem>> -> memref<1x80x128xf32, #tpu.memory_space<vmem>>
      %dma_start3A_587 = tpu.memref_squeeze %dma_start3A_586 : memref<1x80x128xf32, #tpu.memory_space<vmem>> -> memref<80x128xf32, #tpu.memory_space<vmem>>
      %dma_start3A_588 = arith.constant 0 : i32
      %dma_start3A_589 = tpu.memref_slice %arg7[%dma_start3A_580, %dma_start3A_581, %dma_start3A_582, %dma_start3A_588] : memref<2x2x8x80xi32, #tpu.memory_space<vmem>> -> memref<1x1x1x80xi32, #tpu.memory_space<vmem>>
      %dma_start3A_590 = tpu.memref_squeeze %dma_start3A_589 : memref<1x1x1x80xi32, #tpu.memory_space<vmem>> -> memref<80xi32, #tpu.memory_space<vmem>>
      %dma_start3A_591 = arith.constant 0 : i32
      %dma_start3A_592 = arith.constant 0 : i32
      %dma_start3A_593 = tpu.memref_slice %arg2[%dma_start3A_591, %dma_start3A_592] : memref<10000x128xf32, #tpu.memory_space<hbm>> -> memref<10000x128xf32, #tpu.memory_space<hbm>>
      tpu.enqueue_indirect_dma source(%dma_start3A_593 : memref<10000x128xf32, #tpu.memory_space<hbm>>) target(%dma_start3A_587 : memref<80x128xf32, #tpu.memory_space<vmem>>) offsets(%dma_start3A_590 : memref<80xi32, #tpu.memory_space<vmem>>) semaphore(%arg10 : memref<!tpu.dma_semaphore, #tpu.memory_space<semaphore_mem>>)
      %dma_wait3A_594 = arith.constant 1 : i32
      %dma_wait3A_595 = arith.constant 0 : i32
      %dma_wait3A_596 = arith.constant 0 : i32
      %dma_wait3A_597 = tpu.memref_slice %arg8[%dma_wait3A_594, %dma_wait3A_595, %dma_wait3A_596] : memref<4x80x128xf32, #tpu.memory_space<vmem>> -> memref<1x80x128xf32, #tpu.memory_space<vmem>>
      %dma_wait3A_598 = tpu.memref_squeeze %dma_wait3A_597 : memref<1x80x128xf32, #tpu.memory_space<vmem>> -> memref<80x128xf32, #tpu.memory_space<vmem>>
      %dma_wait3A_599 = arith.constant 0 : i32
      %dma_wait3A_600 = arith.constant 0 : i32
      %dma_wait3A_601 = tpu.memref_slice %arg2[%dma_wait3A_599, %dma_wait3A_600] : memref<10000x128xf32, #tpu.memory_space<hbm>> -> memref<80x128xf32, #tpu.memory_space<hbm>>
      %dma_wait3A_602 = arith.constant 0 : i32
      %dma_wait3A_603 = arith.constant 0 : i32
      %dma_wait3A_604 = tpu.memref_slice %arg8[%dma_wait3A_594, %dma_wait3A_602, %dma_wait3A_603] : memref<4x80x128xf32, #tpu.memory_space<vmem>> -> memref<1x80x128xf32, #tpu.memory_space<vmem>>
      %dma_wait3A_605 = tpu.memref_squeeze %dma_wait3A_604 : memref<1x80x128xf32, #tpu.memory_space<vmem>> -> memref<80x128xf32, #tpu.memory_space<vmem>>
      %dma_wait3A_606 = arith.constant 0 : i32
      %dma_wait3A_607 = arith.constant 0 : i32
      %dma_wait3A_608 = tpu.memref_slice %arg2[%dma_wait3A_606, %dma_wait3A_607] : memref<10000x128xf32, #tpu.memory_space<hbm>> -> memref<80x128xf32, #tpu.memory_space<hbm>>
      tpu.wait_dma2 semaphore(%arg11 : memref<!tpu.dma_semaphore, #tpu.memory_space<semaphore_mem>>) src(%dma_wait3A_608 : memref<80x128xf32, #tpu.memory_space<hbm>>) dst(%dma_wait3A_605 : memref<80x128xf32, #tpu.memory_space<vmem>>)
      %run_scoped3A_609 = arith.constant 1 : i32
      %run_scoped3A_610 = arith.constant 1 : i32
      %run_scoped3A_611 = arith.constant 1 : i32
      %run_scoped3A_612 = arith.constant 1 : i32
      "tpu.region"() ({
        %run_scoped3A_711 = tpu.sem_alloc : memref<!tpu.dma_semaphore, #tpu.memory_space<semaphore_mem>>
        %dma_start3A_712 = arith.constant 0 : i32
        %dma_start3A_713 = arith.constant 0 : i32
        %dma_start3A_714 = tpu.memref_slice %arg8[%run_scoped3A_609, %dma_start3A_712, %dma_start3A_713] : memref<4x80x128xf32, #tpu.memory_space<vmem>> -> memref<1x80x128xf32, #tpu.memory_space<vmem>>
        %dma_start3A_715 = tpu.memref_squeeze %dma_start3A_714 : memref<1x80x128xf32, #tpu.memory_space<vmem>> -> memref<80x128xf32, #tpu.memory_space<vmem>>
        %dma_start3A_716 = arith.constant 0 : i32
        %dma_start3A_717 = tpu.memref_slice %arg7[%run_scoped3A_610, %run_scoped3A_611, %run_scoped3A_612, %dma_start3A_716] : memref<2x2x8x80xi32, #tpu.memory_space<vmem>> -> memref<1x1x1x80xi32, #tpu.memory_space<vmem>>
        %dma_start3A_718 = tpu.memref_squeeze %dma_start3A_717 : memref<1x1x1x80xi32, #tpu.memory_space<vmem>> -> memref<80xi32, #tpu.memory_space<vmem>>
        %dma_start3A_719 = arith.constant 0 : i32
        %dma_start3A_720 = arith.constant 0 : i32
        %dma_start3A_721 = tpu.memref_slice %arg9[%dma_start3A_719, %dma_start3A_720] : memref<10112x128xf32, #tpu.memory_space<vmem_shared>> -> memref<10112x128xf32, #tpu.memory_space<vmem_shared>>
        tpu.enqueue_indirect_dma source(%dma_start3A_715 : memref<80x128xf32, #tpu.memory_space<vmem>>) target(%dma_start3A_721 : memref<10112x128xf32, #tpu.memory_space<vmem_shared>>) offsets(%dma_start3A_718 : memref<80xi32, #tpu.memory_space<vmem>>) semaphore(%run_scoped3A_711 : memref<!tpu.dma_semaphore, #tpu.memory_space<semaphore_mem>>) {add = true}
        %dma_wait3A_722 = arith.constant 0 : i32
        %dma_wait3A_723 = arith.constant 0 : i32
        %dma_wait3A_724 = tpu.memref_slice %arg8[%run_scoped3A_609, %dma_wait3A_722, %dma_wait3A_723] : memref<4x80x128xf32, #tpu.memory_space<vmem>> -> memref<1x80x128xf32, #tpu.memory_space<vmem>>
        %dma_wait3A_725 = tpu.memref_squeeze %dma_wait3A_724 : memref<1x80x128xf32, #tpu.memory_space<vmem>> -> memref<80x128xf32, #tpu.memory_space<vmem>>
        %dma_wait3A_726 = arith.constant 0 : i32
        %dma_wait3A_727 = tpu.memref_slice %arg7[%run_scoped3A_610, %run_scoped3A_611, %run_scoped3A_612, %dma_wait3A_726] : memref<2x2x8x80xi32, #tpu.memory_space<vmem>> -> memref<1x1x1x80xi32, #tpu.memory_space<vmem>>
        %dma_wait3A_728 = tpu.memref_squeeze %dma_wait3A_727 : memref<1x1x1x80xi32, #tpu.memory_space<vmem>> -> memref<80xi32, #tpu.memory_space<vmem>>
        %dma_wait3A_729 = arith.constant 0 : i32
        %dma_wait3A_730 = arith.constant 0 : i32
        %dma_wait3A_731 = tpu.memref_slice %arg9[%dma_wait3A_729, %dma_wait3A_730] : memref<10112x128xf32, #tpu.memory_space<vmem_shared>> -> memref<10112x128xf32, #tpu.memory_space<vmem_shared>>
        tpu.wait_indirect_dma semaphore(%run_scoped3A_711 : memref<!tpu.dma_semaphore, #tpu.memory_space<semaphore_mem>>) src(%dma_wait3A_725 : memref<80x128xf32, #tpu.memory_space<vmem>>) dst(%dma_wait3A_731 : memref<10112x128xf32, #tpu.memory_space<vmem_shared>>)
        tpu.yield
      }) : () -> ()
      %dma_start3A_613 = arith.constant 1 : i32
      %dma_start3A_614 = arith.constant 0 : i32
      %dma_start3A_615 = arith.constant 5 : i32
      %dma_start3A_616 = arith.constant 1 : i32
      %dma_start3A_617 = arith.constant 0 : i32
      %dma_start3A_618 = arith.constant 0 : i32
      %dma_start3A_619 = tpu.memref_slice %arg8[%dma_start3A_616, %dma_start3A_617, %dma_start3A_618] : memref<4x80x128xf32, #tpu.memory_space<vmem>> -> memref<1x80x128xf32, #tpu.memory_space<vmem>>
      %dma_start3A_620 = tpu.memref_squeeze %dma_start3A_619 : memref<1x80x128xf32, #tpu.memory_space<vmem>> -> memref<80x128xf32, #tpu.memory_space<vmem>>
      %dma_start3A_621 = arith.constant 0 : i32
      %dma_start3A_622 = tpu.memref_slice %arg7[%dma_start3A_613, %dma_start3A_614, %dma_start3A_615, %dma_start3A_621] : memref<2x2x8x80xi32, #tpu.memory_space<vmem>> -> memref<1x1x1x80xi32, #tpu.memory_space<vmem>>
      %dma_start3A_623 = tpu.memref_squeeze %dma_start3A_622 : memref<1x1x1x80xi32, #tpu.memory_space<vmem>> -> memref<80xi32, #tpu.memory_space<vmem>>
      %dma_start3A_624 = arith.constant 0 : i32
      %dma_start3A_625 = arith.constant 0 : i32
      %dma_start3A_626 = tpu.memref_slice %arg2[%dma_start3A_624, %dma_start3A_625] : memref<10000x128xf32, #tpu.memory_space<hbm>> -> memref<10000x128xf32, #tpu.memory_space<hbm>>
      tpu.enqueue_indirect_dma source(%dma_start3A_626 : memref<10000x128xf32, #tpu.memory_space<hbm>>) target(%dma_start3A_620 : memref<80x128xf32, #tpu.memory_space<vmem>>) offsets(%dma_start3A_623 : memref<80xi32, #tpu.memory_space<vmem>>) semaphore(%arg11 : memref<!tpu.dma_semaphore, #tpu.memory_space<semaphore_mem>>)
      %dma_wait3A_627 = arith.constant 2 : i32
      %dma_wait3A_628 = arith.constant 0 : i32
      %dma_wait3A_629 = arith.constant 0 : i32
      %dma_wait3A_630 = tpu.memref_slice %arg8[%dma_wait3A_627, %dma_wait3A_628, %dma_wait3A_629] : memref<4x80x128xf32, #tpu.memory_space<vmem>> -> memref<1x80x128xf32, #tpu.memory_space<vmem>>
      %dma_wait3A_631 = tpu.memref_squeeze %dma_wait3A_630 : memref<1x80x128xf32, #tpu.memory_space<vmem>> -> memref<80x128xf32, #tpu.memory_space<vmem>>
      %dma_wait3A_632 = arith.constant 0 : i32
      %dma_wait3A_633 = arith.constant 0 : i32
      %dma_wait3A_634 = tpu.memref_slice %arg2[%dma_wait3A_632, %dma_wait3A_633] : memref<10000x128xf32, #tpu.memory_space<hbm>> -> memref<80x128xf32, #tpu.memory_space<hbm>>
      %dma_wait3A_635 = arith.constant 0 : i32
      %dma_wait3A_636 = arith.constant 0 : i32
      %dma_wait3A_637 = tpu.memref_slice %arg8[%dma_wait3A_627, %dma_wait3A_635, %dma_wait3A_636] : memref<4x80x128xf32, #tpu.memory_space<vmem>> -> memref<1x80x128xf32, #tpu.memory_space<vmem>>
      %dma_wait3A_638 = tpu.memref_squeeze %dma_wait3A_637 : memref<1x80x128xf32, #tpu.memory_space<vmem>> -> memref<80x128xf32, #tpu.memory_space<vmem>>
      %dma_wait3A_639 = arith.constant 0 : i32
      %dma_wait3A_640 = arith.constant 0 : i32
      %dma_wait3A_641 = tpu.memref_slice %arg2[%dma_wait3A_639, %dma_wait3A_640] : memref<10000x128xf32, #tpu.memory_space<hbm>> -> memref<80x128xf32, #tpu.memory_space<hbm>>
      tpu.wait_dma2 semaphore(%arg12 : memref<!tpu.dma_semaphore, #tpu.memory_space<semaphore_mem>>) src(%dma_wait3A_641 : memref<80x128xf32, #tpu.memory_space<hbm>>) dst(%dma_wait3A_638 : memref<80x128xf32, #tpu.memory_space<vmem>>)
      %run_scoped3A_642 = arith.constant 2 : i32
      %run_scoped3A_643 = arith.constant 1 : i32
      %run_scoped3A_644 = arith.constant 1 : i32
      %run_scoped3A_645 = arith.constant 2 : i32
      "tpu.region"() ({
        %run_scoped3A_711 = tpu.sem_alloc : memref<!tpu.dma_semaphore, #tpu.memory_space<semaphore_mem>>
        %dma_start3A_712 = arith.constant 0 : i32
        %dma_start3A_713 = arith.constant 0 : i32
        %dma_start3A_714 = tpu.memref_slice %arg8[%run_scoped3A_642, %dma_start3A_712, %dma_start3A_713] : memref<4x80x128xf32, #tpu.memory_space<vmem>> -> memref<1x80x128xf32, #tpu.memory_space<vmem>>
        %dma_start3A_715 = tpu.memref_squeeze %dma_start3A_714 : memref<1x80x128xf32, #tpu.memory_space<vmem>> -> memref<80x128xf32, #tpu.memory_space<vmem>>
        %dma_start3A_716 = arith.constant 0 : i32
        %dma_start3A_717 = tpu.memref_slice %arg7[%run_scoped3A_643, %run_scoped3A_644, %run_scoped3A_645, %dma_start3A_716] : memref<2x2x8x80xi32, #tpu.memory_space<vmem>> -> memref<1x1x1x80xi32, #tpu.memory_space<vmem>>
        %dma_start3A_718 = tpu.memref_squeeze %dma_start3A_717 : memref<1x1x1x80xi32, #tpu.memory_space<vmem>> -> memref<80xi32, #tpu.memory_space<vmem>>
        %dma_start3A_719 = arith.constant 0 : i32
        %dma_start3A_720 = arith.constant 0 : i32
        %dma_start3A_721 = tpu.memref_slice %arg9[%dma_start3A_719, %dma_start3A_720] : memref<10112x128xf32, #tpu.memory_space<vmem_shared>> -> memref<10112x128xf32, #tpu.memory_space<vmem_shared>>
        tpu.enqueue_indirect_dma source(%dma_start3A_715 : memref<80x128xf32, #tpu.memory_space<vmem>>) target(%dma_start3A_721 : memref<10112x128xf32, #tpu.memory_space<vmem_shared>>) offsets(%dma_start3A_718 : memref<80xi32, #tpu.memory_space<vmem>>) semaphore(%run_scoped3A_711 : memref<!tpu.dma_semaphore, #tpu.memory_space<semaphore_mem>>) {add = true}
        %dma_wait3A_722 = arith.constant 0 : i32
        %dma_wait3A_723 = arith.constant 0 : i32
        %dma_wait3A_724 = tpu.memref_slice %arg8[%run_scoped3A_642, %dma_wait3A_722, %dma_wait3A_723] : memref<4x80x128xf32, #tpu.memory_space<vmem>> -> memref<1x80x128xf32, #tpu.memory_space<vmem>>
        %dma_wait3A_725 = tpu.memref_squeeze %dma_wait3A_724 : memref<1x80x128xf32, #tpu.memory_space<vmem>> -> memref<80x128xf32, #tpu.memory_space<vmem>>
        %dma_wait3A_726 = arith.constant 0 : i32
        %dma_wait3A_727 = tpu.memref_slice %arg7[%run_scoped3A_643, %run_scoped3A_644, %run_scoped3A_645, %dma_wait3A_726] : memref<2x2x8x80xi32, #tpu.memory_space<vmem>> -> memref<1x1x1x80xi32, #tpu.memory_space<vmem>>
        %dma_wait3A_728 = tpu.memref_squeeze %dma_wait3A_727 : memref<1x1x1x80xi32, #tpu.memory_space<vmem>> -> memref<80xi32, #tpu.memory_space<vmem>>
        %dma_wait3A_729 = arith.constant 0 : i32
        %dma_wait3A_730 = arith.constant 0 : i32
        %dma_wait3A_731 = tpu.memref_slice %arg9[%dma_wait3A_729, %dma_wait3A_730] : memref<10112x128xf32, #tpu.memory_space<vmem_shared>> -> memref<10112x128xf32, #tpu.memory_space<vmem_shared>>
        tpu.wait_indirect_dma semaphore(%run_scoped3A_711 : memref<!tpu.dma_semaphore, #tpu.memory_space<semaphore_mem>>) src(%dma_wait3A_725 : memref<80x128xf32, #tpu.memory_space<vmem>>) dst(%dma_wait3A_731 : memref<10112x128xf32, #tpu.memory_space<vmem_shared>>)
        tpu.yield
      }) : () -> ()
      %dma_start3A_646 = arith.constant 1 : i32
      %dma_start3A_647 = arith.constant 0 : i32
      %dma_start3A_648 = arith.constant 6 : i32
      %dma_start3A_649 = arith.constant 2 : i32
      %dma_start3A_650 = arith.constant 0 : i32
      %dma_start3A_651 = arith.constant 0 : i32
      %dma_start3A_652 = tpu.memref_slice %arg8[%dma_start3A_649, %dma_start3A_650, %dma_start3A_651] : memref<4x80x128xf32, #tpu.memory_space<vmem>> -> memref<1x80x128xf32, #tpu.memory_space<vmem>>
      %dma_start3A_653 = tpu.memref_squeeze %dma_start3A_652 : memref<1x80x128xf32, #tpu.memory_space<vmem>> -> memref<80x128xf32, #tpu.memory_space<vmem>>
      %dma_start3A_654 = arith.constant 0 : i32
      %dma_start3A_655 = tpu.memref_slice %arg7[%dma_start3A_646, %dma_start3A_647, %dma_start3A_648, %dma_start3A_654] : memref<2x2x8x80xi32, #tpu.memory_space<vmem>> -> memref<1x1x1x80xi32, #tpu.memory_space<vmem>>
      %dma_start3A_656 = tpu.memref_squeeze %dma_start3A_655 : memref<1x1x1x80xi32, #tpu.memory_space<vmem>> -> memref<80xi32, #tpu.memory_space<vmem>>
      %dma_start3A_657 = arith.constant 0 : i32
      %dma_start3A_658 = arith.constant 0 : i32
      %dma_start3A_659 = tpu.memref_slice %arg2[%dma_start3A_657, %dma_start3A_658] : memref<10000x128xf32, #tpu.memory_space<hbm>> -> memref<10000x128xf32, #tpu.memory_space<hbm>>
      tpu.enqueue_indirect_dma source(%dma_start3A_659 : memref<10000x128xf32, #tpu.memory_space<hbm>>) target(%dma_start3A_653 : memref<80x128xf32, #tpu.memory_space<vmem>>) offsets(%dma_start3A_656 : memref<80xi32, #tpu.memory_space<vmem>>) semaphore(%arg12 : memref<!tpu.dma_semaphore, #tpu.memory_space<semaphore_mem>>)
      %dma_wait3A_660 = arith.constant 3 : i32
      %dma_wait3A_661 = arith.constant 0 : i32
      %dma_wait3A_662 = arith.constant 0 : i32
      %dma_wait3A_663 = tpu.memref_slice %arg8[%dma_wait3A_660, %dma_wait3A_661, %dma_wait3A_662] : memref<4x80x128xf32, #tpu.memory_space<vmem>> -> memref<1x80x128xf32, #tpu.memory_space<vmem>>
      %dma_wait3A_664 = tpu.memref_squeeze %dma_wait3A_663 : memref<1x80x128xf32, #tpu.memory_space<vmem>> -> memref<80x128xf32, #tpu.memory_space<vmem>>
      %dma_wait3A_665 = arith.constant 0 : i32
      %dma_wait3A_666 = arith.constant 0 : i32
      %dma_wait3A_667 = tpu.memref_slice %arg2[%dma_wait3A_665, %dma_wait3A_666] : memref<10000x128xf32, #tpu.memory_space<hbm>> -> memref<80x128xf32, #tpu.memory_space<hbm>>
      %dma_wait3A_668 = arith.constant 0 : i32
      %dma_wait3A_669 = arith.constant 0 : i32
      %dma_wait3A_670 = tpu.memref_slice %arg8[%dma_wait3A_660, %dma_wait3A_668, %dma_wait3A_669] : memref<4x80x128xf32, #tpu.memory_space<vmem>> -> memref<1x80x128xf32, #tpu.memory_space<vmem>>
      %dma_wait3A_671 = tpu.memref_squeeze %dma_wait3A_670 : memref<1x80x128xf32, #tpu.memory_space<vmem>> -> memref<80x128xf32, #tpu.memory_space<vmem>>
      %dma_wait3A_672 = arith.constant 0 : i32
      %dma_wait3A_673 = arith.constant 0 : i32
      %dma_wait3A_674 = tpu.memref_slice %arg2[%dma_wait3A_672, %dma_wait3A_673] : memref<10000x128xf32, #tpu.memory_space<hbm>> -> memref<80x128xf32, #tpu.memory_space<hbm>>
      tpu.wait_dma2 semaphore(%arg13 : memref<!tpu.dma_semaphore, #tpu.memory_space<semaphore_mem>>) src(%dma_wait3A_674 : memref<80x128xf32, #tpu.memory_space<hbm>>) dst(%dma_wait3A_671 : memref<80x128xf32, #tpu.memory_space<vmem>>)
      %run_scoped3A_675 = arith.constant 3 : i32
      %run_scoped3A_676 = arith.constant 1 : i32
      %run_scoped3A_677 = arith.constant 1 : i32
      %run_scoped3A_678 = arith.constant 3 : i32
      "tpu.region"() ({
        %run_scoped3A_711 = tpu.sem_alloc : memref<!tpu.dma_semaphore, #tpu.memory_space<semaphore_mem>>
        %dma_start3A_712 = arith.constant 0 : i32
        %dma_start3A_713 = arith.constant 0 : i32
        %dma_start3A_714 = tpu.memref_slice %arg8[%run_scoped3A_675, %dma_start3A_712, %dma_start3A_713] : memref<4x80x128xf32, #tpu.memory_space<vmem>> -> memref<1x80x128xf32, #tpu.memory_space<vmem>>
        %dma_start3A_715 = tpu.memref_squeeze %dma_start3A_714 : memref<1x80x128xf32, #tpu.memory_space<vmem>> -> memref<80x128xf32, #tpu.memory_space<vmem>>
        %dma_start3A_716 = arith.constant 0 : i32
        %dma_start3A_717 = tpu.memref_slice %arg7[%run_scoped3A_676, %run_scoped3A_677, %run_scoped3A_678, %dma_start3A_716] : memref<2x2x8x80xi32, #tpu.memory_space<vmem>> -> memref<1x1x1x80xi32, #tpu.memory_space<vmem>>
        %dma_start3A_718 = tpu.memref_squeeze %dma_start3A_717 : memref<1x1x1x80xi32, #tpu.memory_space<vmem>> -> memref<80xi32, #tpu.memory_space<vmem>>
        %dma_start3A_719 = arith.constant 0 : i32
        %dma_start3A_720 = arith.constant 0 : i32
        %dma_start3A_721 = tpu.memref_slice %arg9[%dma_start3A_719, %dma_start3A_720] : memref<10112x128xf32, #tpu.memory_space<vmem_shared>> -> memref<10112x128xf32, #tpu.memory_space<vmem_shared>>
        tpu.enqueue_indirect_dma source(%dma_start3A_715 : memref<80x128xf32, #tpu.memory_space<vmem>>) target(%dma_start3A_721 : memref<10112x128xf32, #tpu.memory_space<vmem_shared>>) offsets(%dma_start3A_718 : memref<80xi32, #tpu.memory_space<vmem>>) semaphore(%run_scoped3A_711 : memref<!tpu.dma_semaphore, #tpu.memory_space<semaphore_mem>>) {add = true}
        %dma_wait3A_722 = arith.constant 0 : i32
        %dma_wait3A_723 = arith.constant 0 : i32
        %dma_wait3A_724 = tpu.memref_slice %arg8[%run_scoped3A_675, %dma_wait3A_722, %dma_wait3A_723] : memref<4x80x128xf32, #tpu.memory_space<vmem>> -> memref<1x80x128xf32, #tpu.memory_space<vmem>>
        %dma_wait3A_725 = tpu.memref_squeeze %dma_wait3A_724 : memref<1x80x128xf32, #tpu.memory_space<vmem>> -> memref<80x128xf32, #tpu.memory_space<vmem>>
        %dma_wait3A_726 = arith.constant 0 : i32
        %dma_wait3A_727 = tpu.memref_slice %arg7[%run_scoped3A_676, %run_scoped3A_677, %run_scoped3A_678, %dma_wait3A_726] : memref<2x2x8x80xi32, #tpu.memory_space<vmem>> -> memref<1x1x1x80xi32, #tpu.memory_space<vmem>>
        %dma_wait3A_728 = tpu.memref_squeeze %dma_wait3A_727 : memref<1x1x1x80xi32, #tpu.memory_space<vmem>> -> memref<80xi32, #tpu.memory_space<vmem>>
        %dma_wait3A_729 = arith.constant 0 : i32
        %dma_wait3A_730 = arith.constant 0 : i32
        %dma_wait3A_731 = tpu.memref_slice %arg9[%dma_wait3A_729, %dma_wait3A_730] : memref<10112x128xf32, #tpu.memory_space<vmem_shared>> -> memref<10112x128xf32, #tpu.memory_space<vmem_shared>>
        tpu.wait_indirect_dma semaphore(%run_scoped3A_711 : memref<!tpu.dma_semaphore, #tpu.memory_space<semaphore_mem>>) src(%dma_wait3A_725 : memref<80x128xf32, #tpu.memory_space<vmem>>) dst(%dma_wait3A_731 : memref<10112x128xf32, #tpu.memory_space<vmem_shared>>)
        tpu.yield
      }) : () -> ()
      %dma_start3A_679 = arith.constant 1 : i32
      %dma_start3A_680 = arith.constant 0 : i32
      %dma_start3A_681 = arith.constant 7 : i32
      %dma_start3A_682 = arith.constant 3 : i32
      %dma_start3A_683 = arith.constant 0 : i32
      %dma_start3A_684 = arith.constant 0 : i32
      %dma_start3A_685 = tpu.memref_slice %arg8[%dma_start3A_682, %dma_start3A_683, %dma_start3A_684] : memref<4x80x128xf32, #tpu.memory_space<vmem>> -> memref<1x80x128xf32, #tpu.memory_space<vmem>>
      %dma_start3A_686 = tpu.memref_squeeze %dma_start3A_685 : memref<1x80x128xf32, #tpu.memory_space<vmem>> -> memref<80x128xf32, #tpu.memory_space<vmem>>
      %dma_start3A_687 = arith.constant 0 : i32
      %dma_start3A_688 = tpu.memref_slice %arg7[%dma_start3A_679, %dma_start3A_680, %dma_start3A_681, %dma_start3A_687] : memref<2x2x8x80xi32, #tpu.memory_space<vmem>> -> memref<1x1x1x80xi32, #tpu.memory_space<vmem>>
      %dma_start3A_689 = tpu.memref_squeeze %dma_start3A_688 : memref<1x1x1x80xi32, #tpu.memory_space<vmem>> -> memref<80xi32, #tpu.memory_space<vmem>>
      %dma_start3A_690 = arith.constant 0 : i32
      %dma_start3A_691 = arith.constant 0 : i32
      %dma_start3A_692 = tpu.memref_slice %arg2[%dma_start3A_690, %dma_start3A_691] : memref<10000x128xf32, #tpu.memory_space<hbm>> -> memref<10000x128xf32, #tpu.memory_space<hbm>>
      tpu.enqueue_indirect_dma source(%dma_start3A_692 : memref<10000x128xf32, #tpu.memory_space<hbm>>) target(%dma_start3A_686 : memref<80x128xf32, #tpu.memory_space<vmem>>) offsets(%dma_start3A_689 : memref<80xi32, #tpu.memory_space<vmem>>) semaphore(%arg13 : memref<!tpu.dma_semaphore, #tpu.memory_space<semaphore_mem>>)
      %convert_element_type3A_693 = arith.extui %lt3A_255 : i1 to i32
      %cond3A_694 = arith.constant 0 : i32
      %cond3A_695 = arith.cmpi ne, %convert_element_type3A_693, %cond3A_694 : i32
      scf.if %cond3A_695 {
        %dma_wait3A_711 = arith.constant 0 : i32
        %dma_wait3A_712 = arith.constant 0 : i32
        %dma_wait3A_713 = arith.constant 0 : i32
        %dma_wait3A_714 = arith.constant 0 : i32
        %dma_wait3A_715 = arith.constant 0 : i32
        %dma_wait3A_716 = arith.constant 0 : i32
        %dma_wait3A_717 = tpu.memref_slice %arg7[%dma_wait3A_713, %dma_wait3A_714, %dma_wait3A_715, %dma_wait3A_716] : memref<2x2x8x80xi32, #tpu.memory_space<vmem>> -> memref<1x1x8x80xi32, #tpu.memory_space<vmem>>
        %dma_wait3A_718 = tpu.memref_squeeze %dma_wait3A_717 : memref<1x1x8x80xi32, #tpu.memory_space<vmem>> -> memref<8x80xi32, #tpu.memory_space<vmem>>
        %dma_wait3A_719 = arith.constant 0 : i32
        %dma_wait3A_720 = arith.constant 0 : i32
        %dma_wait3A_721 = tpu.memref_slice %arg4[%dma_wait3A_711, %dma_wait3A_712, %dma_wait3A_719, %dma_wait3A_720] : memref<32x16x8x80xi32, #tpu.memory_space<hbm>> -> memref<1x1x8x80xi32, #tpu.memory_space<hbm>>
        %dma_wait3A_722 = tpu.memref_squeeze %dma_wait3A_721 : memref<1x1x8x80xi32, #tpu.memory_space<hbm>> -> memref<8x80xi32, #tpu.memory_space<hbm>>
        %dma_wait3A_723 = arith.constant 0 : i32
        %dma_wait3A_724 = arith.constant 0 : i32
        %dma_wait3A_725 = tpu.memref_slice %arg7[%dma_wait3A_713, %dma_wait3A_714, %dma_wait3A_723, %dma_wait3A_724] : memref<2x2x8x80xi32, #tpu.memory_space<vmem>> -> memref<1x1x8x80xi32, #tpu.memory_space<vmem>>
        %dma_wait3A_726 = tpu.memref_squeeze %dma_wait3A_725 : memref<1x1x8x80xi32, #tpu.memory_space<vmem>> -> memref<8x80xi32, #tpu.memory_space<vmem>>
        %dma_wait3A_727 = arith.constant 0 : i32
        %dma_wait3A_728 = arith.constant 0 : i32
        %dma_wait3A_729 = tpu.memref_slice %arg4[%dma_wait3A_711, %dma_wait3A_712, %dma_wait3A_727, %dma_wait3A_728] : memref<32x16x8x80xi32, #tpu.memory_space<hbm>> -> memref<1x1x8x80xi32, #tpu.memory_space<hbm>>
        %dma_wait3A_730 = tpu.memref_squeeze %dma_wait3A_729 : memref<1x1x8x80xi32, #tpu.memory_space<hbm>> -> memref<8x80xi32, #tpu.memory_space<hbm>>
        tpu.wait_dma2 semaphore(%arg14 : memref<!tpu.dma_semaphore, #tpu.memory_space<semaphore_mem>>) src(%dma_wait3A_730 : memref<8x80xi32, #tpu.memory_space<hbm>>) dst(%dma_wait3A_726 : memref<8x80xi32, #tpu.memory_space<vmem>>)
        %dma_wait3A_731 = arith.constant 0 : i32
        %dma_wait3A_732 = arith.constant 0 : i32
        %dma_wait3A_733 = arith.constant 0 : i32
        %dma_wait3A_734 = arith.constant 1 : i32
        %dma_wait3A_735 = arith.constant 0 : i32
        %dma_wait3A_736 = arith.constant 0 : i32
        %dma_wait3A_737 = tpu.memref_slice %arg7[%dma_wait3A_733, %dma_wait3A_734, %dma_wait3A_735, %dma_wait3A_736] : memref<2x2x8x80xi32, #tpu.memory_space<vmem>> -> memref<1x1x8x80xi32, #tpu.memory_space<vmem>>
        %dma_wait3A_738 = tpu.memref_squeeze %dma_wait3A_737 : memref<1x1x8x80xi32, #tpu.memory_space<vmem>> -> memref<8x80xi32, #tpu.memory_space<vmem>>
        %dma_wait3A_739 = arith.constant 0 : i32
        %dma_wait3A_740 = arith.constant 0 : i32
        %dma_wait3A_741 = tpu.memref_slice %arg5[%dma_wait3A_731, %dma_wait3A_732, %dma_wait3A_739, %dma_wait3A_740] : memref<32x16x8x80xi32, #tpu.memory_space<hbm>> -> memref<1x1x8x80xi32, #tpu.memory_space<hbm>>
        %dma_wait3A_742 = tpu.memref_squeeze %dma_wait3A_741 : memref<1x1x8x80xi32, #tpu.memory_space<hbm>> -> memref<8x80xi32, #tpu.memory_space<hbm>>
        %dma_wait3A_743 = arith.constant 0 : i32
        %dma_wait3A_744 = arith.constant 0 : i32
        %dma_wait3A_745 = tpu.memref_slice %arg7[%dma_wait3A_733, %dma_wait3A_734, %dma_wait3A_743, %dma_wait3A_744] : memref<2x2x8x80xi32, #tpu.memory_space<vmem>> -> memref<1x1x8x80xi32, #tpu.memory_space<vmem>>
        %dma_wait3A_746 = tpu.memref_squeeze %dma_wait3A_745 : memref<1x1x8x80xi32, #tpu.memory_space<vmem>> -> memref<8x80xi32, #tpu.memory_space<vmem>>
        %dma_wait3A_747 = arith.constant 0 : i32
        %dma_wait3A_748 = arith.constant 0 : i32
        %dma_wait3A_749 = tpu.memref_slice %arg5[%dma_wait3A_731, %dma_wait3A_732, %dma_wait3A_747, %dma_wait3A_748] : memref<32x16x8x80xi32, #tpu.memory_space<hbm>> -> memref<1x1x8x80xi32, #tpu.memory_space<hbm>>
        %dma_wait3A_750 = tpu.memref_squeeze %dma_wait3A_749 : memref<1x1x8x80xi32, #tpu.memory_space<hbm>> -> memref<8x80xi32, #tpu.memory_space<hbm>>
        tpu.wait_dma2 semaphore(%arg14 : memref<!tpu.dma_semaphore, #tpu.memory_space<semaphore_mem>>) src(%dma_wait3A_750 : memref<8x80xi32, #tpu.memory_space<hbm>>) dst(%dma_wait3A_746 : memref<8x80xi32, #tpu.memory_space<vmem>>)
      } else {
      }
      %convert_element_type3A_696 = arith.extui %lt3A_255 : i1 to i32
      %cond3A_697 = arith.constant 0 : i32
      %cond3A_698 = arith.cmpi ne, %convert_element_type3A_696, %cond3A_697 : i32
      scf.if %cond3A_698 {
        %dma_wait3A_711 = arith.constant 0 : i32
        %dma_wait3A_712 = arith.constant 0 : i32
        %dma_wait3A_713 = arith.constant 0 : i32
        %dma_wait3A_714 = tpu.memref_slice %arg8[%dma_wait3A_711, %dma_wait3A_712, %dma_wait3A_713] : memref<4x80x128xf32, #tpu.memory_space<vmem>> -> memref<1x80x128xf32, #tpu.memory_space<vmem>>
        %dma_wait3A_715 = tpu.memref_squeeze %dma_wait3A_714 : memref<1x80x128xf32, #tpu.memory_space<vmem>> -> memref<80x128xf32, #tpu.memory_space<vmem>>
        %dma_wait3A_716 = arith.constant 0 : i32
        %dma_wait3A_717 = arith.constant 0 : i32
        %dma_wait3A_718 = tpu.memref_slice %arg2[%dma_wait3A_716, %dma_wait3A_717] : memref<10000x128xf32, #tpu.memory_space<hbm>> -> memref<80x128xf32, #tpu.memory_space<hbm>>
        %dma_wait3A_719 = arith.constant 0 : i32
        %dma_wait3A_720 = arith.constant 0 : i32
        %dma_wait3A_721 = tpu.memref_slice %arg8[%dma_wait3A_711, %dma_wait3A_719, %dma_wait3A_720] : memref<4x80x128xf32, #tpu.memory_space<vmem>> -> memref<1x80x128xf32, #tpu.memory_space<vmem>>
        %dma_wait3A_722 = tpu.memref_squeeze %dma_wait3A_721 : memref<1x80x128xf32, #tpu.memory_space<vmem>> -> memref<80x128xf32, #tpu.memory_space<vmem>>
        %dma_wait3A_723 = arith.constant 0 : i32
        %dma_wait3A_724 = arith.constant 0 : i32
        %dma_wait3A_725 = tpu.memref_slice %arg2[%dma_wait3A_723, %dma_wait3A_724] : memref<10000x128xf32, #tpu.memory_space<hbm>> -> memref<80x128xf32, #tpu.memory_space<hbm>>
        tpu.wait_dma2 semaphore(%arg10 : memref<!tpu.dma_semaphore, #tpu.memory_space<semaphore_mem>>) src(%dma_wait3A_725 : memref<80x128xf32, #tpu.memory_space<hbm>>) dst(%dma_wait3A_722 : memref<80x128xf32, #tpu.memory_space<vmem>>)
        %run_scoped3A_726 = arith.constant 0 : i32
        %run_scoped3A_727 = arith.constant 1 : i32
        %run_scoped3A_728 = arith.constant 1 : i32
        %run_scoped3A_729 = arith.constant 4 : i32
        "tpu.region"() ({
          %run_scoped3A_744 = tpu.sem_alloc : memref<!tpu.dma_semaphore, #tpu.memory_space<semaphore_mem>>
          %dma_start3A_745 = arith.constant 0 : i32
          %dma_start3A_746 = arith.constant 0 : i32
          %dma_start3A_747 = tpu.memref_slice %arg8[%run_scoped3A_726, %dma_start3A_745, %dma_start3A_746] : memref<4x80x128xf32, #tpu.memory_space<vmem>> -> memref<1x80x128xf32, #tpu.memory_space<vmem>>
          %dma_start3A_748 = tpu.memref_squeeze %dma_start3A_747 : memref<1x80x128xf32, #tpu.memory_space<vmem>> -> memref<80x128xf32, #tpu.memory_space<vmem>>
          %dma_start3A_749 = arith.constant 0 : i32
          %dma_start3A_750 = tpu.memref_slice %arg7[%run_scoped3A_727, %run_scoped3A_728, %run_scoped3A_729, %dma_start3A_749] : memref<2x2x8x80xi32, #tpu.memory_space<vmem>> -> memref<1x1x1x80xi32, #tpu.memory_space<vmem>>
          %dma_start3A_751 = tpu.memref_squeeze %dma_start3A_750 : memref<1x1x1x80xi32, #tpu.memory_space<vmem>> -> memref<80xi32, #tpu.memory_space<vmem>>
          %dma_start3A_752 = arith.constant 0 : i32
          %dma_start3A_753 = arith.constant 0 : i32
          %dma_start3A_754 = tpu.memref_slice %arg9[%dma_start3A_752, %dma_start3A_753] : memref<10112x128xf32, #tpu.memory_space<vmem_shared>> -> memref<10112x128xf32, #tpu.memory_space<vmem_shared>>
          tpu.enqueue_indirect_dma source(%dma_start3A_748 : memref<80x128xf32, #tpu.memory_space<vmem>>) target(%dma_start3A_754 : memref<10112x128xf32, #tpu.memory_space<vmem_shared>>) offsets(%dma_start3A_751 : memref<80xi32, #tpu.memory_space<vmem>>) semaphore(%run_scoped3A_744 : memref<!tpu.dma_semaphore, #tpu.memory_space<semaphore_mem>>) {add = true}
          %dma_wait3A_755 = arith.constant 0 : i32
          %dma_wait3A_756 = arith.constant 0 : i32
          %dma_wait3A_757 = tpu.memref_slice %arg8[%run_scoped3A_726, %dma_wait3A_755, %dma_wait3A_756] : memref<4x80x128xf32, #tpu.memory_space<vmem>> -> memref<1x80x128xf32, #tpu.memory_space<vmem>>
          %dma_wait3A_758 = tpu.memref_squeeze %dma_wait3A_757 : memref<1x80x128xf32, #tpu.memory_space<vmem>> -> memref<80x128xf32, #tpu.memory_space<vmem>>
          %dma_wait3A_759 = arith.constant 0 : i32
          %dma_wait3A_760 = tpu.memref_slice %arg7[%run_scoped3A_727, %run_scoped3A_728, %run_scoped3A_729, %dma_wait3A_759] : memref<2x2x8x80xi32, #tpu.memory_space<vmem>> -> memref<1x1x1x80xi32, #tpu.memory_space<vmem>>
          %dma_wait3A_761 = tpu.memref_squeeze %dma_wait3A_760 : memref<1x1x1x80xi32, #tpu.memory_space<vmem>> -> memref<80xi32, #tpu.memory_space<vmem>>
          %dma_wait3A_762 = arith.constant 0 : i32
          %dma_wait3A_763 = arith.constant 0 : i32
          %dma_wait3A_764 = tpu.memref_slice %arg9[%dma_wait3A_762, %dma_wait3A_763] : memref<10112x128xf32, #tpu.memory_space<vmem_shared>> -> memref<10112x128xf32, #tpu.memory_space<vmem_shared>>
          tpu.wait_indirect_dma semaphore(%run_scoped3A_744 : memref<!tpu.dma_semaphore, #tpu.memory_space<semaphore_mem>>) src(%dma_wait3A_758 : memref<80x128xf32, #tpu.memory_space<vmem>>) dst(%dma_wait3A_764 : memref<10112x128xf32, #tpu.memory_space<vmem_shared>>)
          tpu.yield
        }) : () -> ()
        %dma_start3A_730 = arith.constant 0 : i32
        %dma_start3A_731 = arith.constant 0 : i32
        %dma_start3A_732 = arith.constant 0 : i32
        %dma_start3A_733 = arith.constant 0 : i32
        %dma_start3A_734 = arith.constant 0 : i32
        %dma_start3A_735 = arith.constant 0 : i32
        %dma_start3A_736 = tpu.memref_slice %arg8[%dma_start3A_733, %dma_start3A_734, %dma_start3A_735] : memref<4x80x128xf32, #tpu.memory_space<vmem>> -> memref<1x80x128xf32, #tpu.memory_space<vmem>>
        %dma_start3A_737 = tpu.memref_squeeze %dma_start3A_736 : memref<1x80x128xf32, #tpu.memory_space<vmem>> -> memref<80x128xf32, #tpu.memory_space<vmem>>
        %dma_start3A_738 = arith.constant 0 : i32
        %dma_start3A_739 = tpu.memref_slice %arg7[%dma_start3A_730, %dma_start3A_731, %dma_start3A_732, %dma_start3A_738] : memref<2x2x8x80xi32, #tpu.memory_space<vmem>> -> memref<1x1x1x80xi32, #tpu.memory_space<vmem>>
        %dma_start3A_740 = tpu.memref_squeeze %dma_start3A_739 : memref<1x1x1x80xi32, #tpu.memory_space<vmem>> -> memref<80xi32, #tpu.memory_space<vmem>>
        %dma_start3A_741 = arith.constant 0 : i32
        %dma_start3A_742 = arith.constant 0 : i32
        %dma_start3A_743 = tpu.memref_slice %arg2[%dma_start3A_741, %dma_start3A_742] : memref<10000x128xf32, #tpu.memory_space<hbm>> -> memref<10000x128xf32, #tpu.memory_space<hbm>>
        tpu.enqueue_indirect_dma source(%dma_start3A_743 : memref<10000x128xf32, #tpu.memory_space<hbm>>) target(%dma_start3A_737 : memref<80x128xf32, #tpu.memory_space<vmem>>) offsets(%dma_start3A_740 : memref<80xi32, #tpu.memory_space<vmem>>) semaphore(%arg10 : memref<!tpu.dma_semaphore, #tpu.memory_space<semaphore_mem>>)
      } else {
      }
      %convert_element_type3A_699 = arith.extui %lt3A_255 : i1 to i32
      %cond3A_700 = arith.constant 0 : i32
      %cond3A_701 = arith.cmpi ne, %convert_element_type3A_699, %cond3A_700 : i32
      scf.if %cond3A_701 {
        %dma_wait3A_711 = arith.constant 1 : i32
        %dma_wait3A_712 = arith.constant 0 : i32
        %dma_wait3A_713 = arith.constant 0 : i32
        %dma_wait3A_714 = tpu.memref_slice %arg8[%dma_wait3A_711, %dma_wait3A_712, %dma_wait3A_713] : memref<4x80x128xf32, #tpu.memory_space<vmem>> -> memref<1x80x128xf32, #tpu.memory_space<vmem>>
        %dma_wait3A_715 = tpu.memref_squeeze %dma_wait3A_714 : memref<1x80x128xf32, #tpu.memory_space<vmem>> -> memref<80x128xf32, #tpu.memory_space<vmem>>
        %dma_wait3A_716 = arith.constant 0 : i32
        %dma_wait3A_717 = arith.constant 0 : i32
        %dma_wait3A_718 = tpu.memref_slice %arg2[%dma_wait3A_716, %dma_wait3A_717] : memref<10000x128xf32, #tpu.memory_space<hbm>> -> memref<80x128xf32, #tpu.memory_space<hbm>>
        %dma_wait3A_719 = arith.constant 0 : i32
        %dma_wait3A_720 = arith.constant 0 : i32
        %dma_wait3A_721 = tpu.memref_slice %arg8[%dma_wait3A_711, %dma_wait3A_719, %dma_wait3A_720] : memref<4x80x128xf32, #tpu.memory_space<vmem>> -> memref<1x80x128xf32, #tpu.memory_space<vmem>>
        %dma_wait3A_722 = tpu.memref_squeeze %dma_wait3A_721 : memref<1x80x128xf32, #tpu.memory_space<vmem>> -> memref<80x128xf32, #tpu.memory_space<vmem>>
        %dma_wait3A_723 = arith.constant 0 : i32
        %dma_wait3A_724 = arith.constant 0 : i32
        %dma_wait3A_725 = tpu.memref_slice %arg2[%dma_wait3A_723, %dma_wait3A_724] : memref<10000x128xf32, #tpu.memory_space<hbm>> -> memref<80x128xf32, #tpu.memory_space<hbm>>
        tpu.wait_dma2 semaphore(%arg11 : memref<!tpu.dma_semaphore, #tpu.memory_space<semaphore_mem>>) src(%dma_wait3A_725 : memref<80x128xf32, #tpu.memory_space<hbm>>) dst(%dma_wait3A_722 : memref<80x128xf32, #tpu.memory_space<vmem>>)
        %run_scoped3A_726 = arith.constant 1 : i32
        %run_scoped3A_727 = arith.constant 1 : i32
        %run_scoped3A_728 = arith.constant 1 : i32
        %run_scoped3A_729 = arith.constant 5 : i32
        "tpu.region"() ({
          %run_scoped3A_744 = tpu.sem_alloc : memref<!tpu.dma_semaphore, #tpu.memory_space<semaphore_mem>>
          %dma_start3A_745 = arith.constant 0 : i32
          %dma_start3A_746 = arith.constant 0 : i32
          %dma_start3A_747 = tpu.memref_slice %arg8[%run_scoped3A_726, %dma_start3A_745, %dma_start3A_746] : memref<4x80x128xf32, #tpu.memory_space<vmem>> -> memref<1x80x128xf32, #tpu.memory_space<vmem>>
          %dma_start3A_748 = tpu.memref_squeeze %dma_start3A_747 : memref<1x80x128xf32, #tpu.memory_space<vmem>> -> memref<80x128xf32, #tpu.memory_space<vmem>>
          %dma_start3A_749 = arith.constant 0 : i32
          %dma_start3A_750 = tpu.memref_slice %arg7[%run_scoped3A_727, %run_scoped3A_728, %run_scoped3A_729, %dma_start3A_749] : memref<2x2x8x80xi32, #tpu.memory_space<vmem>> -> memref<1x1x1x80xi32, #tpu.memory_space<vmem>>
          %dma_start3A_751 = tpu.memref_squeeze %dma_start3A_750 : memref<1x1x1x80xi32, #tpu.memory_space<vmem>> -> memref<80xi32, #tpu.memory_space<vmem>>
          %dma_start3A_752 = arith.constant 0 : i32
          %dma_start3A_753 = arith.constant 0 : i32
          %dma_start3A_754 = tpu.memref_slice %arg9[%dma_start3A_752, %dma_start3A_753] : memref<10112x128xf32, #tpu.memory_space<vmem_shared>> -> memref<10112x128xf32, #tpu.memory_space<vmem_shared>>
          tpu.enqueue_indirect_dma source(%dma_start3A_748 : memref<80x128xf32, #tpu.memory_space<vmem>>) target(%dma_start3A_754 : memref<10112x128xf32, #tpu.memory_space<vmem_shared>>) offsets(%dma_start3A_751 : memref<80xi32, #tpu.memory_space<vmem>>) semaphore(%run_scoped3A_744 : memref<!tpu.dma_semaphore, #tpu.memory_space<semaphore_mem>>) {add = true}
          %dma_wait3A_755 = arith.constant 0 : i32
          %dma_wait3A_756 = arith.constant 0 : i32
          %dma_wait3A_757 = tpu.memref_slice %arg8[%run_scoped3A_726, %dma_wait3A_755, %dma_wait3A_756] : memref<4x80x128xf32, #tpu.memory_space<vmem>> -> memref<1x80x128xf32, #tpu.memory_space<vmem>>
          %dma_wait3A_758 = tpu.memref_squeeze %dma_wait3A_757 : memref<1x80x128xf32, #tpu.memory_space<vmem>> -> memref<80x128xf32, #tpu.memory_space<vmem>>
          %dma_wait3A_759 = arith.constant 0 : i32
          %dma_wait3A_760 = tpu.memref_slice %arg7[%run_scoped3A_727, %run_scoped3A_728, %run_scoped3A_729, %dma_wait3A_759] : memref<2x2x8x80xi32, #tpu.memory_space<vmem>> -> memref<1x1x1x80xi32, #tpu.memory_space<vmem>>
          %dma_wait3A_761 = tpu.memref_squeeze %dma_wait3A_760 : memref<1x1x1x80xi32, #tpu.memory_space<vmem>> -> memref<80xi32, #tpu.memory_space<vmem>>
          %dma_wait3A_762 = arith.constant 0 : i32
          %dma_wait3A_763 = arith.constant 0 : i32
          %dma_wait3A_764 = tpu.memref_slice %arg9[%dma_wait3A_762, %dma_wait3A_763] : memref<10112x128xf32, #tpu.memory_space<vmem_shared>> -> memref<10112x128xf32, #tpu.memory_space<vmem_shared>>
          tpu.wait_indirect_dma semaphore(%run_scoped3A_744 : memref<!tpu.dma_semaphore, #tpu.memory_space<semaphore_mem>>) src(%dma_wait3A_758 : memref<80x128xf32, #tpu.memory_space<vmem>>) dst(%dma_wait3A_764 : memref<10112x128xf32, #tpu.memory_space<vmem_shared>>)
          tpu.yield
        }) : () -> ()
        %dma_start3A_730 = arith.constant 0 : i32
        %dma_start3A_731 = arith.constant 0 : i32
        %dma_start3A_732 = arith.constant 1 : i32
        %dma_start3A_733 = arith.constant 1 : i32
        %dma_start3A_734 = arith.constant 0 : i32
        %dma_start3A_735 = arith.constant 0 : i32
        %dma_start3A_736 = tpu.memref_slice %arg8[%dma_start3A_733, %dma_start3A_734, %dma_start3A_735] : memref<4x80x128xf32, #tpu.memory_space<vmem>> -> memref<1x80x128xf32, #tpu.memory_space<vmem>>
        %dma_start3A_737 = tpu.memref_squeeze %dma_start3A_736 : memref<1x80x128xf32, #tpu.memory_space<vmem>> -> memref<80x128xf32, #tpu.memory_space<vmem>>
        %dma_start3A_738 = arith.constant 0 : i32
        %dma_start3A_739 = tpu.memref_slice %arg7[%dma_start3A_730, %dma_start3A_731, %dma_start3A_732, %dma_start3A_738] : memref<2x2x8x80xi32, #tpu.memory_space<vmem>> -> memref<1x1x1x80xi32, #tpu.memory_space<vmem>>
        %dma_start3A_740 = tpu.memref_squeeze %dma_start3A_739 : memref<1x1x1x80xi32, #tpu.memory_space<vmem>> -> memref<80xi32, #tpu.memory_space<vmem>>
        %dma_start3A_741 = arith.constant 0 : i32
        %dma_start3A_742 = arith.constant 0 : i32
        %dma_start3A_743 = tpu.memref_slice %arg2[%dma_start3A_741, %dma_start3A_742] : memref<10000x128xf32, #tpu.memory_space<hbm>> -> memref<10000x128xf32, #tpu.memory_space<hbm>>
        tpu.enqueue_indirect_dma source(%dma_start3A_743 : memref<10000x128xf32, #tpu.memory_space<hbm>>) target(%dma_start3A_737 : memref<80x128xf32, #tpu.memory_space<vmem>>) offsets(%dma_start3A_740 : memref<80xi32, #tpu.memory_space<vmem>>) semaphore(%arg11 : memref<!tpu.dma_semaphore, #tpu.memory_space<semaphore_mem>>)
      } else {
      }
      %convert_element_type3A_702 = arith.extui %lt3A_255 : i1 to i32
      %cond3A_703 = arith.constant 0 : i32
      %cond3A_704 = arith.cmpi ne, %convert_element_type3A_702, %cond3A_703 : i32
      scf.if %cond3A_704 {
        %dma_wait3A_711 = arith.constant 2 : i32
        %dma_wait3A_712 = arith.constant 0 : i32
        %dma_wait3A_713 = arith.constant 0 : i32
        %dma_wait3A_714 = tpu.memref_slice %arg8[%dma_wait3A_711, %dma_wait3A_712, %dma_wait3A_713] : memref<4x80x128xf32, #tpu.memory_space<vmem>> -> memref<1x80x128xf32, #tpu.memory_space<vmem>>
        %dma_wait3A_715 = tpu.memref_squeeze %dma_wait3A_714 : memref<1x80x128xf32, #tpu.memory_space<vmem>> -> memref<80x128xf32, #tpu.memory_space<vmem>>
        %dma_wait3A_716 = arith.constant 0 : i32
        %dma_wait3A_717 = arith.constant 0 : i32
        %dma_wait3A_718 = tpu.memref_slice %arg2[%dma_wait3A_716, %dma_wait3A_717] : memref<10000x128xf32, #tpu.memory_space<hbm>> -> memref<80x128xf32, #tpu.memory_space<hbm>>
        %dma_wait3A_719 = arith.constant 0 : i32
        %dma_wait3A_720 = arith.constant 0 : i32
        %dma_wait3A_721 = tpu.memref_slice %arg8[%dma_wait3A_711, %dma_wait3A_719, %dma_wait3A_720] : memref<4x80x128xf32, #tpu.memory_space<vmem>> -> memref<1x80x128xf32, #tpu.memory_space<vmem>>
        %dma_wait3A_722 = tpu.memref_squeeze %dma_wait3A_721 : memref<1x80x128xf32, #tpu.memory_space<vmem>> -> memref<80x128xf32, #tpu.memory_space<vmem>>
        %dma_wait3A_723 = arith.constant 0 : i32
        %dma_wait3A_724 = arith.constant 0 : i32
        %dma_wait3A_725 = tpu.memref_slice %arg2[%dma_wait3A_723, %dma_wait3A_724] : memref<10000x128xf32, #tpu.memory_space<hbm>> -> memref<80x128xf32, #tpu.memory_space<hbm>>
        tpu.wait_dma2 semaphore(%arg12 : memref<!tpu.dma_semaphore, #tpu.memory_space<semaphore_mem>>) src(%dma_wait3A_725 : memref<80x128xf32, #tpu.memory_space<hbm>>) dst(%dma_wait3A_722 : memref<80x128xf32, #tpu.memory_space<vmem>>)
        %run_scoped3A_726 = arith.constant 2 : i32
        %run_scoped3A_727 = arith.constant 1 : i32
        %run_scoped3A_728 = arith.constant 1 : i32
        %run_scoped3A_729 = arith.constant 6 : i32
        "tpu.region"() ({
          %run_scoped3A_744 = tpu.sem_alloc : memref<!tpu.dma_semaphore, #tpu.memory_space<semaphore_mem>>
          %dma_start3A_745 = arith.constant 0 : i32
          %dma_start3A_746 = arith.constant 0 : i32
          %dma_start3A_747 = tpu.memref_slice %arg8[%run_scoped3A_726, %dma_start3A_745, %dma_start3A_746] : memref<4x80x128xf32, #tpu.memory_space<vmem>> -> memref<1x80x128xf32, #tpu.memory_space<vmem>>
          %dma_start3A_748 = tpu.memref_squeeze %dma_start3A_747 : memref<1x80x128xf32, #tpu.memory_space<vmem>> -> memref<80x128xf32, #tpu.memory_space<vmem>>
          %dma_start3A_749 = arith.constant 0 : i32
          %dma_start3A_750 = tpu.memref_slice %arg7[%run_scoped3A_727, %run_scoped3A_728, %run_scoped3A_729, %dma_start3A_749] : memref<2x2x8x80xi32, #tpu.memory_space<vmem>> -> memref<1x1x1x80xi32, #tpu.memory_space<vmem>>
          %dma_start3A_751 = tpu.memref_squeeze %dma_start3A_750 : memref<1x1x1x80xi32, #tpu.memory_space<vmem>> -> memref<80xi32, #tpu.memory_space<vmem>>
          %dma_start3A_752 = arith.constant 0 : i32
          %dma_start3A_753 = arith.constant 0 : i32
          %dma_start3A_754 = tpu.memref_slice %arg9[%dma_start3A_752, %dma_start3A_753] : memref<10112x128xf32, #tpu.memory_space<vmem_shared>> -> memref<10112x128xf32, #tpu.memory_space<vmem_shared>>
          tpu.enqueue_indirect_dma source(%dma_start3A_748 : memref<80x128xf32, #tpu.memory_space<vmem>>) target(%dma_start3A_754 : memref<10112x128xf32, #tpu.memory_space<vmem_shared>>) offsets(%dma_start3A_751 : memref<80xi32, #tpu.memory_space<vmem>>) semaphore(%run_scoped3A_744 : memref<!tpu.dma_semaphore, #tpu.memory_space<semaphore_mem>>) {add = true}
          %dma_wait3A_755 = arith.constant 0 : i32
          %dma_wait3A_756 = arith.constant 0 : i32
          %dma_wait3A_757 = tpu.memref_slice %arg8[%run_scoped3A_726, %dma_wait3A_755, %dma_wait3A_756] : memref<4x80x128xf32, #tpu.memory_space<vmem>> -> memref<1x80x128xf32, #tpu.memory_space<vmem>>
          %dma_wait3A_758 = tpu.memref_squeeze %dma_wait3A_757 : memref<1x80x128xf32, #tpu.memory_space<vmem>> -> memref<80x128xf32, #tpu.memory_space<vmem>>
          %dma_wait3A_759 = arith.constant 0 : i32
          %dma_wait3A_760 = tpu.memref_slice %arg7[%run_scoped3A_727, %run_scoped3A_728, %run_scoped3A_729, %dma_wait3A_759] : memref<2x2x8x80xi32, #tpu.memory_space<vmem>> -> memref<1x1x1x80xi32, #tpu.memory_space<vmem>>
          %dma_wait3A_761 = tpu.memref_squeeze %dma_wait3A_760 : memref<1x1x1x80xi32, #tpu.memory_space<vmem>> -> memref<80xi32, #tpu.memory_space<vmem>>
          %dma_wait3A_762 = arith.constant 0 : i32
          %dma_wait3A_763 = arith.constant 0 : i32
          %dma_wait3A_764 = tpu.memref_slice %arg9[%dma_wait3A_762, %dma_wait3A_763] : memref<10112x128xf32, #tpu.memory_space<vmem_shared>> -> memref<10112x128xf32, #tpu.memory_space<vmem_shared>>
          tpu.wait_indirect_dma semaphore(%run_scoped3A_744 : memref<!tpu.dma_semaphore, #tpu.memory_space<semaphore_mem>>) src(%dma_wait3A_758 : memref<80x128xf32, #tpu.memory_space<vmem>>) dst(%dma_wait3A_764 : memref<10112x128xf32, #tpu.memory_space<vmem_shared>>)
          tpu.yield
        }) : () -> ()
        %dma_start3A_730 = arith.constant 0 : i32
        %dma_start3A_731 = arith.constant 0 : i32
        %dma_start3A_732 = arith.constant 2 : i32
        %dma_start3A_733 = arith.constant 2 : i32
        %dma_start3A_734 = arith.constant 0 : i32
        %dma_start3A_735 = arith.constant 0 : i32
        %dma_start3A_736 = tpu.memref_slice %arg8[%dma_start3A_733, %dma_start3A_734, %dma_start3A_735] : memref<4x80x128xf32, #tpu.memory_space<vmem>> -> memref<1x80x128xf32, #tpu.memory_space<vmem>>
        %dma_start3A_737 = tpu.memref_squeeze %dma_start3A_736 : memref<1x80x128xf32, #tpu.memory_space<vmem>> -> memref<80x128xf32, #tpu.memory_space<vmem>>
        %dma_start3A_738 = arith.constant 0 : i32
        %dma_start3A_739 = tpu.memref_slice %arg7[%dma_start3A_730, %dma_start3A_731, %dma_start3A_732, %dma_start3A_738] : memref<2x2x8x80xi32, #tpu.memory_space<vmem>> -> memref<1x1x1x80xi32, #tpu.memory_space<vmem>>
        %dma_start3A_740 = tpu.memref_squeeze %dma_start3A_739 : memref<1x1x1x80xi32, #tpu.memory_space<vmem>> -> memref<80xi32, #tpu.memory_space<vmem>>
        %dma_start3A_741 = arith.constant 0 : i32
        %dma_start3A_742 = arith.constant 0 : i32
        %dma_start3A_743 = tpu.memref_slice %arg2[%dma_start3A_741, %dma_start3A_742] : memref<10000x128xf32, #tpu.memory_space<hbm>> -> memref<10000x128xf32, #tpu.memory_space<hbm>>
        tpu.enqueue_indirect_dma source(%dma_start3A_743 : memref<10000x128xf32, #tpu.memory_space<hbm>>) target(%dma_start3A_737 : memref<80x128xf32, #tpu.memory_space<vmem>>) offsets(%dma_start3A_740 : memref<80xi32, #tpu.memory_space<vmem>>) semaphore(%arg12 : memref<!tpu.dma_semaphore, #tpu.memory_space<semaphore_mem>>)
      } else {
      }
      %convert_element_type3A_705 = arith.extui %lt3A_255 : i1 to i32
      %cond3A_706 = arith.constant 0 : i32
      %cond3A_707 = arith.cmpi ne, %convert_element_type3A_705, %cond3A_706 : i32
      scf.if %cond3A_707 {
        %dma_wait3A_711 = arith.constant 3 : i32
        %dma_wait3A_712 = arith.constant 0 : i32
        %dma_wait3A_713 = arith.constant 0 : i32
        %dma_wait3A_714 = tpu.memref_slice %arg8[%dma_wait3A_711, %dma_wait3A_712, %dma_wait3A_713] : memref<4x80x128xf32, #tpu.memory_space<vmem>> -> memref<1x80x128xf32, #tpu.memory_space<vmem>>
        %dma_wait3A_715 = tpu.memref_squeeze %dma_wait3A_714 : memref<1x80x128xf32, #tpu.memory_space<vmem>> -> memref<80x128xf32, #tpu.memory_space<vmem>>
        %dma_wait3A_716 = arith.constant 0 : i32
        %dma_wait3A_717 = arith.constant 0 : i32
        %dma_wait3A_718 = tpu.memref_slice %arg2[%dma_wait3A_716, %dma_wait3A_717] : memref<10000x128xf32, #tpu.memory_space<hbm>> -> memref<80x128xf32, #tpu.memory_space<hbm>>
        %dma_wait3A_719 = arith.constant 0 : i32
        %dma_wait3A_720 = arith.constant 0 : i32
        %dma_wait3A_721 = tpu.memref_slice %arg8[%dma_wait3A_711, %dma_wait3A_719, %dma_wait3A_720] : memref<4x80x128xf32, #tpu.memory_space<vmem>> -> memref<1x80x128xf32, #tpu.memory_space<vmem>>
        %dma_wait3A_722 = tpu.memref_squeeze %dma_wait3A_721 : memref<1x80x128xf32, #tpu.memory_space<vmem>> -> memref<80x128xf32, #tpu.memory_space<vmem>>
        %dma_wait3A_723 = arith.constant 0 : i32
        %dma_wait3A_724 = arith.constant 0 : i32
        %dma_wait3A_725 = tpu.memref_slice %arg2[%dma_wait3A_723, %dma_wait3A_724] : memref<10000x128xf32, #tpu.memory_space<hbm>> -> memref<80x128xf32, #tpu.memory_space<hbm>>
        tpu.wait_dma2 semaphore(%arg13 : memref<!tpu.dma_semaphore, #tpu.memory_space<semaphore_mem>>) src(%dma_wait3A_725 : memref<80x128xf32, #tpu.memory_space<hbm>>) dst(%dma_wait3A_722 : memref<80x128xf32, #tpu.memory_space<vmem>>)
        %run_scoped3A_726 = arith.constant 3 : i32
        %run_scoped3A_727 = arith.constant 1 : i32
        %run_scoped3A_728 = arith.constant 1 : i32
        %run_scoped3A_729 = arith.constant 7 : i32
        "tpu.region"() ({
          %run_scoped3A_744 = tpu.sem_alloc : memref<!tpu.dma_semaphore, #tpu.memory_space<semaphore_mem>>
          %dma_start3A_745 = arith.constant 0 : i32
          %dma_start3A_746 = arith.constant 0 : i32
          %dma_start3A_747 = tpu.memref_slice %arg8[%run_scoped3A_726, %dma_start3A_745, %dma_start3A_746] : memref<4x80x128xf32, #tpu.memory_space<vmem>> -> memref<1x80x128xf32, #tpu.memory_space<vmem>>
          %dma_start3A_748 = tpu.memref_squeeze %dma_start3A_747 : memref<1x80x128xf32, #tpu.memory_space<vmem>> -> memref<80x128xf32, #tpu.memory_space<vmem>>
          %dma_start3A_749 = arith.constant 0 : i32
          %dma_start3A_750 = tpu.memref_slice %arg7[%run_scoped3A_727, %run_scoped3A_728, %run_scoped3A_729, %dma_start3A_749] : memref<2x2x8x80xi32, #tpu.memory_space<vmem>> -> memref<1x1x1x80xi32, #tpu.memory_space<vmem>>
          %dma_start3A_751 = tpu.memref_squeeze %dma_start3A_750 : memref<1x1x1x80xi32, #tpu.memory_space<vmem>> -> memref<80xi32, #tpu.memory_space<vmem>>
          %dma_start3A_752 = arith.constant 0 : i32
          %dma_start3A_753 = arith.constant 0 : i32
          %dma_start3A_754 = tpu.memref_slice %arg9[%dma_start3A_752, %dma_start3A_753] : memref<10112x128xf32, #tpu.memory_space<vmem_shared>> -> memref<10112x128xf32, #tpu.memory_space<vmem_shared>>
          tpu.enqueue_indirect_dma source(%dma_start3A_748 : memref<80x128xf32, #tpu.memory_space<vmem>>) target(%dma_start3A_754 : memref<10112x128xf32, #tpu.memory_space<vmem_shared>>) offsets(%dma_start3A_751 : memref<80xi32, #tpu.memory_space<vmem>>) semaphore(%run_scoped3A_744 : memref<!tpu.dma_semaphore, #tpu.memory_space<semaphore_mem>>) {add = true}
          %dma_wait3A_755 = arith.constant 0 : i32
          %dma_wait3A_756 = arith.constant 0 : i32
          %dma_wait3A_757 = tpu.memref_slice %arg8[%run_scoped3A_726, %dma_wait3A_755, %dma_wait3A_756] : memref<4x80x128xf32, #tpu.memory_space<vmem>> -> memref<1x80x128xf32, #tpu.memory_space<vmem>>
          %dma_wait3A_758 = tpu.memref_squeeze %dma_wait3A_757 : memref<1x80x128xf32, #tpu.memory_space<vmem>> -> memref<80x128xf32, #tpu.memory_space<vmem>>
          %dma_wait3A_759 = arith.constant 0 : i32
          %dma_wait3A_760 = tpu.memref_slice %arg7[%run_scoped3A_727, %run_scoped3A_728, %run_scoped3A_729, %dma_wait3A_759] : memref<2x2x8x80xi32, #tpu.memory_space<vmem>> -> memref<1x1x1x80xi32, #tpu.memory_space<vmem>>
          %dma_wait3A_761 = tpu.memref_squeeze %dma_wait3A_760 : memref<1x1x1x80xi32, #tpu.memory_space<vmem>> -> memref<80xi32, #tpu.memory_space<vmem>>
          %dma_wait3A_762 = arith.constant 0 : i32
          %dma_wait3A_763 = arith.constant 0 : i32
          %dma_wait3A_764 = tpu.memref_slice %arg9[%dma_wait3A_762, %dma_wait3A_763] : memref<10112x128xf32, #tpu.memory_space<vmem_shared>> -> memref<10112x128xf32, #tpu.memory_space<vmem_shared>>
          tpu.wait_indirect_dma semaphore(%run_scoped3A_744 : memref<!tpu.dma_semaphore, #tpu.memory_space<semaphore_mem>>) src(%dma_wait3A_758 : memref<80x128xf32, #tpu.memory_space<vmem>>) dst(%dma_wait3A_764 : memref<10112x128xf32, #tpu.memory_space<vmem_shared>>)
          tpu.yield
        }) : () -> ()
        %dma_start3A_730 = arith.constant 0 : i32
        %dma_start3A_731 = arith.constant 0 : i32
        %dma_start3A_732 = arith.constant 3 : i32
        %dma_start3A_733 = arith.constant 3 : i32
        %dma_start3A_734 = arith.constant 0 : i32
        %dma_start3A_735 = arith.constant 0 : i32
        %dma_start3A_736 = tpu.memref_slice %arg8[%dma_start3A_733, %dma_start3A_734, %dma_start3A_735] : memref<4x80x128xf32, #tpu.memory_space<vmem>> -> memref<1x80x128xf32, #tpu.memory_space<vmem>>
        %dma_start3A_737 = tpu.memref_squeeze %dma_start3A_736 : memref<1x80x128xf32, #tpu.memory_space<vmem>> -> memref<80x128xf32, #tpu.memory_space<vmem>>
        %dma_start3A_738 = arith.constant 0 : i32
        %dma_start3A_739 = tpu.memref_slice %arg7[%dma_start3A_730, %dma_start3A_731, %dma_start3A_732, %dma_start3A_738] : memref<2x2x8x80xi32, #tpu.memory_space<vmem>> -> memref<1x1x1x80xi32, #tpu.memory_space<vmem>>
        %dma_start3A_740 = tpu.memref_squeeze %dma_start3A_739 : memref<1x1x1x80xi32, #tpu.memory_space<vmem>> -> memref<80xi32, #tpu.memory_space<vmem>>
        %dma_start3A_741 = arith.constant 0 : i32
        %dma_start3A_742 = arith.constant 0 : i32
        %dma_start3A_743 = tpu.memref_slice %arg2[%dma_start3A_741, %dma_start3A_742] : memref<10000x128xf32, #tpu.memory_space<hbm>> -> memref<10000x128xf32, #tpu.memory_space<hbm>>
        tpu.enqueue_indirect_dma source(%dma_start3A_743 : memref<10000x128xf32, #tpu.memory_space<hbm>>) target(%dma_start3A_737 : memref<80x128xf32, #tpu.memory_space<vmem>>) offsets(%dma_start3A_740 : memref<80xi32, #tpu.memory_space<vmem>>) semaphore(%arg13 : memref<!tpu.dma_semaphore, #tpu.memory_space<semaphore_mem>>)
      } else {
      }
      %convert_element_type3A_708 = arith.extui %lt3A_255 : i1 to i32
      %cond3A_709 = arith.constant 0 : i32
      %cond3A_710 = arith.cmpi ne, %convert_element_type3A_708, %cond3A_709 : i32
      scf.if %cond3A_710 {
        %mul3A_711 = arith.constant 2 : i32
        %mul3A_712 = arith.muli %mul3A_711, %scan3A_254 : i32
        %add3A_713 = arith.constant 3 : i32
        %add3A_714 = arith.addi %mul3A_712, %add3A_713 : i32
        %dma_start3A_715 = arith.constant 1 : i32
        %dma_start3A_716 = arith.constant 0 : i32
        %dma_start3A_717 = arith.constant 0 : i32
        %dma_start3A_718 = arith.constant 0 : i32
        %dma_start3A_719 = tpu.memref_slice %arg7[%dma_start3A_715, %dma_start3A_716, %dma_start3A_717, %dma_start3A_718] : memref<2x2x8x80xi32, #tpu.memory_space<vmem>> -> memref<1x1x8x80xi32, #tpu.memory_space<vmem>>
        %dma_start3A_720 = tpu.memref_squeeze %dma_start3A_719 : memref<1x1x8x80xi32, #tpu.memory_space<vmem>> -> memref<8x80xi32, #tpu.memory_space<vmem>>
        %dma_start3A_721 = arith.constant 0 : i32
        %dma_start3A_722 = arith.constant 0 : i32
        %dma_start3A_723 = tpu.memref_slice %arg4[%add3A, %add3A_714, %dma_start3A_721, %dma_start3A_722] : memref<32x16x8x80xi32, #tpu.memory_space<hbm>> -> memref<1x1x8x80xi32, #tpu.memory_space<hbm>>
        %dma_start3A_724 = tpu.memref_squeeze %dma_start3A_723 : memref<1x1x8x80xi32, #tpu.memory_space<hbm>> -> memref<8x80xi32, #tpu.memory_space<hbm>>
        %dma_start3A_725 = arith.constant 0 : i32
        %dma_start3A_726 = arith.constant 0 : i32
        %dma_start3A_727 = tpu.memref_slice %arg7[%dma_start3A_715, %dma_start3A_716, %dma_start3A_725, %dma_start3A_726] : memref<2x2x8x80xi32, #tpu.memory_space<vmem>> -> memref<1x1x8x80xi32, #tpu.memory_space<vmem>>
        %dma_start3A_728 = tpu.memref_squeeze %dma_start3A_727 : memref<1x1x8x80xi32, #tpu.memory_space<vmem>> -> memref<8x80xi32, #tpu.memory_space<vmem>>
        %dma_start3A_729 = arith.constant 0 : i32
        %dma_start3A_730 = arith.constant 0 : i32
        %dma_start3A_731 = tpu.memref_slice %arg4[%add3A, %add3A_714, %dma_start3A_729, %dma_start3A_730] : memref<32x16x8x80xi32, #tpu.memory_space<hbm>> -> memref<1x1x8x80xi32, #tpu.memory_space<hbm>>
        %dma_start3A_732 = tpu.memref_squeeze %dma_start3A_731 : memref<1x1x8x80xi32, #tpu.memory_space<hbm>> -> memref<8x80xi32, #tpu.memory_space<hbm>>
        tpu.enqueue_dma source(%dma_start3A_732 : memref<8x80xi32, #tpu.memory_space<hbm>>) target(%dma_start3A_728 : memref<8x80xi32, #tpu.memory_space<vmem>>) target_semaphore(%arg14 : memref<!tpu.dma_semaphore, #tpu.memory_space<semaphore_mem>>)
        %dma_start3A_733 = arith.constant 1 : i32
        %dma_start3A_734 = arith.constant 1 : i32
        %dma_start3A_735 = arith.constant 0 : i32
        %dma_start3A_736 = arith.constant 0 : i32
        %dma_start3A_737 = tpu.memref_slice %arg7[%dma_start3A_733, %dma_start3A_734, %dma_start3A_735, %dma_start3A_736] : memref<2x2x8x80xi32, #tpu.memory_space<vmem>> -> memref<1x1x8x80xi32, #tpu.memory_space<vmem>>
        %dma_start3A_738 = tpu.memref_squeeze %dma_start3A_737 : memref<1x1x8x80xi32, #tpu.memory_space<vmem>> -> memref<8x80xi32, #tpu.memory_space<vmem>>
        %dma_start3A_739 = arith.constant 0 : i32
        %dma_start3A_740 = arith.constant 0 : i32
        %dma_start3A_741 = tpu.memref_slice %arg5[%add3A, %add3A_714, %dma_start3A_739, %dma_start3A_740] : memref<32x16x8x80xi32, #tpu.memory_space<hbm>> -> memref<1x1x8x80xi32, #tpu.memory_space<hbm>>
        %dma_start3A_742 = tpu.memref_squeeze %dma_start3A_741 : memref<1x1x8x80xi32, #tpu.memory_space<hbm>> -> memref<8x80xi32, #tpu.memory_space<hbm>>
        %dma_start3A_743 = arith.constant 0 : i32
        %dma_start3A_744 = arith.constant 0 : i32
        %dma_start3A_745 = tpu.memref_slice %arg7[%dma_start3A_733, %dma_start3A_734, %dma_start3A_743, %dma_start3A_744] : memref<2x2x8x80xi32, #tpu.memory_space<vmem>> -> memref<1x1x8x80xi32, #tpu.memory_space<vmem>>
        %dma_start3A_746 = tpu.memref_squeeze %dma_start3A_745 : memref<1x1x8x80xi32, #tpu.memory_space<vmem>> -> memref<8x80xi32, #tpu.memory_space<vmem>>
        %dma_start3A_747 = arith.constant 0 : i32
        %dma_start3A_748 = arith.constant 0 : i32
        %dma_start3A_749 = tpu.memref_slice %arg5[%add3A, %add3A_714, %dma_start3A_747, %dma_start3A_748] : memref<32x16x8x80xi32, #tpu.memory_space<hbm>> -> memref<1x1x8x80xi32, #tpu.memory_space<hbm>>
        %dma_start3A_750 = tpu.memref_squeeze %dma_start3A_749 : memref<1x1x8x80xi32, #tpu.memory_space<hbm>> -> memref<8x80xi32, #tpu.memory_space<hbm>>
        tpu.enqueue_dma source(%dma_start3A_750 : memref<8x80xi32, #tpu.memory_space<hbm>>) target(%dma_start3A_746 : memref<8x80xi32, #tpu.memory_space<vmem>>) target_semaphore(%arg14 : memref<!tpu.dma_semaphore, #tpu.memory_space<semaphore_mem>>)
      } else {
      }
    }
    %scan3A_177 = arith.constant 8 : i32
    %dma_wait3A_178 = arith.constant 0 : i32
    %dma_wait3A_179 = arith.constant 0 : i32
    %dma_wait3A_180 = arith.constant 0 : i32
    %dma_wait3A_181 = tpu.memref_slice %arg8[%dma_wait3A_178, %dma_wait3A_179, %dma_wait3A_180] : memref<4x80x128xf32, #tpu.memory_space<vmem>> -> memref<1x80x128xf32, #tpu.memory_space<vmem>>
    %dma_wait3A_182 = tpu.memref_squeeze %dma_wait3A_181 : memref<1x80x128xf32, #tpu.memory_space<vmem>> -> memref<80x128xf32, #tpu.memory_space<vmem>>
    %dma_wait3A_183 = arith.constant 0 : i32
    %dma_wait3A_184 = arith.constant 0 : i32
    %dma_wait3A_185 = tpu.memref_slice %arg2[%dma_wait3A_183, %dma_wait3A_184] : memref<10000x128xf32, #tpu.memory_space<hbm>> -> memref<80x128xf32, #tpu.memory_space<hbm>>
    %dma_wait3A_186 = arith.constant 0 : i32
    %dma_wait3A_187 = arith.constant 0 : i32
    %dma_wait3A_188 = tpu.memref_slice %arg8[%dma_wait3A_178, %dma_wait3A_186, %dma_wait3A_187] : memref<4x80x128xf32, #tpu.memory_space<vmem>> -> memref<1x80x128xf32, #tpu.memory_space<vmem>>
    %dma_wait3A_189 = tpu.memref_squeeze %dma_wait3A_188 : memref<1x80x128xf32, #tpu.memory_space<vmem>> -> memref<80x128xf32, #tpu.memory_space<vmem>>
    %dma_wait3A_190 = arith.constant 0 : i32
    %dma_wait3A_191 = arith.constant 0 : i32
    %dma_wait3A_192 = tpu.memref_slice %arg2[%dma_wait3A_190, %dma_wait3A_191] : memref<10000x128xf32, #tpu.memory_space<hbm>> -> memref<80x128xf32, #tpu.memory_space<hbm>>
    tpu.wait_dma2 semaphore(%arg10 : memref<!tpu.dma_semaphore, #tpu.memory_space<semaphore_mem>>) src(%dma_wait3A_192 : memref<80x128xf32, #tpu.memory_space<hbm>>) dst(%dma_wait3A_189 : memref<80x128xf32, #tpu.memory_space<vmem>>)
    %run_scoped3A = arith.constant 0 : i32
    %run_scoped3A_193 = arith.constant 1 : i32
    %run_scoped3A_194 = arith.constant 1 : i32
    %run_scoped3A_195 = arith.constant 4 : i32
    "tpu.region"() ({
      %run_scoped3A_254 = tpu.sem_alloc : memref<!tpu.dma_semaphore, #tpu.memory_space<semaphore_mem>>
      %dma_start3A_255 = arith.constant 0 : i32
      %dma_start3A_256 = arith.constant 0 : i32
      %dma_start3A_257 = tpu.memref_slice %arg8[%run_scoped3A, %dma_start3A_255, %dma_start3A_256] : memref<4x80x128xf32, #tpu.memory_space<vmem>> -> memref<1x80x128xf32, #tpu.memory_space<vmem>>
      %dma_start3A_258 = tpu.memref_squeeze %dma_start3A_257 : memref<1x80x128xf32, #tpu.memory_space<vmem>> -> memref<80x128xf32, #tpu.memory_space<vmem>>
      %dma_start3A_259 = arith.constant 0 : i32
      %dma_start3A_260 = tpu.memref_slice %arg7[%run_scoped3A_193, %run_scoped3A_194, %run_scoped3A_195, %dma_start3A_259] : memref<2x2x8x80xi32, #tpu.memory_space<vmem>> -> memref<1x1x1x80xi32, #tpu.memory_space<vmem>>
      %dma_start3A_261 = tpu.memref_squeeze %dma_start3A_260 : memref<1x1x1x80xi32, #tpu.memory_space<vmem>> -> memref<80xi32, #tpu.memory_space<vmem>>
      %dma_start3A_262 = arith.constant 0 : i32
      %dma_start3A_263 = arith.constant 0 : i32
      %dma_start3A_264 = tpu.memref_slice %arg9[%dma_start3A_262, %dma_start3A_263] : memref<10112x128xf32, #tpu.memory_space<vmem_shared>> -> memref<10112x128xf32, #tpu.memory_space<vmem_shared>>
      tpu.enqueue_indirect_dma source(%dma_start3A_258 : memref<80x128xf32, #tpu.memory_space<vmem>>) target(%dma_start3A_264 : memref<10112x128xf32, #tpu.memory_space<vmem_shared>>) offsets(%dma_start3A_261 : memref<80xi32, #tpu.memory_space<vmem>>) semaphore(%run_scoped3A_254 : memref<!tpu.dma_semaphore, #tpu.memory_space<semaphore_mem>>) {add = true}
      %dma_wait3A_265 = arith.constant 0 : i32
      %dma_wait3A_266 = arith.constant 0 : i32
      %dma_wait3A_267 = tpu.memref_slice %arg8[%run_scoped3A, %dma_wait3A_265, %dma_wait3A_266] : memref<4x80x128xf32, #tpu.memory_space<vmem>> -> memref<1x80x128xf32, #tpu.memory_space<vmem>>
      %dma_wait3A_268 = tpu.memref_squeeze %dma_wait3A_267 : memref<1x80x128xf32, #tpu.memory_space<vmem>> -> memref<80x128xf32, #tpu.memory_space<vmem>>
      %dma_wait3A_269 = arith.constant 0 : i32
      %dma_wait3A_270 = tpu.memref_slice %arg7[%run_scoped3A_193, %run_scoped3A_194, %run_scoped3A_195, %dma_wait3A_269] : memref<2x2x8x80xi32, #tpu.memory_space<vmem>> -> memref<1x1x1x80xi32, #tpu.memory_space<vmem>>
      %dma_wait3A_271 = tpu.memref_squeeze %dma_wait3A_270 : memref<1x1x1x80xi32, #tpu.memory_space<vmem>> -> memref<80xi32, #tpu.memory_space<vmem>>
      %dma_wait3A_272 = arith.constant 0 : i32
      %dma_wait3A_273 = arith.constant 0 : i32
      %dma_wait3A_274 = tpu.memref_slice %arg9[%dma_wait3A_272, %dma_wait3A_273] : memref<10112x128xf32, #tpu.memory_space<vmem_shared>> -> memref<10112x128xf32, #tpu.memory_space<vmem_shared>>
      tpu.wait_indirect_dma semaphore(%run_scoped3A_254 : memref<!tpu.dma_semaphore, #tpu.memory_space<semaphore_mem>>) src(%dma_wait3A_268 : memref<80x128xf32, #tpu.memory_space<vmem>>) dst(%dma_wait3A_274 : memref<10112x128xf32, #tpu.memory_space<vmem_shared>>)
      tpu.yield
    }) : () -> ()
    %dma_wait3A_196 = arith.constant 1 : i32
    %dma_wait3A_197 = arith.constant 0 : i32
    %dma_wait3A_198 = arith.constant 0 : i32
    %dma_wait3A_199 = tpu.memref_slice %arg8[%dma_wait3A_196, %dma_wait3A_197, %dma_wait3A_198] : memref<4x80x128xf32, #tpu.memory_space<vmem>> -> memref<1x80x128xf32, #tpu.memory_space<vmem>>
    %dma_wait3A_200 = tpu.memref_squeeze %dma_wait3A_199 : memref<1x80x128xf32, #tpu.memory_space<vmem>> -> memref<80x128xf32, #tpu.memory_space<vmem>>
    %dma_wait3A_201 = arith.constant 0 : i32
    %dma_wait3A_202 = arith.constant 0 : i32
    %dma_wait3A_203 = tpu.memref_slice %arg2[%dma_wait3A_201, %dma_wait3A_202] : memref<10000x128xf32, #tpu.memory_space<hbm>> -> memref<80x128xf32, #tpu.memory_space<hbm>>
    %dma_wait3A_204 = arith.constant 0 : i32
    %dma_wait3A_205 = arith.constant 0 : i32
    %dma_wait3A_206 = tpu.memref_slice %arg8[%dma_wait3A_196, %dma_wait3A_204, %dma_wait3A_205] : memref<4x80x128xf32, #tpu.memory_space<vmem>> -> memref<1x80x128xf32, #tpu.memory_space<vmem>>
    %dma_wait3A_207 = tpu.memref_squeeze %dma_wait3A_206 : memref<1x80x128xf32, #tpu.memory_space<vmem>> -> memref<80x128xf32, #tpu.memory_space<vmem>>
    %dma_wait3A_208 = arith.constant 0 : i32
    %dma_wait3A_209 = arith.constant 0 : i32
    %dma_wait3A_210 = tpu.memref_slice %arg2[%dma_wait3A_208, %dma_wait3A_209] : memref<10000x128xf32, #tpu.memory_space<hbm>> -> memref<80x128xf32, #tpu.memory_space<hbm>>
    tpu.wait_dma2 semaphore(%arg11 : memref<!tpu.dma_semaphore, #tpu.memory_space<semaphore_mem>>) src(%dma_wait3A_210 : memref<80x128xf32, #tpu.memory_space<hbm>>) dst(%dma_wait3A_207 : memref<80x128xf32, #tpu.memory_space<vmem>>)
    %run_scoped3A_211 = arith.constant 1 : i32
    %run_scoped3A_212 = arith.constant 1 : i32
    %run_scoped3A_213 = arith.constant 1 : i32
    %run_scoped3A_214 = arith.constant 5 : i32
    "tpu.region"() ({
      %run_scoped3A_254 = tpu.sem_alloc : memref<!tpu.dma_semaphore, #tpu.memory_space<semaphore_mem>>
      %dma_start3A_255 = arith.constant 0 : i32
      %dma_start3A_256 = arith.constant 0 : i32
      %dma_start3A_257 = tpu.memref_slice %arg8[%run_scoped3A_211, %dma_start3A_255, %dma_start3A_256] : memref<4x80x128xf32, #tpu.memory_space<vmem>> -> memref<1x80x128xf32, #tpu.memory_space<vmem>>
      %dma_start3A_258 = tpu.memref_squeeze %dma_start3A_257 : memref<1x80x128xf32, #tpu.memory_space<vmem>> -> memref<80x128xf32, #tpu.memory_space<vmem>>
      %dma_start3A_259 = arith.constant 0 : i32
      %dma_start3A_260 = tpu.memref_slice %arg7[%run_scoped3A_212, %run_scoped3A_213, %run_scoped3A_214, %dma_start3A_259] : memref<2x2x8x80xi32, #tpu.memory_space<vmem>> -> memref<1x1x1x80xi32, #tpu.memory_space<vmem>>
      %dma_start3A_261 = tpu.memref_squeeze %dma_start3A_260 : memref<1x1x1x80xi32, #tpu.memory_space<vmem>> -> memref<80xi32, #tpu.memory_space<vmem>>
      %dma_start3A_262 = arith.constant 0 : i32
      %dma_start3A_263 = arith.constant 0 : i32
      %dma_start3A_264 = tpu.memref_slice %arg9[%dma_start3A_262, %dma_start3A_263] : memref<10112x128xf32, #tpu.memory_space<vmem_shared>> -> memref<10112x128xf32, #tpu.memory_space<vmem_shared>>
      tpu.enqueue_indirect_dma source(%dma_start3A_258 : memref<80x128xf32, #tpu.memory_space<vmem>>) target(%dma_start3A_264 : memref<10112x128xf32, #tpu.memory_space<vmem_shared>>) offsets(%dma_start3A_261 : memref<80xi32, #tpu.memory_space<vmem>>) semaphore(%run_scoped3A_254 : memref<!tpu.dma_semaphore, #tpu.memory_space<semaphore_mem>>) {add = true}
      %dma_wait3A_265 = arith.constant 0 : i32
      %dma_wait3A_266 = arith.constant 0 : i32
      %dma_wait3A_267 = tpu.memref_slice %arg8[%run_scoped3A_211, %dma_wait3A_265, %dma_wait3A_266] : memref<4x80x128xf32, #tpu.memory_space<vmem>> -> memref<1x80x128xf32, #tpu.memory_space<vmem>>
      %dma_wait3A_268 = tpu.memref_squeeze %dma_wait3A_267 : memref<1x80x128xf32, #tpu.memory_space<vmem>> -> memref<80x128xf32, #tpu.memory_space<vmem>>
      %dma_wait3A_269 = arith.constant 0 : i32
      %dma_wait3A_270 = tpu.memref_slice %arg7[%run_scoped3A_212, %run_scoped3A_213, %run_scoped3A_214, %dma_wait3A_269] : memref<2x2x8x80xi32, #tpu.memory_space<vmem>> -> memref<1x1x1x80xi32, #tpu.memory_space<vmem>>
      %dma_wait3A_271 = tpu.memref_squeeze %dma_wait3A_270 : memref<1x1x1x80xi32, #tpu.memory_space<vmem>> -> memref<80xi32, #tpu.memory_space<vmem>>
      %dma_wait3A_272 = arith.constant 0 : i32
      %dma_wait3A_273 = arith.constant 0 : i32
      %dma_wait3A_274 = tpu.memref_slice %arg9[%dma_wait3A_272, %dma_wait3A_273] : memref<10112x128xf32, #tpu.memory_space<vmem_shared>> -> memref<10112x128xf32, #tpu.memory_space<vmem_shared>>
      tpu.wait_indirect_dma semaphore(%run_scoped3A_254 : memref<!tpu.dma_semaphore, #tpu.memory_space<semaphore_mem>>) src(%dma_wait3A_268 : memref<80x128xf32, #tpu.memory_space<vmem>>) dst(%dma_wait3A_274 : memref<10112x128xf32, #tpu.memory_space<vmem_shared>>)
      tpu.yield
    }) : () -> ()
    %dma_wait3A_215 = arith.constant 2 : i32
    %dma_wait3A_216 = arith.constant 0 : i32
    %dma_wait3A_217 = arith.constant 0 : i32
    %dma_wait3A_218 = tpu.memref_slice %arg8[%dma_wait3A_215, %dma_wait3A_216, %dma_wait3A_217] : memref<4x80x128xf32, #tpu.memory_space<vmem>> -> memref<1x80x128xf32, #tpu.memory_space<vmem>>
    %dma_wait3A_219 = tpu.memref_squeeze %dma_wait3A_218 : memref<1x80x128xf32, #tpu.memory_space<vmem>> -> memref<80x128xf32, #tpu.memory_space<vmem>>
    %dma_wait3A_220 = arith.constant 0 : i32
    %dma_wait3A_221 = arith.constant 0 : i32
    %dma_wait3A_222 = tpu.memref_slice %arg2[%dma_wait3A_220, %dma_wait3A_221] : memref<10000x128xf32, #tpu.memory_space<hbm>> -> memref<80x128xf32, #tpu.memory_space<hbm>>
    %dma_wait3A_223 = arith.constant 0 : i32
    %dma_wait3A_224 = arith.constant 0 : i32
    %dma_wait3A_225 = tpu.memref_slice %arg8[%dma_wait3A_215, %dma_wait3A_223, %dma_wait3A_224] : memref<4x80x128xf32, #tpu.memory_space<vmem>> -> memref<1x80x128xf32, #tpu.memory_space<vmem>>
    %dma_wait3A_226 = tpu.memref_squeeze %dma_wait3A_225 : memref<1x80x128xf32, #tpu.memory_space<vmem>> -> memref<80x128xf32, #tpu.memory_space<vmem>>
    %dma_wait3A_227 = arith.constant 0 : i32
    %dma_wait3A_228 = arith.constant 0 : i32
    %dma_wait3A_229 = tpu.memref_slice %arg2[%dma_wait3A_227, %dma_wait3A_228] : memref<10000x128xf32, #tpu.memory_space<hbm>> -> memref<80x128xf32, #tpu.memory_space<hbm>>
    tpu.wait_dma2 semaphore(%arg12 : memref<!tpu.dma_semaphore, #tpu.memory_space<semaphore_mem>>) src(%dma_wait3A_229 : memref<80x128xf32, #tpu.memory_space<hbm>>) dst(%dma_wait3A_226 : memref<80x128xf32, #tpu.memory_space<vmem>>)
    %run_scoped3A_230 = arith.constant 2 : i32
    %run_scoped3A_231 = arith.constant 1 : i32
    %run_scoped3A_232 = arith.constant 1 : i32
    %run_scoped3A_233 = arith.constant 6 : i32
    "tpu.region"() ({
      %run_scoped3A_254 = tpu.sem_alloc : memref<!tpu.dma_semaphore, #tpu.memory_space<semaphore_mem>>
      %dma_start3A_255 = arith.constant 0 : i32
      %dma_start3A_256 = arith.constant 0 : i32
      %dma_start3A_257 = tpu.memref_slice %arg8[%run_scoped3A_230, %dma_start3A_255, %dma_start3A_256] : memref<4x80x128xf32, #tpu.memory_space<vmem>> -> memref<1x80x128xf32, #tpu.memory_space<vmem>>
      %dma_start3A_258 = tpu.memref_squeeze %dma_start3A_257 : memref<1x80x128xf32, #tpu.memory_space<vmem>> -> memref<80x128xf32, #tpu.memory_space<vmem>>
      %dma_start3A_259 = arith.constant 0 : i32
      %dma_start3A_260 = tpu.memref_slice %arg7[%run_scoped3A_231, %run_scoped3A_232, %run_scoped3A_233, %dma_start3A_259] : memref<2x2x8x80xi32, #tpu.memory_space<vmem>> -> memref<1x1x1x80xi32, #tpu.memory_space<vmem>>
      %dma_start3A_261 = tpu.memref_squeeze %dma_start3A_260 : memref<1x1x1x80xi32, #tpu.memory_space<vmem>> -> memref<80xi32, #tpu.memory_space<vmem>>
      %dma_start3A_262 = arith.constant 0 : i32
      %dma_start3A_263 = arith.constant 0 : i32
      %dma_start3A_264 = tpu.memref_slice %arg9[%dma_start3A_262, %dma_start3A_263] : memref<10112x128xf32, #tpu.memory_space<vmem_shared>> -> memref<10112x128xf32, #tpu.memory_space<vmem_shared>>
      tpu.enqueue_indirect_dma source(%dma_start3A_258 : memref<80x128xf32, #tpu.memory_space<vmem>>) target(%dma_start3A_264 : memref<10112x128xf32, #tpu.memory_space<vmem_shared>>) offsets(%dma_start3A_261 : memref<80xi32, #tpu.memory_space<vmem>>) semaphore(%run_scoped3A_254 : memref<!tpu.dma_semaphore, #tpu.memory_space<semaphore_mem>>) {add = true}
      %dma_wait3A_265 = arith.constant 0 : i32
      %dma_wait3A_266 = arith.constant 0 : i32
      %dma_wait3A_267 = tpu.memref_slice %arg8[%run_scoped3A_230, %dma_wait3A_265, %dma_wait3A_266] : memref<4x80x128xf32, #tpu.memory_space<vmem>> -> memref<1x80x128xf32, #tpu.memory_space<vmem>>
      %dma_wait3A_268 = tpu.memref_squeeze %dma_wait3A_267 : memref<1x80x128xf32, #tpu.memory_space<vmem>> -> memref<80x128xf32, #tpu.memory_space<vmem>>
      %dma_wait3A_269 = arith.constant 0 : i32
      %dma_wait3A_270 = tpu.memref_slice %arg7[%run_scoped3A_231, %run_scoped3A_232, %run_scoped3A_233, %dma_wait3A_269] : memref<2x2x8x80xi32, #tpu.memory_space<vmem>> -> memref<1x1x1x80xi32, #tpu.memory_space<vmem>>
      %dma_wait3A_271 = tpu.memref_squeeze %dma_wait3A_270 : memref<1x1x1x80xi32, #tpu.memory_space<vmem>> -> memref<80xi32, #tpu.memory_space<vmem>>
      %dma_wait3A_272 = arith.constant 0 : i32
      %dma_wait3A_273 = arith.constant 0 : i32
      %dma_wait3A_274 = tpu.memref_slice %arg9[%dma_wait3A_272, %dma_wait3A_273] : memref<10112x128xf32, #tpu.memory_space<vmem_shared>> -> memref<10112x128xf32, #tpu.memory_space<vmem_shared>>
      tpu.wait_indirect_dma semaphore(%run_scoped3A_254 : memref<!tpu.dma_semaphore, #tpu.memory_space<semaphore_mem>>) src(%dma_wait3A_268 : memref<80x128xf32, #tpu.memory_space<vmem>>) dst(%dma_wait3A_274 : memref<10112x128xf32, #tpu.memory_space<vmem_shared>>)
      tpu.yield
    }) : () -> ()
    %dma_wait3A_234 = arith.constant 3 : i32
    %dma_wait3A_235 = arith.constant 0 : i32
    %dma_wait3A_236 = arith.constant 0 : i32
    %dma_wait3A_237 = tpu.memref_slice %arg8[%dma_wait3A_234, %dma_wait3A_235, %dma_wait3A_236] : memref<4x80x128xf32, #tpu.memory_space<vmem>> -> memref<1x80x128xf32, #tpu.memory_space<vmem>>
    %dma_wait3A_238 = tpu.memref_squeeze %dma_wait3A_237 : memref<1x80x128xf32, #tpu.memory_space<vmem>> -> memref<80x128xf32, #tpu.memory_space<vmem>>
    %dma_wait3A_239 = arith.constant 0 : i32
    %dma_wait3A_240 = arith.constant 0 : i32
    %dma_wait3A_241 = tpu.memref_slice %arg2[%dma_wait3A_239, %dma_wait3A_240] : memref<10000x128xf32, #tpu.memory_space<hbm>> -> memref<80x128xf32, #tpu.memory_space<hbm>>
    %dma_wait3A_242 = arith.constant 0 : i32
    %dma_wait3A_243 = arith.constant 0 : i32
    %dma_wait3A_244 = tpu.memref_slice %arg8[%dma_wait3A_234, %dma_wait3A_242, %dma_wait3A_243] : memref<4x80x128xf32, #tpu.memory_space<vmem>> -> memref<1x80x128xf32, #tpu.memory_space<vmem>>
    %dma_wait3A_245 = tpu.memref_squeeze %dma_wait3A_244 : memref<1x80x128xf32, #tpu.memory_space<vmem>> -> memref<80x128xf32, #tpu.memory_space<vmem>>
    %dma_wait3A_246 = arith.constant 0 : i32
    %dma_wait3A_247 = arith.constant 0 : i32
    %dma_wait3A_248 = tpu.memref_slice %arg2[%dma_wait3A_246, %dma_wait3A_247] : memref<10000x128xf32, #tpu.memory_space<hbm>> -> memref<80x128xf32, #tpu.memory_space<hbm>>
    tpu.wait_dma2 semaphore(%arg13 : memref<!tpu.dma_semaphore, #tpu.memory_space<semaphore_mem>>) src(%dma_wait3A_248 : memref<80x128xf32, #tpu.memory_space<hbm>>) dst(%dma_wait3A_245 : memref<80x128xf32, #tpu.memory_space<vmem>>)
    %run_scoped3A_249 = arith.constant 3 : i32
    %run_scoped3A_250 = arith.constant 1 : i32
    %run_scoped3A_251 = arith.constant 1 : i32
    %run_scoped3A_252 = arith.constant 7 : i32
    "tpu.region"() ({
      %run_scoped3A_254 = tpu.sem_alloc : memref<!tpu.dma_semaphore, #tpu.memory_space<semaphore_mem>>
      %dma_start3A_255 = arith.constant 0 : i32
      %dma_start3A_256 = arith.constant 0 : i32
      %dma_start3A_257 = tpu.memref_slice %arg8[%run_scoped3A_249, %dma_start3A_255, %dma_start3A_256] : memref<4x80x128xf32, #tpu.memory_space<vmem>> -> memref<1x80x128xf32, #tpu.memory_space<vmem>>
      %dma_start3A_258 = tpu.memref_squeeze %dma_start3A_257 : memref<1x80x128xf32, #tpu.memory_space<vmem>> -> memref<80x128xf32, #tpu.memory_space<vmem>>
      %dma_start3A_259 = arith.constant 0 : i32
      %dma_start3A_260 = tpu.memref_slice %arg7[%run_scoped3A_250, %run_scoped3A_251, %run_scoped3A_252, %dma_start3A_259] : memref<2x2x8x80xi32, #tpu.memory_space<vmem>> -> memref<1x1x1x80xi32, #tpu.memory_space<vmem>>
      %dma_start3A_261 = tpu.memref_squeeze %dma_start3A_260 : memref<1x1x1x80xi32, #tpu.memory_space<vmem>> -> memref<80xi32, #tpu.memory_space<vmem>>
      %dma_start3A_262 = arith.constant 0 : i32
      %dma_start3A_263 = arith.constant 0 : i32
      %dma_start3A_264 = tpu.memref_slice %arg9[%dma_start3A_262, %dma_start3A_263] : memref<10112x128xf32, #tpu.memory_space<vmem_shared>> -> memref<10112x128xf32, #tpu.memory_space<vmem_shared>>
      tpu.enqueue_indirect_dma source(%dma_start3A_258 : memref<80x128xf32, #tpu.memory_space<vmem>>) target(%dma_start3A_264 : memref<10112x128xf32, #tpu.memory_space<vmem_shared>>) offsets(%dma_start3A_261 : memref<80xi32, #tpu.memory_space<vmem>>) semaphore(%run_scoped3A_254 : memref<!tpu.dma_semaphore, #tpu.memory_space<semaphore_mem>>) {add = true}
      %dma_wait3A_265 = arith.constant 0 : i32
      %dma_wait3A_266 = arith.constant 0 : i32
      %dma_wait3A_267 = tpu.memref_slice %arg8[%run_scoped3A_249, %dma_wait3A_265, %dma_wait3A_266] : memref<4x80x128xf32, #tpu.memory_space<vmem>> -> memref<1x80x128xf32, #tpu.memory_space<vmem>>
      %dma_wait3A_268 = tpu.memref_squeeze %dma_wait3A_267 : memref<1x80x128xf32, #tpu.memory_space<vmem>> -> memref<80x128xf32, #tpu.memory_space<vmem>>
      %dma_wait3A_269 = arith.constant 0 : i32
      %dma_wait3A_270 = tpu.memref_slice %arg7[%run_scoped3A_250, %run_scoped3A_251, %run_scoped3A_252, %dma_wait3A_269] : memref<2x2x8x80xi32, #tpu.memory_space<vmem>> -> memref<1x1x1x80xi32, #tpu.memory_space<vmem>>
      %dma_wait3A_271 = tpu.memref_squeeze %dma_wait3A_270 : memref<1x1x1x80xi32, #tpu.memory_space<vmem>> -> memref<80xi32, #tpu.memory_space<vmem>>
      %dma_wait3A_272 = arith.constant 0 : i32
      %dma_wait3A_273 = arith.constant 0 : i32
      %dma_wait3A_274 = tpu.memref_slice %arg9[%dma_wait3A_272, %dma_wait3A_273] : memref<10112x128xf32, #tpu.memory_space<vmem_shared>> -> memref<10112x128xf32, #tpu.memory_space<vmem_shared>>
      tpu.wait_indirect_dma semaphore(%run_scoped3A_254 : memref<!tpu.dma_semaphore, #tpu.memory_space<semaphore_mem>>) src(%dma_wait3A_268 : memref<80x128xf32, #tpu.memory_space<vmem>>) dst(%dma_wait3A_274 : memref<10112x128xf32, #tpu.memory_space<vmem_shared>>)
      tpu.yield
    }) : () -> ()
    %barrier3A_253 = arith.constant 0 : index
    tpu.barrier barrier_id(%barrier3A_253)
    "tpu.region"() ({
      %run_scoped3A_254 = tpu.sem_alloc : memref<!tpu.dma_semaphore, #tpu.memory_space<semaphore_mem>>
      %dma_start3A_255 = arith.constant 0 : i32
      %dma_start3A_256 = tpu.memref_slice %arg6[%arg0, %mul3A_2, %dma_start3A_255] : memref<2x10112x128xf32, #tpu.memory_space<hbm>> -> memref<1x632x128xf32, #tpu.memory_space<hbm>>
      %dma_start3A_257 = tpu.memref_squeeze %dma_start3A_256 : memref<1x632x128xf32, #tpu.memory_space<hbm>> -> memref<632x128xf32, #tpu.memory_space<hbm>>
      %dma_start3A_258 = arith.constant 0 : i32
      %dma_start3A_259 = tpu.memref_slice %arg9[%mul3A_2, %dma_start3A_258] : memref<10112x128xf32, #tpu.memory_space<vmem_shared>> -> memref<632x128xf32, #tpu.memory_space<vmem_shared>>
      tpu.enqueue_dma source(%dma_start3A_259 : memref<632x128xf32, #tpu.memory_space<vmem_shared>>) target(%dma_start3A_257 : memref<632x128xf32, #tpu.memory_space<hbm>>) target_semaphore(%run_scoped3A_254 : memref<!tpu.dma_semaphore, #tpu.memory_space<semaphore_mem>>)
      %dma_wait3A_260 = arith.constant 0 : i32
      %dma_wait3A_261 = tpu.memref_slice %arg6[%arg0, %mul3A_2, %dma_wait3A_260] : memref<2x10112x128xf32, #tpu.memory_space<hbm>> -> memref<1x632x128xf32, #tpu.memory_space<hbm>>
      %dma_wait3A_262 = tpu.memref_squeeze %dma_wait3A_261 : memref<1x632x128xf32, #tpu.memory_space<hbm>> -> memref<632x128xf32, #tpu.memory_space<hbm>>
      %dma_wait3A_263 = arith.constant 0 : i32
      %dma_wait3A_264 = tpu.memref_slice %arg9[%mul3A_2, %dma_wait3A_263] : memref<10112x128xf32, #tpu.memory_space<vmem_shared>> -> memref<632x128xf32, #tpu.memory_space<vmem_shared>>
      tpu.wait_dma2 semaphore(%run_scoped3A_254 : memref<!tpu.dma_semaphore, #tpu.memory_space<semaphore_mem>>) src(%dma_wait3A_264 : memref<632x128xf32, #tpu.memory_space<vmem_shared>>) dst(%dma_wait3A_262 : memref<632x128xf32, #tpu.memory_space<hbm>>)
      tpu.yield
    }) : () -> ()
    return
  }
}

module attributes {stable_mosaic.version = 14 : i64} {
  func.func @_tc_body(%arg0: i32, %arg1: memref<1000x128xf32, #tpu.memory_space<vmem>>, %arg2: memref<1000x128xf32, #tpu.memory_space<vmem>>, %arg3: memref<1000x128xf32, #tpu.memory_space<vmem>>, %arg4: memref<128x128xf32, #tpu.memory_space<vmem>>, %arg5: memref<128x128xf32, #tpu.memory_space<vmem>>, %arg6: memref<1x128xf32, #tpu.memory_space<vmem>>, %arg7: memref<1x128xf32, #tpu.memory_space<vmem>>, %arg8: memref<1x128xf32, #tpu.memory_space<vmem>>, %arg9: memref<128x8xf32, #tpu.memory_space<vmem>>, %arg10: memref<8x128xf32, #tpu.memory_space<vmem>>, %arg11: memref<1000x128xf32, #tpu.memory_space<vmem>>) attributes {dimension_semantics = [#tpu.dimension_semantics<arbitrary>], iteration_bounds = array<i64: 10>, scalar_prefetch = 0 : i64, scratch_operands = 0 : i64, tpu.core_type = #tpu.core_type<tc>, window_params = [{transform_indices = @transform_0, window_bounds = array<i64: 1000, 128>}, {transform_indices = @transform_1, window_bounds = array<i64: 1000, 128>}, {transform_indices = @transform_2, window_bounds = array<i64: 1000, 128>}, {pipeline_mode = #tpu.pipeline_mode<synchronous>, transform_indices = @transform_3, window_bounds = array<i64: 128, 128>}, {pipeline_mode = #tpu.pipeline_mode<synchronous>, transform_indices = @transform_4, window_bounds = array<i64: 128, 128>}, {pipeline_mode = #tpu.pipeline_mode<synchronous>, transform_indices = @transform_5, window_bounds = array<i64: 1, 128>}, {pipeline_mode = #tpu.pipeline_mode<synchronous>, transform_indices = @transform_6, window_bounds = array<i64: 1, 128>}, {pipeline_mode = #tpu.pipeline_mode<synchronous>, transform_indices = @transform_7, window_bounds = array<i64: 1, 128>}, {pipeline_mode = #tpu.pipeline_mode<synchronous>, transform_indices = @transform_8, window_bounds = array<i64: 128, 8>}, {pipeline_mode = #tpu.pipeline_mode<synchronous>, transform_indices = @transform_9, window_bounds = array<i64: 8, 128>}, {transform_indices = @transform_10, window_bounds = array<i64: 1000, 128>}]} {
    %get3A = arith.constant 0 : index
    %get3A_0 = arith.constant 0 : index
    %get3A_1 = vector.load %arg1[%get3A, %get3A_0] : memref<1000x128xf32, #tpu.memory_space<vmem>>, vector<1000x128xf32>
    %get3A_2 = arith.constant 0 : index
    %get3A_3 = arith.constant 0 : index
    %get3A_4 = vector.load %arg2[%get3A_2, %get3A_3] : memref<1000x128xf32, #tpu.memory_space<vmem>>, vector<1000x128xf32>
    %get3A_5 = arith.constant 0 : index
    %get3A_6 = arith.constant 0 : index
    %get3A_7 = vector.load %arg3[%get3A_5, %get3A_6] : memref<1000x128xf32, #tpu.memory_space<vmem>>, vector<1000x128xf32>
    %add3A = arith.addf %get3A_4, %get3A_7 : vector<1000x128xf32>
    %get3A_8 = arith.constant 0 : index
    %get3A_9 = arith.constant 0 : index
    %get3A_10 = vector.load %arg4[%get3A_8, %get3A_9] : memref<128x128xf32, #tpu.memory_space<vmem>>, vector<128x128xf32>
    %dot_general3A = arith.constant dense<0.000000e+00> : vector<1000x128xf32>
    %dot_general3A_11 = tpu.matmul %get3A_1, %get3A_10, %dot_general3A {dimension_numbers = #tpu.dot_dimension_numbers<[1], [0], [0], [1], [0, 0, 1, 1], [], []>, transpose_lhs_hint = false} : vector<1000x128xf32>, vector<128x128xf32>, vector<1000x128xf32> -> vector<1000x128xf32>
    %get3A_12 = arith.constant 0 : index
    %get3A_13 = arith.constant 0 : index
    %get3A_14 = vector.load %arg5[%get3A_12, %get3A_13] : memref<128x128xf32, #tpu.memory_space<vmem>>, vector<128x128xf32>
    %dot_general3A_15 = arith.constant dense<0.000000e+00> : vector<1000x128xf32>
    %dot_general3A_16 = tpu.matmul %add3A, %get3A_14, %dot_general3A_15 {dimension_numbers = #tpu.dot_dimension_numbers<[1], [0], [0], [1], [0, 0, 1, 1], [], []>, transpose_lhs_hint = false} : vector<1000x128xf32>, vector<128x128xf32>, vector<1000x128xf32> -> vector<1000x128xf32>
    %add3A_17 = arith.addf %dot_general3A_11, %dot_general3A_16 : vector<1000x128xf32>
    %get3A_18 = arith.constant 0 : index
    %get3A_19 = arith.constant 0 : index
    %get3A_20 = vector.load %arg6[%get3A_18, %get3A_19] : memref<1x128xf32, #tpu.memory_space<vmem>>, vector<1x128xf32>
    %add3A_21 = vector.broadcast %get3A_20 : vector<1x128xf32> to vector<1000x128xf32>
    %add3A_22 = arith.addf %add3A_17, %add3A_21 : vector<1000x128xf32>
    %get3A_23 = arith.constant 0 : index
    %get3A_24 = arith.constant 0 : index
    %get3A_25 = vector.load %arg9[%get3A_23, %get3A_24] : memref<128x8xf32, #tpu.memory_space<vmem>>, vector<128x8xf32>
    %get3A_26 = arith.constant 0 : index
    %get3A_27 = arith.constant 0 : index
    %get3A_28 = vector.load %arg10[%get3A_26, %get3A_27] : memref<8x128xf32, #tpu.memory_space<vmem>>, vector<8x128xf32>
    %dot_general3A_29 = arith.constant dense<0.000000e+00> : vector<1000x8xf32>
    %dot_general3A_30 = tpu.matmul %add3A_22, %get3A_25, %dot_general3A_29 {dimension_numbers = #tpu.dot_dimension_numbers<[1], [0], [0], [1], [0, 0, 1, 1], [], []>, transpose_lhs_hint = false} : vector<1000x128xf32>, vector<128x8xf32>, vector<1000x8xf32> -> vector<1000x8xf32>
    %dot_general3A_31 = arith.constant dense<0.000000e+00> : vector<1000x128xf32>
    %dot_general3A_32 = tpu.matmul %dot_general3A_30, %get3A_28, %dot_general3A_31 {dimension_numbers = #tpu.dot_dimension_numbers<[1], [0], [0], [1], [0, 0, 1, 1], [], []>, transpose_lhs_hint = false} : vector<1000x8xf32>, vector<8x128xf32>, vector<1000x128xf32> -> vector<1000x128xf32>
    %mul3A = arith.mulf %add3A_22, %add3A_22 : vector<1000x128xf32>
    %dot_general3A_33 = arith.constant dense<0.000000e+00> : vector<1000x8xf32>
    %dot_general3A_34 = tpu.matmul %mul3A, %get3A_25, %dot_general3A_33 {dimension_numbers = #tpu.dot_dimension_numbers<[1], [0], [0], [1], [0, 0, 1, 1], [], []>, transpose_lhs_hint = false} : vector<1000x128xf32>, vector<128x8xf32>, vector<1000x8xf32> -> vector<1000x8xf32>
    %dot_general3A_35 = arith.constant dense<0.000000e+00> : vector<1000x128xf32>
    %dot_general3A_36 = tpu.matmul %dot_general3A_34, %get3A_28, %dot_general3A_35 {dimension_numbers = #tpu.dot_dimension_numbers<[1], [0], [0], [1], [0, 0, 1, 1], [], []>, transpose_lhs_hint = false} : vector<1000x8xf32>, vector<8x128xf32>, vector<1000x128xf32> -> vector<1000x128xf32>
    %mul3A_37 = arith.mulf %dot_general3A_32, %dot_general3A_32 : vector<1000x128xf32>
    %sub3A = arith.subf %dot_general3A_36, %mul3A_37 : vector<1000x128xf32>
    %add3A_38 = arith.constant 9.99999974E-6 : f32
    %add3A_39 = vector.broadcast %add3A_38 : f32 to vector<1000x128xf32>
    %add3A_40 = arith.addf %sub3A, %add3A_39 : vector<1000x128xf32>
    %rsqrt3A = math.rsqrt %add3A_40 : vector<1000x128xf32>
    %sub3A_41 = arith.subf %add3A_22, %dot_general3A_32 : vector<1000x128xf32>
    %mul3A_42 = arith.mulf %sub3A_41, %rsqrt3A : vector<1000x128xf32>
    %get3A_43 = arith.constant 0 : index
    %get3A_44 = arith.constant 0 : index
    %get3A_45 = vector.load %arg7[%get3A_43, %get3A_44] : memref<1x128xf32, #tpu.memory_space<vmem>>, vector<1x128xf32>
    %mul3A_46 = vector.broadcast %get3A_45 : vector<1x128xf32> to vector<1000x128xf32>
    %mul3A_47 = arith.mulf %mul3A_42, %mul3A_46 : vector<1000x128xf32>
    %get3A_48 = arith.constant 0 : index
    %get3A_49 = arith.constant 0 : index
    %get3A_50 = vector.load %arg8[%get3A_48, %get3A_49] : memref<1x128xf32, #tpu.memory_space<vmem>>, vector<1x128xf32>
    %add3A_51 = vector.broadcast %get3A_50 : vector<1x128xf32> to vector<1000x128xf32>
    %add3A_52 = arith.addf %mul3A_47, %add3A_51 : vector<1000x128xf32>
    %swap3A = arith.constant 0 : index
    %swap3A_53 = arith.constant 0 : index
    %swap3A_54 = vector.load %arg11[%swap3A, %swap3A_53] : memref<1000x128xf32, #tpu.memory_space<vmem>>, vector<1000x128xf32>
    tpu.vector_store %arg11[%swap3A, %swap3A_53], %add3A_52 {strides = array<i32>} : memref<1000x128xf32, #tpu.memory_space<vmem>>, vector<1000x128xf32>,
    return
  }
  func.func @transform_0(%arg0: i32) -> (i32, i32) {
    %c0_i32 = arith.constant 0 : i32
    %c0_i32_0 = arith.constant 0 : i32
    return %arg0, %c0_i32 : i32, i32
  }
  func.func @transform_1(%arg0: i32) -> (i32, i32) {
    %c0_i32 = arith.constant 0 : i32
    %c0_i32_0 = arith.constant 0 : i32
    return %arg0, %c0_i32 : i32, i32
  }
  func.func @transform_2(%arg0: i32) -> (i32, i32) {
    %c0_i32 = arith.constant 0 : i32
    %c0_i32_0 = arith.constant 0 : i32
    return %arg0, %c0_i32 : i32, i32
  }
  func.func @transform_3(%arg0: i32) -> (i32, i32) {
    %c0_i32 = arith.constant 0 : i32
    %c0_i32_0 = arith.constant 0 : i32
    %c0_i32_1 = arith.constant 0 : i32
    return %c0_i32, %c0_i32_0 : i32, i32
  }
  func.func @transform_4(%arg0: i32) -> (i32, i32) {
    %c0_i32 = arith.constant 0 : i32
    %c0_i32_0 = arith.constant 0 : i32
    %c0_i32_1 = arith.constant 0 : i32
    return %c0_i32, %c0_i32_0 : i32, i32
  }
  func.func @transform_5(%arg0: i32) -> (i32, i32) {
    %c0_i32 = arith.constant 0 : i32
    %c0_i32_0 = arith.constant 0 : i32
    %c0_i32_1 = arith.constant 0 : i32
    return %c0_i32, %c0_i32_0 : i32, i32
  }
  func.func @transform_6(%arg0: i32) -> (i32, i32) {
    %c0_i32 = arith.constant 0 : i32
    %c0_i32_0 = arith.constant 0 : i32
    %c0_i32_1 = arith.constant 0 : i32
    return %c0_i32, %c0_i32_0 : i32, i32
  }
  func.func @transform_7(%arg0: i32) -> (i32, i32) {
    %c0_i32 = arith.constant 0 : i32
    %c0_i32_0 = arith.constant 0 : i32
    %c0_i32_1 = arith.constant 0 : i32
    return %c0_i32, %c0_i32_0 : i32, i32
  }
  func.func @transform_8(%arg0: i32) -> (i32, i32) {
    %c0_i32 = arith.constant 0 : i32
    %c0_i32_0 = arith.constant 0 : i32
    %c0_i32_1 = arith.constant 0 : i32
    return %c0_i32, %c0_i32_0 : i32, i32
  }
  func.func @transform_9(%arg0: i32) -> (i32, i32) {
    %c0_i32 = arith.constant 0 : i32
    %c0_i32_0 = arith.constant 0 : i32
    %c0_i32_1 = arith.constant 0 : i32
    return %c0_i32, %c0_i32_0 : i32, i32
  }
  func.func @transform_10(%arg0: i32) -> (i32, i32) {
    %c0_i32 = arith.constant 0 : i32
    %c0_i32_0 = arith.constant 0 : i32
    return %arg0, %c0_i32 : i32, i32
  }
}

</mosaic_0001>

<sc_bundles>
// kernel: kernel.4.cloned.1.call-start
scs
__scs_entry_jumppad:
0x0: {  	(pc) =	sbr.rel $0x88, $3  }
0x1: {  	(tag) =	ssettag $0x0;
	lr =	simm.s32 $0x1  }
0x2: {  	[smem:$0x3F9A] =	sst lr;
	_ =	strace $0xD0000000  }
0x3: {  	_ = 	snop  }
0x4: {  	_ = 	snop  }
0x5: {  	_ = 	snop  }
0x6: {  	_ = 	snop  }
0x7: {  	_ = 	snop  }
__scs_overlays_trampoline_lowered:
0x8: {  	[smem:$0x3FA9] =	sst s0  }
0x9: {  	[smem:$0x3FAA] =	sst s1  }
0xa: {  	[smem:$0x3FAB] =	sst s2  }
0xb: {  	[smem:$0x3FAC] =	sst s3  }
0xc: {  	[smem:$0x3FAD] =	sst s4  }
0xd: {  	[smem:$0x3FAE] =	sst s5  }
0xe: {  	[smem:$0x3FAF] =	sst s6  }
0xf: {  	[smem:$0x3FB0] =	sst s7  }
0x10: {  	[smem:$0x3FB1] =	sst s8  }
0x11: {  	[smem:$0x3FB2] =	sst s9;
	s0 =	simm.s32 @!p0 $0x0  }
0x12: {  	s1 =	sld [smem:$0x3F98];
	s0 =	simm.s32 @p0 $0x1  }
0x13: {  	[smem:$0x3FB3] =	sst s0;
	s0 =	simm.s32 @!p1 $0x0  }
0x14: {  	s2 =	sld [smem:$0x3F97];
	s0 =	simm.s32 @p1 $0x1  }
0x15: {  	[smem:$0x3FB4] =	sst s0;
	s0 =	simm.s32 @!p2 $0x0  }
0x16: {  	s3 =	sld [smem:$0x3FDB];
	s0 =	simm.s32 @p2 $0x1  }
0x17: {  	s4 =	simm.s32 $0x1BF5;
	[smem:$0x3FB6] =	sst s0  }
0x18: {  	s0 =	sld [smem:$0x3F99];
	_ =	swait.ge [sflag:s4], $0x0  }
0x19: {  	s7 =	sld [smem:$0x3F9A]  }
0x1a: {  	s8 =	sadd.s32 $0xFFFFE003, lr  }
0x1b: {  	s9 =	sadd.s32 $0xFFFFFEF7, lr;
	s5 =	simm.s32 $0xFFFFFFFF;
	p2 =	slt.u32 s8, $0xFFFFF086  }
0x1c: {  	p1 =	slt.u32 s9, $0xF7A;
	s5 =	simm.s32 @!p2 $0x0  }
0x1d: {  	s5 =	simm.s32 @p1 $0x1;
	p0 =	seq.s32 s7, s2  }
0x1e: {  	s7 =	smul.u32 @!p0 $0xF7A, s2;
	p2 =	seq.s32 @!p0 s5, $0x0  }
0x1f: {  	s9 =	smul.u32 $0xF7A, s1;
	s8 =	simm.s32 @!p0 $0x1BF5;
	p2 =	por !p2, p0  }
0x20: {  	[sflag:s8] =	ssyncset.s32 @!p0 $0xFFFFF086;
	s6 =	sadd.s32 @!p0 s3, s7;
	s7 =	simm.s32 @!p0 $0x108  }
0x21: {  	s3 =	sadd.s32 s3, s9;
	s6 =	sadd.s32 @!p0 $0x88, s6;
	s7 =	simm.s32 @p2 $0x1082  }
0x22: {  	[simem:s7], [sflag:s8] =	dma.local @!p0 [hbm:s6], $0xF7A  }
0x23: {  	s9 =	sor.u32 $0xD0000000, s2;
	s6 =	simm.s32 $0x108;
	_ =	swait.ge @!p0 [sflag:s8], $0x0  }
0x24: {  	s3 =	sadd.s32 $0x88, s3;
	s6 =	simm.s32 @!p1 $0x1082;
	[sflag:s4] =	ssyncset.s32 $0xFFFFF086  }
0x25: {  	[simem:s6], [sflag:s4] =	dma.local [hbm:s3], $0xF7A  }
0x26: {  	[smem:$0x3F9A] =	sst s1;
	(tag) =	ssettag s2;
	_ =	strace s9  }
0x27: {  	s1 =	sld [smem:$0x3FAA]  }
0x28: {  	s2 =	sld [smem:$0x3FAB]  }
0x29: {  	s4 =	sld [smem:$0x3FAD]  }
0x2a: {  	p0 =	seq.s32 s5, $0x0;
	s5 =	sld [smem:$0x3FAE]  }
0x2b: {  	s6 =	sld [smem:$0x3FAF]  }
0x2c: {  	s7 =	sld [smem:$0x3FB0]  }
0x2d: {  	s3 =	simm.s32 $0x108;
	s8 =	sld [smem:$0x3FB1]  }
0x2e: {  	s3 =	simm.s32 @!p0 $0x1082;
	s9 =	sld [smem:$0x3FB2]  }
0x2f: {  	lr =	sadd.s32 s0, s3;
	s0 =	sld [smem:$0x3FA9]  }
0x30: {  	s3 =	sld [smem:$0x3FAC]  }
0x31: {  	[smem:$0x3FB5] =	sst s10  }
0x32: {  	s10 =	sld [smem:$0x3FB3];
	_ =	sdelay $0x3  }
0x33: {  	p0 =	seq.s32 s10, $0x1;
	s10 =	sld [smem:$0x3FB5];
	_ =	sdelay $0x3  }
0x34: {  	[smem:$0x3FB5] =	sst s10  }
0x35: {  	s10 =	sld [smem:$0x3FB4];
	_ =	sdelay $0x3  }
0x36: {  	p1 =	seq.s32 s10, $0x1;
	s10 =	sld [smem:$0x3FB5];
	_ =	sdelay $0x3  }
0x37: {  	[smem:$0x3FB5] =	sst s10  }
0x38: {  	s10 =	sld [smem:$0x3FB6]  }
0x39: {  	_ = 	snop;
	(pc) =	sbr.ind lr, $3  }
0x3a: {  	_ = 	snop  }
0x3b: {  	_ = 	snop  }
0x3c: {  	p2 =	seq.s32 s10, $0x1;
	s10 =	sld [smem:$0x3FB5]  }
0x3d: {  	_ =	shalt  }
0x3e: {  	_ =	shalt  }
0x3f: {  	_ =	shalt  }
0x40: {  	_ =	shalt  }
0x41: {  	_ =	shalt  }
0x42: {  	_ =	shalt  }
0x43: {  	_ =	shalt  }
0x44: {  	_ =	shalt  }
0x45: {  	_ =	shalt  }
0x46: {  	_ =	shalt  }
0x47: {  	_ =	shalt  }
0x48: {  	_ =	shalt  }
0x49: {  	_ =	shalt  }
0x4a: {  	_ =	shalt  }
0x4b: {  	_ =	shalt  }
0x4c: {  	_ =	shalt  }
0x4d: {  	_ =	shalt  }
0x4e: {  	_ =	shalt  }
0x4f: {  	_ =	shalt  }
0x50: {  	_ =	shalt  }
0x51: {  	_ =	shalt  }
0x52: {  	_ =	shalt  }
0x53: {  	_ =	shalt  }
0x54: {  	_ =	shalt  }
0x55: {  	_ =	shalt  }
0x56: {  	_ =	shalt  }
0x57: {  	_ =	shalt  }
0x58: {  	_ =	shalt  }
0x59: {  	_ =	shalt  }
0x5a: {  	_ =	shalt  }
0x5b: {  	_ =	shalt  }
0x5c: {  	_ =	shalt  }
0x5d: {  	_ =	shalt  }
0x5e: {  	_ =	shalt  }
0x5f: {  	_ =	shalt  }
0x60: {  	_ =	shalt  }
0x61: {  	_ =	shalt  }
0x62: {  	_ =	shalt  }
0x63: {  	_ =	shalt  }
0x64: {  	_ =	shalt  }
0x65: {  	_ =	shalt  }
0x66: {  	_ =	shalt  }
0x67: {  	_ =	shalt  }
0x68: {  	_ =	shalt  }
0x69: {  	_ =	shalt  }
0x6a: {  	_ =	shalt  }
0x6b: {  	_ =	shalt  }
0x6c: {  	_ =	shalt  }
0x6d: {  	_ =	shalt  }
0x6e: {  	_ =	shalt  }
0x6f: {  	_ =	shalt  }
0x70: {  	_ =	shalt  }
0x71: {  	_ =	shalt  }
0x72: {  	_ =	shalt  }
0x73: {  	_ =	shalt  }
0x74: {  	_ =	shalt  }
0x75: {  	_ =	shalt  }
0x76: {  	_ =	shalt  }
0x77: {  	_ =	shalt  }
0x78: {  	_ =	shalt  }
0x79: {  	_ =	shalt  }
0x7a: {  	_ =	shalt  }
0x7b: {  	_ =	shalt  }
0x7c: {  	_ =	shalt  }
0x7d: {  	_ =	shalt  }
0x7e: {  	_ =	shalt  }
0x7f: {  	_ =	shalt  }
0x80: {  	_ =	shalt  }
0x81: {  	_ =	shalt  }
0x82: {  	_ =	shalt  }
0x83: {  	_ =	shalt  }
0x84: {  	_ =	shalt  }
0x85: {  	_ =	shalt  }
0x86: {  	_ =	shalt  }
0x87: {  	_ =	shalt  }
.Lfunc_end0:
.L_simem_size_0:
called_computation_lowered:
.L_overlay_start_0:
0x88: {  	s2 =	sld [smem:$0x3FD9]  }
0x89: {  	s3 =	sld [smem:$0x3FFE];
	_ =	sdelay $0x1  }
0x8a: {  	s1 =	srdreg.scid  }
0x8b: {  	s0 =	sand.u32 $0x1, s1  }
0x8c: {  	s17 =	sshll.u32 s0, $0xA;
	s2 =	sadd.s32 s3, s2  }
0x8d: {  	s2 =	sadd.s32 s2, s17  }
0x8e: {  	[smem:$0x3FC1] =	sst s2  }
0x8f: {  	_ = 	snop  }
0x90: {  	s2 =	sld [smem:$0x3FC9]  }
0x91: {  	s18 =	sld [smem:$0x3FD0];
	(tm) =	ssettm $0x1  }
0x92: {  	s4 =	sld [smem:$0x3FFB];
	_ =	sdelay $0x3  }
0x93: {  	_ =	strace s4  }
0x94: {  	s4 =	sld [smem:$0x3FFC];
	_ =	sdelay $0x3  }
0x95: {  	_ =	strace s4  }
0x96: {  	s4 =	sld [smem:$0x3FFD];
	_ =	sdelay $0x3  }
0x97: {  	_ =	strace s4  }
0x98: {  	_ =	strace $0x8FFFFFFF  }
0x99: {  	s19 =	sld [smem:$0x3FDB];
	_ =	sdelay $0x1  }
0x9a: {  	s5 =	simm.s32 $_scs_section_size  }
0x9b: {  	s6 =	simm.s32 $_size__tile_overlayer_lowered;
	s7 =	simm.s32 $_tile_overlayer_lowered  }
0x9c: {  	s22 =	simm.s32 $0x1BFF;
	s21 =	sshll.u32 s7, $0x1;
	s4 =	sadd.s32 s5, s19  }
0x9d: {  	s8 =	simm.s32 $0x0;
	s20 =	sshll.u32 s6, $0x1;
	s6 =	sadd.s32 s21, s4  }
0x9e: {  	[timem:s8], [sflag:s22] =	dma.local [hbm:s6], s20  }
0x9f: {  	_ =	swait.ge [sflag:s22], s20  }
0xa0: {  	s5 =	ssub.s32 $0x0, s20;
	[sflag:s22] =	ssyncset.done $0x0  }
0xa1: {  	[sflag:s22] =	ssyncadd.s32 s5;
	_ =	sdelay $0x1  }
0xa2: {  	s23 =	simm.s32 $0x1B8B  }
0xa3: {  	_ =	swait.ge [sflag:s23], $0x1  }
0xa4: {  	[sflag:s23] =	ssyncset.done $0x0  }
0xa5: {  	s25 =	simm.s32 $0x1B8E;
	s24 =	sld [smem:$0x3FFE];
	[sflag:s23] =	ssyncadd.s32 $0xFFFFFFFF  }
0xa6: {  	s26 =	simm.s32 $execute0_lowered;
	[smem:$0x3FD2] =	sst s25  }
0xa7: {  	s6 =	sshll.u32 s26, $0x1;
	_ =	strace $0x80000046;
	[dreg:$0x1] =	wrdreg $0xFFFFFFFF  }
0xa8: {  	s28 =	simm.s32 $_size_execute0_lowered;
	s4 =	sadd.s32 s4, s6;
	[dreg:$0x0] =	wrdreg $0x0  }
0xa9: {  	s6 =	sshll.u32 s28, $0x1;
	[dreg:$0x2] =	wrdreg s4  }
0xaa: {  	[dreg:$0x3] =	wrdreg s6  }
0xab: {  	[dreg:$0x4] =	wrdreg $0xC0  }
0xac: {  	_ =	task [dreg:s8], $0x5FFFF  }
0xad: {  	[dreg:$0x1] =	wrdreg $0xFFFFFFFF  }
0xae: {  	[dreg:$0x0] =	wrdreg $0x60  }
0xaf: {  	[dreg:$0x2] =	wrdreg s2  }
0xb0: {  	[dreg:$0x3] =	wrdreg s24  }
0xb1: {  	[dreg:$0x4] =	wrdreg s18  }
0xb2: {  	[dreg:$0x5] =	wrdreg $0xB0000  }
0xb3: {  	[dreg:$0x6] =	wrdreg $0x9  }
0xb4: {  	_ =	task.clear_ibuf [dreg:s8], $0x7FFFF;
	_ =	strace $0x90000046  }
0xb5: {  	s29 =	simm.s32 $0x9;
	_ =	strace $0x80000048  }
0xb6: {  	_ =	swait.ge [sflag:s29], $0x1  }
0xb7: {  	[sflag:s29] =	ssyncadd.s32 $0xFFFFFFFF  }
0xb8: {  	_ =	strace $0x90000048  }
0xb9: {  	_ =	sfence  }
0xba: {  	s30 =	sld [smem:$0x0];
	_ =	sdelay $0x2  }
0xbb: {  	s31 =	sshll.u32 s1, $0xD;
	s1 =	sshrl.u32 s1, $0x2  }
0xbc: {  	s3 =	sand.u32 $0x4000, s31;
	s1 =	sadd.s32 s1, s30  }
0xbd: {  	s0 =	sor.u32 s3, s0;
	s1 =	sshll.u32 s1, $0x11  }
0xbe: {  	s0 =	sor.u32 s1, s0  }
0xbf: {  	s0 =	sadd.s32 $0x8F2B, s0  }
0xc0: {  	[sflag:s0] =	ssyncadd.remote.s32 $0x1  }
0xc1: {  	_ =	sfence.sel $0xFFFF  }
0xc2: {  	[dreg:$0x0] =	wrdreg $0xFFFFFFFF;
	(pc) =	sbr.abs _section_cstart, $3  }
0xc3: {  	[dreg:$0x1] =	wrdreg $0xFFFFFFFF  }
0xc4: {  	_ =	task.clear_ibuf [dreg:s8], $0x2FFFF;
	_ =	strace $0x9FFFFFFF  }
0xc5: {  	(tm) =	ssettm $0x7FFFFFFF  }
tec
execute0_lowered:
.L_overlay_start_1:
0x0: {  	(tag) =	ssettag $0x1  }
0x1: {  	s0 =	rddreg [dreg:$0x0]  }
0x2: {  	s1 =	rddreg [dreg:$0x1]  }
0x3: {  	s2 =	rddreg [dreg:$0x2];
	s4 =	srdreg.scid  }
0x4: {  	s3 =	rddreg [dreg:$0x3];
	s11 =	stileid.u32;
	s18 =	simm.s32 $0x6  }
0x5: {  	s29 =	simm.s32 $0x6000;
	s31 =	simm.s32 $0x8800;
	s12 =	simm.s32 $0x4  }
0x6: {  	s28 =	simm.s32 $0xD80;
	s30 =	simm.s32 $0xE00;
	s17 =	simm.s32 $0x0  }
0x7: {  	s5 =	sand.u32 $0x1, s4;
	s4 =	simm.s32 $0x0;
	s7 =	smul.u32 $0x13C00, s11  }
0x8: {  	s19 =	sadd.s32 $0x11200, s1;
	s20 =	sadd.s32 $0x1200, s1;
	s8 =	smul.u32 $0x4F000, s11  }
0x9: {  	s10 =	sshll.u32 s11, $0xF;
	s22 =	sshll.u32 s11, $0x6;
	s6 =	smul.u32 $0x13C000, s5  }
0xa: {  	[smem:$0x7FF] =	sst s4;
	s21 =	ssub.s32 $0x2, s5;
	s5 =	sshll.u32 s5, $0xE  }
0xb: {  	s11 =	sor.u32 $0x1C06, s22;
	s22 =	simm.s32 $0xC00;
	_ =	strace $0x80000047  }
0xc: {  	[dreg:$0x5] =	wrdreg s19;
	s9 =	sshrl.u32 s21, $0x1;
	s8 =	sshrl.u32 s8, $0x2  }
0xd: {  	s5 =	sor.u32 s5, s10;
	s19 =	simm.s32 $0xB80;
	[dreg:$0x6] =	wrdreg s11  }
0xe: {  	s6 =	sadd.s32 s7, s6;
	s8 =	sadd.s32 s8, s3;
	s10 =	sshrl.u32 s5, $0x3  }
0xf: {  	s26 =	sor.u32 $0xC00, s5;
	s5 =	sor.u32 $0x800, s5;
	s7 =	simm.s32 $0xF00  }
0x10: {  	s6 =	sshrl.u32 s6, $0x3;
	s23 =	sadd.s32 s2, s10;
	s24 =	sor.u32 $0x80, s10  }
0x11: {  	s10 =	sadd.s32 s20, s10;
	s5 =	sshrl.u32 s5, $0x3;
	[dreg:$0x7] =	wrdreg s23  }
0x12: {  	s1 =	sadd.s32 s6, s1;
	s6 =	ssub.s32 s21, s9;
	[dreg:$0x8] =	wrdreg s10  }
0x13: {  	s25 =	sadd.s32 s2, s24;
	s9 =	sadd.s32 s20, s24;
	s15 =	sadd.s32 s5, s20  }
0x14: {  	s16 =	sadd.s32 s5, s2;
	s10 =	sshrl.u32 s8, $0x3;
	s21 =	simm.s32 $0x800  }
0x15: {  	s23 =	simm.s32 $0x50;
	s24 =	simm.s32 $0x1000;
	[dreg:$0x9] =	wrdreg s25  }
0x16: {  	s5 =	simm.s32 $0x2;
	s8 =	simm.s32 $0xF80;
	[dreg:$0xa] =	wrdreg s9  }
.Ltmp0:
0x17: {  	s1 =	sadd.s32 $0x13A00, s1;
	[dreg:$0xd] =	wrdreg s10;
	(pc) =	sbr.rel .LBB2_1-.Ltmp0, $4  }
0x18: {  	s6 =	smax.u32 s6, $0x1;
	s9 =	simm.s32 $0x3;
	[dreg:$0xb] =	wrdreg s1  }
0x19: {  	s25 =	simm.s32 $0xB00;
	[dreg:$0xc] =	wrdreg s6;
	s1 =	sshrl.u32 s26, $0x3  }
0x1a: {  	s26 =	simm.s32 $0x3800;
	s13 =	sadd.s32 s1, s20;
	s14 =	sadd.s32 s1, s2  }
0x1b: {  	s20 =	simm.s32 $0x5;
	s1 =	simm.s32 $0x1;
	s2 =	simm.s32 $0xE80  }
.LBB2_4:
0x1c: {  	_ =	swait.ge [sflag:s1], $0x2800  }
0x1d: {  	[sflag:s1] =	ssyncset.done $0x0  }
0x1e: {  	[sflag:s1] =	ssyncadd.s32 $0xFFFFD800  }
0x1f: {  	[spmem:s3] =	stream.indirect.scatter.add.f32 [tilespmem:s24], [sflag:$0x6], $0x80, s30, s23, $0xb8;
	[tilespmem:$0x1EC00] =	vst v63  }
0x20: {  	_ =	swait.ge [sflag:s18], $0x2800  }
0x21: {  	[sflag:s18] =	ssyncset.done $0x0  }
0x22: {  	[sflag:s18] =	ssyncadd.s32 $0xFFFFD800  }
0x23: {  	_ =	swait.ge [sflag:s5], $0x2800  }
0x24: {  	[sflag:s5] =	ssyncset.done $0x0  }
0x25: {  	[sflag:s5] =	ssyncadd.s32 $0xFFFFD800  }
0x26: {  	[spmem:s3] =	stream.indirect.scatter.add.f32 [tilespmem:s26], [sflag:$0x6], $0x80, s2, s23, $0xb8;
	[tilespmem:$0x1EC00] =	vst v63  }
0x27: {  	_ =	swait.ge [sflag:s18], $0x2800  }
0x28: {  	[sflag:s18] =	ssyncset.done $0x0  }
0x29: {  	[sflag:s18] =	ssyncadd.s32 $0xFFFFD800  }
0x2a: {  	_ =	swait.ge [sflag:s9], $0x2800  }
0x2b: {  	[sflag:s9] =	ssyncset.done $0x0  }
0x2c: {  	[sflag:s9] =	ssyncadd.s32 $0xFFFFD800  }
0x2d: {  	[spmem:s3] =	stream.indirect.scatter.add.f32 [tilespmem:s29], [sflag:$0x6], $0x80, s7, s23, $0xb8;
	[tilespmem:$0x1EC00] =	vst v63  }
0x2e: {  	_ =	swait.ge [sflag:s18], $0x2800  }
0x2f: {  	[sflag:s18] =	ssyncset.done $0x0  }
0x30: {  	[sflag:s18] =	ssyncadd.s32 $0xFFFFD800  }
0x31: {  	_ =	swait.ge [sflag:s12], $0x2800  }
0x32: {  	[sflag:s12] =	ssyncset.done $0x0  }
0x33: {  	[sflag:s12] =	ssyncadd.s32 $0xFFFFD800  }
0x34: {  	[spmem:s3] =	stream.indirect.scatter.add.f32 [tilespmem:s31], [sflag:$0x6], $0x80, s8, s23, $0xb8;
	[tilespmem:$0x1EC00] =	vst v63  }
0x35: {  	_ =	swait.ge [sflag:s18], $0x2800  }
0x36: {  	[sflag:s18] =	ssyncset.done $0x0  }
0x37: {  	[sflag:s18] =	ssyncadd.s32 $0xFFFFD800  }
0x38: {  	[bflag:$0x0] =	sbarrier.arrive $0xFFFF  }
0x39: {  	s11 =	rddreg [dreg:$0x6]  }
0x3a: {  	s6 =	rddreg [dreg:$0xb]  }
0x3b: {  	s10 =	rddreg [dreg:$0xd]  }
0x3c: {  	[hbm:s6], [sflag:s11] =	dma.local [spmem:s10], $0x2780  }
0x3d: {  	_ =	swait.ge [sflag:s18], $0x2780  }
0x3e: {  	s17 =	rddreg [dreg:$0xe]  }
0x3f: {  	s6 =	rddreg [dreg:$0xc];
	s17 =	sadd.s32 $0x1, s17  }
0x40: {  	p0 =	sne.s32 s17, s6  }
.Ltmp1:
0x41: {  	_ = 	snop;
	(pc) =	sbr.rel @!p0 .LBB2_5-.Ltmp1, $3  }
0x42: {  	_ =	sdelay $0x1  }
0x43: {  	[sflag:s18] =	ssyncset.done $0x0  }
0x44: {  	[sflag:s18] =	ssyncadd.s32 $0xFFFFD880  }
.LBB2_1:
0x45: {  	[dreg:$0xe] =	wrdreg s17  }
0x46: {  	s6 =	rddreg [dreg:$0x5]  }
0x47: {  	[spmem:s10], [sflag:s11] =	dma.local [hbm:s6], $0x2780  }
0x48: {  	_ =	swait.ge [sflag:s18], $0x2780  }
0x49: {  	[sflag:s18] =	ssyncset.done $0x0  }
0x4a: {  	s10 =	rddreg [dreg:$0x7];
	[sflag:s18] =	ssyncadd.s32 $0xFFFFD880  }
0x4b: {  	[tilespmem:s4], [sflag:$0x5] =	stream.linear.gather [hbm4b:s10+s4], $0x400, $0x38;
	[tilespmem:$0x1EC00] =	vst v63  }
0x4c: {  	s17 =	simm.s32 $0x400;
	s11 =	rddreg [dreg:$0x8]  }
0x4d: {  	[tilespmem:s17], [sflag:$0x5] =	stream.linear.gather [hbm4b:s11+s4], $0x400, $0x38;
	[tilespmem:$0x1EC00] =	vst v63  }
0x4e: {  	_ =	swait.ge [sflag:s20], $0x400  }
0x4f: {  	[sflag:s20] =	ssyncset.done $0x0  }
0x50: {  	[sflag:s20] =	ssyncadd.s32 $0xFFFFFC00  }
0x51: {  	_ =	swait.ge [sflag:s20], $0x400  }
0x52: {  	[sflag:s20] =	ssyncset.done $0x0  }
0x53: {  	[sflag:s20] =	ssyncadd.s32 $0xFFFFFC00  }
0x54: {  	[bflag:$0x0] =	sbarrier.arrive $0xFFFF  }
0x55: {  	s11 =	rddreg [dreg:$0x9]  }
0x56: {  	[tilespmem:s21], [sflag:$0x5] =	stream.linear.gather [hbm4b:s11+s4], $0x400, $0x38;
	[tilespmem:$0x1EC00] =	vst v63  }
0x57: {  	s17 =	rddreg [dreg:$0xa]  }
0x58: {  	[tilespmem:s22], [sflag:$0x5] =	stream.linear.gather [hbm4b:s17+s4], $0x400, $0x38;
	[tilespmem:$0x1EC00] =	vst v63  }
0x59: {  	_ = 	snop  }
0x5a: {  	[tilespmem:s24], [sflag:$0x1] =	stream.indirect.gather [hbm4b:s0+s23], $0x80, s4, s23, $0xb8;
	[tilespmem:$0x1EC00] =	vst v63  }
0x5b: {  	s10 =	simm.s32 $0x80  }
0x5c: {  	[tilespmem:s26], [sflag:$0x2] =	stream.indirect.gather [hbm4b:s0+s23], $0x80, s10, s23, $0xb8;
	[tilespmem:$0x1EC00] =	vst v63  }
0x5d: {  	s11 =	simm.s32 $0x100  }
0x5e: {  	[tilespmem:s29], [sflag:$0x3] =	stream.indirect.gather [hbm4b:s0+s23], $0x80, s11, s23, $0xb8;
	[tilespmem:$0x1EC00] =	vst v63  }
0x5f: {  	s17 =	simm.s32 $0x180;
	s10 =	simm.s32 $0x0  }
0x60: {  	[tilespmem:s31], [sflag:$0x4] =	stream.indirect.gather [hbm4b:s0+s23], $0x80, s17, s23, $0xb8;
	[tilespmem:$0x1EC00] =	vst v63  }
.LBB2_2:
0x61: {  	_ =	swait.ge [sflag:s1], $0x2800  }
0x62: {  	[sflag:s1] =	ssyncset.done $0x0  }
0x63: {  	s6 =	simm.s32 $0x400;
	[sflag:s1] =	ssyncadd.s32 $0xFFFFD800  }
0x64: {  	[spmem:s3] =	stream.indirect.scatter.add.f32 [tilespmem:s24], [sflag:$0x6], $0x80, s6, s23, $0xb8;
	[tilespmem:$0x1EC00] =	vst v63  }
0x65: {  	_ =	swait.ge [sflag:s18], $0x2800  }
0x66: {  	[sflag:s18] =	ssyncset.done $0x0  }
0x67: {  	s11 =	simm.s32 $0x200;
	[sflag:s18] =	ssyncadd.s32 $0xFFFFD800  }
0x68: {  	[tilespmem:s24], [sflag:$0x1] =	stream.indirect.gather [hbm4b:s0+s23], $0x80, s11, s23, $0xb8;
	[tilespmem:$0x1EC00] =	vst v63  }
0x69: {  	_ =	swait.ge [sflag:s5], $0x2800  }
0x6a: {  	[sflag:s5] =	ssyncset.done $0x0  }
0x6b: {  	s17 =	simm.s32 $0x480;
	[sflag:s5] =	ssyncadd.s32 $0xFFFFD800  }
0x6c: {  	[spmem:s3] =	stream.indirect.scatter.add.f32 [tilespmem:s26], [sflag:$0x6], $0x80, s17, s23, $0xb8;
	[tilespmem:$0x1EC00] =	vst v63  }
0x6d: {  	_ =	swait.ge [sflag:s18], $0x2800  }
0x6e: {  	[sflag:s18] =	ssyncset.done $0x0  }
0x6f: {  	s11 =	simm.s32 $0x280;
	[sflag:s18] =	ssyncadd.s32 $0xFFFFD800  }
0x70: {  	[tilespmem:s26], [sflag:$0x2] =	stream.indirect.gather [hbm4b:s0+s23], $0x80, s11, s23, $0xb8;
	[tilespmem:$0x1EC00] =	vst v63  }
0x71: {  	_ =	swait.ge [sflag:s9], $0x2800  }
0x72: {  	[sflag:s9] =	ssyncset.done $0x0  }
0x73: {  	s17 =	simm.s32 $0x500;
	[sflag:s9] =	ssyncadd.s32 $0xFFFFD800  }
0x74: {  	[spmem:s3] =	stream.indirect.scatter.add.f32 [tilespmem:s29], [sflag:$0x6], $0x80, s17, s23, $0xb8;
	[tilespmem:$0x1EC00] =	vst v63  }
0x75: {  	_ =	swait.ge [sflag:s18], $0x2800  }
0x76: {  	[sflag:s18] =	ssyncset.done $0x0  }
0x77: {  	s11 =	simm.s32 $0x300;
	[sflag:s18] =	ssyncadd.s32 $0xFFFFD800  }
0x78: {  	[tilespmem:s29], [sflag:$0x3] =	stream.indirect.gather [hbm4b:s0+s23], $0x80, s11, s23, $0xb8;
	[tilespmem:$0x1EC00] =	vst v63  }
0x79: {  	_ =	swait.ge [sflag:s12], $0x2800  }
0x7a: {  	[sflag:s12] =	ssyncset.done $0x0  }
0x7b: {  	s17 =	simm.s32 $0x580;
	[sflag:s12] =	ssyncadd.s32 $0xFFFFD800  }
0x7c: {  	[spmem:s3] =	stream.indirect.scatter.add.f32 [tilespmem:s31], [sflag:$0x6], $0x80, s17, s23, $0xb8;
	[tilespmem:$0x1EC00] =	vst v63  }
0x7d: {  	_ =	swait.ge [sflag:s18], $0x2800  }
0x7e: {  	[sflag:s18] =	ssyncset.done $0x0  }
0x7f: {  	s11 =	simm.s32 $0x380;
	[sflag:s18] =	ssyncadd.s32 $0xFFFFD800  }
0x80: {  	[tilespmem:s31], [sflag:$0x4] =	stream.indirect.gather [hbm4b:s0+s23], $0x80, s11, s23, $0xb8;
	[tilespmem:$0x1EC00] =	vst v63  }
0x81: {  	_ =	swait.ge [sflag:s20], $0x400  }
0x82: {  	[sflag:s20] =	ssyncset.done $0x0  }
0x83: {  	[sflag:s20] =	ssyncadd.s32 $0xFFFFFC00  }
0x84: {  	_ =	swait.ge [sflag:s20], $0x400  }
0x85: {  	[sflag:s20] =	ssyncset.done $0x0  }
0x86: {  	[sflag:s20] =	ssyncadd.s32 $0xFFFFFC00  }
0x87: {  	_ =	swait.ge [sflag:s1], $0x2800  }
0x88: {  	[sflag:s1] =	ssyncset.done $0x0  }
0x89: {  	s17 =	simm.s32 $0x600;
	[sflag:s1] =	ssyncadd.s32 $0xFFFFD800  }
0x8a: {  	[spmem:s3] =	stream.indirect.scatter.add.f32 [tilespmem:s24], [sflag:$0x6], $0x80, s17, s23, $0xb8;
	[tilespmem:$0x1EC00] =	vst v63  }
0x8b: {  	_ =	swait.ge [sflag:s18], $0x2800  }
0x8c: {  	[sflag:s18] =	ssyncset.done $0x0  }
0x8d: {  	[sflag:s18] =	ssyncadd.s32 $0xFFFFD800  }
0x8e: {  	[tilespmem:s24], [sflag:$0x1] =	stream.indirect.gather [hbm4b:s0+s23], $0x80, s21, s23, $0xb8;
	[tilespmem:$0x1EC00] =	vst v63  }
0x8f: {  	_ =	swait.ge [sflag:s5], $0x2800  }
0x90: {  	[sflag:s5] =	ssyncset.done $0x0  }
0x91: {  	s11 =	simm.s32 $0x680;
	[sflag:s5] =	ssyncadd.s32 $0xFFFFD800  }
0x92: {  	[spmem:s3] =	stream.indirect.scatter.add.f32 [tilespmem:s26], [sflag:$0x6], $0x80, s11, s23, $0xb8;
	[tilespmem:$0x1EC00] =	vst v63  }
0x93: {  	_ =	swait.ge [sflag:s18], $0x2800  }
0x94: {  	[sflag:s18] =	ssyncset.done $0x0  }
0x95: {  	s17 =	simm.s32 $0x880;
	[sflag:s18] =	ssyncadd.s32 $0xFFFFD800  }
0x96: {  	[tilespmem:s26], [sflag:$0x2] =	stream.indirect.gather [hbm4b:s0+s23], $0x80, s17, s23, $0xb8;
	[tilespmem:$0x1EC00] =	vst v63  }
0x97: {  	_ =	swait.ge [sflag:s9], $0x2800  }
0x98: {  	[sflag:s9] =	ssyncset.done $0x0  }
0x99: {  	s11 =	simm.s32 $0x700;
	[sflag:s9] =	ssyncadd.s32 $0xFFFFD800  }
0x9a: {  	[spmem:s3] =	stream.indirect.scatter.add.f32 [tilespmem:s29], [sflag:$0x6], $0x80, s11, s23, $0xb8;
	[tilespmem:$0x1EC00] =	vst v63  }
0x9b: {  	_ =	swait.ge [sflag:s18], $0x2800  }
0x9c: {  	[sflag:s18] =	ssyncset.done $0x0  }
0x9d: {  	s17 =	simm.s32 $0x900;
	[sflag:s18] =	ssyncadd.s32 $0xFFFFD800  }
0x9e: {  	[tilespmem:s29], [sflag:$0x3] =	stream.indirect.gather [hbm4b:s0+s23], $0x80, s17, s23, $0xb8;
	[tilespmem:$0x1EC00] =	vst v63  }
0x9f: {  	_ =	swait.ge [sflag:s12], $0x2800  }
0xa0: {  	[sflag:s12] =	ssyncset.done $0x0  }
0xa1: {  	s11 =	simm.s32 $0x780;
	[sflag:s12] =	ssyncadd.s32 $0xFFFFD800  }
0xa2: {  	[spmem:s3] =	stream.indirect.scatter.add.f32 [tilespmem:s31], [sflag:$0x6], $0x80, s11, s23, $0xb8;
	[tilespmem:$0x1EC00] =	vst v63  }
0xa3: {  	_ =	swait.ge [sflag:s18], $0x2800  }
0xa4: {  	[sflag:s18] =	ssyncset.done $0x0  }
0xa5: {  	p0 =	seq.s32 s10, $0x700;
	s17 =	simm.s32 $0x980;
	[sflag:s18] =	ssyncadd.s32 $0xFFFFD800  }
0xa6: {  	[tilespmem:s31], [sflag:$0x4] =	stream.indirect.gather [hbm4b:s0+s23], $0x80, s17, s23, $0xb8;
	[tilespmem:$0x1EC00] =	vst v63  }
0xa7: {  	s6 =	simm.s32 @!p0 $0x0;
	s11 =	sadd.s32 @!p0 s10, s16  }
0xa8: {  	[tilespmem:s6], [sflag:$0x5] =	stream.linear.gather @!p0 [hbm4b:s11+s6], $0x400, $0x38;
	[tilespmem:$0x1EC00] =	vst v63  }
0xa9: {  	s17 =	simm.s32 @!p0 $0x400;
	s11 =	sadd.s32 @!p0 s10, s15  }
0xaa: {  	[tilespmem:s17], [sflag:$0x5] =	stream.linear.gather @!p0 [hbm4b:s11+s6], $0x400, $0x38;
	[tilespmem:$0x1EC00] =	vst v63  }
0xab: {  	_ =	swait.ge [sflag:s1], $0x2800  }
0xac: {  	[sflag:s1] =	ssyncset.done $0x0  }
0xad: {  	[sflag:s1] =	ssyncadd.s32 $0xFFFFD800  }
0xae: {  	[spmem:s3] =	stream.indirect.scatter.add.f32 [tilespmem:s24], [sflag:$0x6], $0x80, s22, s23, $0xb8;
	[tilespmem:$0x1EC00] =	vst v63  }
0xaf: {  	_ =	swait.ge [sflag:s18], $0x2800  }
0xb0: {  	[sflag:s18] =	ssyncset.done $0x0  }
0xb1: {  	s11 =	simm.s32 $0xA00;
	[sflag:s18] =	ssyncadd.s32 $0xFFFFD800  }
0xb2: {  	[tilespmem:s24], [sflag:$0x1] =	stream.indirect.gather [hbm4b:s0+s23], $0x80, s11, s23, $0xb8;
	[tilespmem:$0x1EC00] =	vst v63  }
0xb3: {  	_ =	swait.ge [sflag:s5], $0x2800  }
0xb4: {  	[sflag:s5] =	ssyncset.done $0x0  }
0xb5: {  	s17 =	simm.s32 $0xC80;
	[sflag:s5] =	ssyncadd.s32 $0xFFFFD800  }
0xb6: {  	[spmem:s3] =	stream.indirect.scatter.add.f32 [tilespmem:s26], [sflag:$0x6], $0x80, s17, s23, $0xb8;
	[tilespmem:$0x1EC00] =	vst v63  }
0xb7: {  	_ =	swait.ge [sflag:s18], $0x2800  }
0xb8: {  	[sflag:s18] =	ssyncset.done $0x0  }
0xb9: {  	s11 =	simm.s32 $0xA80;
	[sflag:s18] =	ssyncadd.s32 $0xFFFFD800  }
0xba: {  	[tilespmem:s26], [sflag:$0x2] =	stream.indirect.gather [hbm4b:s0+s23], $0x80, s11, s23, $0xb8;
	[tilespmem:$0x1EC00] =	vst v63  }
0xbb: {  	_ =	swait.ge [sflag:s9], $0x2800  }
0xbc: {  	[sflag:s9] =	ssyncset.done $0x0  }
0xbd: {  	s17 =	simm.s32 $0xD00;
	[sflag:s9] =	ssyncadd.s32 $0xFFFFD800  }
0xbe: {  	[spmem:s3] =	stream.indirect.scatter.add.f32 [tilespmem:s29], [sflag:$0x6], $0x80, s17, s23, $0xb8;
	[tilespmem:$0x1EC00] =	vst v63  }
0xbf: {  	_ =	swait.ge [sflag:s18], $0x2800  }
0xc0: {  	[sflag:s18] =	ssyncset.done $0x0  }
0xc1: {  	[sflag:s18] =	ssyncadd.s32 $0xFFFFD800  }
0xc2: {  	[tilespmem:s29], [sflag:$0x3] =	stream.indirect.gather [hbm4b:s0+s23], $0x80, s25, s23, $0xb8;
	[tilespmem:$0x1EC00] =	vst v63  }
0xc3: {  	_ =	swait.ge [sflag:s12], $0x2800  }
0xc4: {  	[sflag:s12] =	ssyncset.done $0x0  }
0xc5: {  	[sflag:s12] =	ssyncadd.s32 $0xFFFFD800  }
0xc6: {  	[spmem:s3] =	stream.indirect.scatter.add.f32 [tilespmem:s31], [sflag:$0x6], $0x80, s28, s23, $0xb8;
	[tilespmem:$0x1EC00] =	vst v63  }
.Ltmp2:
0xc7: {  	_ = 	snop;
	(pc) =	sbr.rel @p0 .LBB2_4-.Ltmp2, $4  }
0xc8: {  	_ =	swait.ge [sflag:s18], $0x2800  }
0xc9: {  	[sflag:s18] =	ssyncset.done $0x0  }
0xca: {  	[sflag:s18] =	ssyncadd.s32 $0xFFFFD800  }
0xcb: {  	[tilespmem:s31], [sflag:$0x4] =	stream.indirect.gather [hbm4b:s0+s23], $0x80, s19, s23, $0xb8;
	[tilespmem:$0x1EC00] =	vst v63  }
0xcc: {  	_ =	swait.ge [sflag:s20], $0x400  }
0xcd: {  	[sflag:s20] =	ssyncset.done $0x0  }
0xce: {  	[sflag:s20] =	ssyncadd.s32 $0xFFFFFC00  }
0xcf: {  	_ =	swait.ge [sflag:s20], $0x400  }
0xd0: {  	[sflag:s20] =	ssyncset.done $0x0  }
0xd1: {  	[sflag:s20] =	ssyncadd.s32 $0xFFFFFC00  }
0xd2: {  	_ =	swait.ge [sflag:s1], $0x2800  }
0xd3: {  	[sflag:s1] =	ssyncset.done $0x0  }
0xd4: {  	[sflag:s1] =	ssyncadd.s32 $0xFFFFD800  }
0xd5: {  	[spmem:s3] =	stream.indirect.scatter.add.f32 [tilespmem:s24], [sflag:$0x6], $0x80, s30, s23, $0xb8;
	[tilespmem:$0x1EC00] =	vst v63  }
0xd6: {  	_ =	swait.ge [sflag:s18], $0x2800  }
0xd7: {  	[sflag:s18] =	ssyncset.done $0x0  }
0xd8: {  	[sflag:s18] =	ssyncadd.s32 $0xFFFFD800  }
0xd9: {  	[tilespmem:s24], [sflag:$0x1] =	stream.indirect.gather [hbm4b:s0+s23], $0x80, s4, s23, $0xb8;
	[tilespmem:$0x1EC00] =	vst v63  }
0xda: {  	_ =	swait.ge [sflag:s5], $0x2800  }
0xdb: {  	[sflag:s5] =	ssyncset.done $0x0  }
0xdc: {  	[sflag:s5] =	ssyncadd.s32 $0xFFFFD800  }
0xdd: {  	[spmem:s3] =	stream.indirect.scatter.add.f32 [tilespmem:s26], [sflag:$0x6], $0x80, s2, s23, $0xb8;
	[tilespmem:$0x1EC00] =	vst v63  }
0xde: {  	_ =	swait.ge [sflag:s18], $0x2800  }
0xdf: {  	[sflag:s18] =	ssyncset.done $0x0  }
0xe0: {  	s6 =	simm.s32 $0x80;
	[sflag:s18] =	ssyncadd.s32 $0xFFFFD800  }
0xe1: {  	[tilespmem:s26], [sflag:$0x2] =	stream.indirect.gather [hbm4b:s0+s23], $0x80, s6, s23, $0xb8;
	[tilespmem:$0x1EC00] =	vst v63  }
0xe2: {  	_ =	swait.ge [sflag:s9], $0x2800  }
0xe3: {  	[sflag:s9] =	ssyncset.done $0x0  }
0xe4: {  	[sflag:s9] =	ssyncadd.s32 $0xFFFFD800  }
0xe5: {  	[spmem:s3] =	stream.indirect.scatter.add.f32 [tilespmem:s29], [sflag:$0x6], $0x80, s7, s23, $0xb8;
	[tilespmem:$0x1EC00] =	vst v63  }
0xe6: {  	_ =	swait.ge [sflag:s18], $0x2800  }
0xe7: {  	[sflag:s18] =	ssyncset.done $0x0  }
0xe8: {  	s11 =	simm.s32 $0x100;
	[sflag:s18] =	ssyncadd.s32 $0xFFFFD800  }
0xe9: {  	[tilespmem:s29], [sflag:$0x3] =	stream.indirect.gather [hbm4b:s0+s23], $0x80, s11, s23, $0xb8;
	[tilespmem:$0x1EC00] =	vst v63  }
0xea: {  	_ =	swait.ge [sflag:s12], $0x2800  }
0xeb: {  	[sflag:s12] =	ssyncset.done $0x0  }
0xec: {  	[sflag:s12] =	ssyncadd.s32 $0xFFFFD800  }
0xed: {  	[spmem:s3] =	stream.indirect.scatter.add.f32 [tilespmem:s31], [sflag:$0x6], $0x80, s8, s23, $0xb8;
	[tilespmem:$0x1EC00] =	vst v63  }
0xee: {  	_ =	swait.ge [sflag:s18], $0x2800  }
0xef: {  	[sflag:s18] =	ssyncset.done $0x0  }
0xf0: {  	s17 =	simm.s32 $0x180;
	[sflag:s18] =	ssyncadd.s32 $0xFFFFD800  }
0xf1: {  	[tilespmem:s31], [sflag:$0x4] =	stream.indirect.gather [hbm4b:s0+s23], $0x80, s17, s23, $0xb8;
	[tilespmem:$0x1EC00] =	vst v63  }
.Ltmp3:
0xf2: {  	_ = 	snop;
	(pc) =	sbr.rel .LBB2_2-.Ltmp3, $4  }
0xf3: {  	s11 =	sadd.s32 s10, s14  }
0xf4: {  	[tilespmem:s21], [sflag:$0x5] =	stream.linear.gather [hbm4b:s11+s4], $0x400, $0x38;
	[tilespmem:$0x1EC00] =	vst v63  }
0xf5: {  	s17 =	sadd.s32 s10, s13;
	s10 =	sadd.s32 $0x100, s10  }
0xf6: {  	[tilespmem:s22], [sflag:$0x5] =	stream.linear.gather [hbm4b:s17+s4], $0x400, $0x38;
	[tilespmem:$0x1EC00] =	vst v63  }
.LBB2_5:
0xf7: {  	_ =	sfence.sel $0x180000  }
0xf8: {  	[bflag:$0x0] =	sbarrier.arrive $0xFFFF  }
0xf9: {  	_ =	strace $0x90000047  }
0xfa: {  	s0 =	stileid.u32;
	[bflag:$0x2] =	sbarrier.arrive $0xFFFF  }
0xfb: {  	p0 =	sne.s32 s0, $0x0;
	s0 =	rddreg [dreg:$0x4]  }
0xfc: {  	s0 =	sadd.s32 @!p0 $0x100000, s0  }
0xfd: {  	[sflag:s0] =	ssyncadd.tile.s32 @!p0 $0x1;
	_ =	shalt  }
.Lfunc_end2:
_tile_overlayer_lowered:
.L_overlay_start_2:
0xfe: {  	(tag) =	ssettag $0x2  }
0xff: {  	s0 =	rddreg [dreg:$0x0];
	s2 =	stileid.u32  }
0x100: {  	s1 =	rddreg [dreg:$0x1];
	p0 =	sne.s32 s2, $0x0  }
0x101: {  	s3 =	rddreg [dreg:$0x2];
	[bflag:$0x3] =	sbarrier.arrive $0xFFFF;
	s2 =	simm.s32 @!p0 $0x1C06  }
0x102: {  	[timem:s3], [sflag:s2] =	dma.local @!p0 [hbm:s0], s1  }
0x103: {  	s0 =	simm.s32 @!p0 $0x6  }
0x104: {  	_ =	swait.ge @!p0 [sflag:s0], s1  }
0x105: {  	s1 =	ssub.s32 @!p0 $0x0, s1;
	[sflag:s0] =	ssyncset.done @!p0 $0x0  }
0x106: {  	[sflag:s0] =	ssyncadd.s32 @!p0 s1  }
0x107: {  	[bflag:$0x3] =	sbarrier.arrive $0xFFFF  }
0x108: {  	_ =	shalt  }

</sc_bundles>
